<compile_context>
chip_gen: v7x
topology: tpu7x:2x2x1
jax: 0.10.2.dev20260603
libtpu: 0.0.44.dev20260713+nightly
codegen_flags: <defaults>
</compile_context>

<pallas_src>
import jax
import jax.numpy as jnp
from jax import lax
from jax.experimental import pallas as pl
from jax.experimental.pallas import tpu as pltpu
from jax.experimental.pallas import tpu_sc as plsc

N = 10000
E = 320000
F = 128
H1 = 128
H2 = 32
LAT = 32
NU = 64
G = 16

NC = 2
NS = 16
NW = NC * NS
CH = 80
EP1 = E // NS
EP2 = E // NW
NCH1 = EP1 // CH
NCH2 = EP2 // CH
NPAD = 10240
RPT = NPAD // NS
ZR = 128
HF = F // 2
NBUF = 5

_f32 = jnp.float32
_bf16 = jnp.bfloat16
_MESH = plsc.VectorSubcoreMesh(core_axis_name="c", subcore_axis_name="s")
_SC_PARAMS = pltpu.CompilerParams(use_tc_tiling_on_sc=False)


def _sc1_body(x0_hbm, x1_hbm, src_hbm, dst_hbm, agg_out, cnt_out,
              src_v, dst_v, rows_v, zbuf, ones_v, z16, agg_sh, cnt_sh, *sems):
  c = lax.axis_index("c")
  s = lax.axis_index("s")

  pltpu.sync_copy(src_hbm.at[s], src_v)
  pltpu.sync_copy(dst_hbm.at[s], dst_v)

  zrow = jnp.zeros((16,), _f32)
  zrow_b = jnp.zeros((32,), _bf16)
  orow = jnp.ones((16,), _f32)

  @pl.loop(0, ZR)
  def _(i):
    for j in range(HF // 32):
      zbuf[i, pl.ds(j * 32, 32)] = zrow_b
    z16[i] = zrow

  @pl.loop(0, CH)
  def _(i):
    ones_v[i] = orow

  for k in range(RPT // ZR):
    off = s * RPT + k * ZR
    pltpu.sync_copy(zbuf, agg_sh.at[pl.ds(off, ZR)])
    pltpu.sync_copy(z16, cnt_sh.at[pl.ds(off, ZR)])

  plsc.subcore_barrier()

  gsems = sems[:NBUF]
  ssems = sems[NBUF:]

  def edge_loop(xref, cnt_lo, cnt_hi):
    for b in range(NBUF):
      pltpu.async_copy(xref.at[src_v.at[b]], rows_v.at[b], gsems[b])

    @pl.loop(0, NCH1, step=NBUF)
    def _(i):
      for b in range(NBUF):
        ch = i + b
        pb = (b - 1) % NBUF
        pltpu.make_async_copy(xref.at[src_v.at[0]], rows_v.at[b], gsems[b]).wait()
        pltpu.async_copy(rows_v.at[b], agg_sh.at[dst_v.at[ch]], ssems[b],
                         add=True)

        @pl.when((ch >= cnt_lo) & (ch < cnt_hi))
        def _():
          pltpu.sync_copy(ones_v, cnt_sh.at[dst_v.at[ch]], add=True)

        @pl.when(ch >= 1)
        def _():
          pltpu.make_async_copy(
              rows_v.at[pb], agg_sh.at[dst_v.at[0]], ssems[pb]).wait()

        @pl.when((ch >= 1) & (ch - 1 + NBUF < NCH1))
        def _():
          pltpu.async_copy(
              xref.at[src_v.at[ch - 1 + NBUF]], rows_v.at[pb], gsems[pb])

    pltpu.make_async_copy(
        rows_v.at[(NCH1 - 1) % NBUF], agg_sh.at[dst_v.at[0]],
        ssems[(NCH1 - 1) % NBUF]).wait()

  @pl.when(c == 0)
  def _():
    edge_loop(x0_hbm, 0, NCH1 // 2)

  @pl.when(c == 1)
  def _():
    edge_loop(x1_hbm, NCH1 // 2, NCH1)

  plsc.subcore_barrier()

  row0 = s * RPT
  pltpu.sync_copy(agg_sh.at[pl.ds(row0, RPT)], agg_out.at[c, pl.ds(row0, RPT)])
  pltpu.sync_copy(cnt_sh.at[pl.ds(row0, RPT)], cnt_out.at[c, pl.ds(row0, RPT)])


_sc_agg1 = pl.kernel(
    _sc1_body,
    out_type=[
        jax.ShapeDtypeStruct((NC, NPAD, HF), _bf16),
        jax.ShapeDtypeStruct((NC, NPAD, 16), _f32),
    ],
    mesh=_MESH,
    scratch_types=[
        pltpu.VMEM((NCH1, CH), jnp.int32),
        pltpu.VMEM((NCH1, CH), jnp.int32),
        pltpu.VMEM((NBUF, CH, HF), _bf16),
        pltpu.VMEM((ZR, HF), _bf16),
        pltpu.VMEM((CH, 16), _f32),
        pltpu.VMEM((ZR, 16), _f32),
        pltpu.VMEM_SHARED((NPAD, HF), _bf16),
        pltpu.VMEM_SHARED((NPAD, 16), _f32),
    ] + [pltpu.SemaphoreType.DMA] * (2 * NBUF),
    compiler_params=_SC_PARAMS,
)


def _sc2_body(y_hbm, src_hbm, dst_hbm, agg_out,
              src_v, dst_v, rows_v, zbuf, agg_sh, *sems):
  c = lax.axis_index("c")
  s = lax.axis_index("s")
  wid = c * NS + s

  pltpu.sync_copy(src_hbm.at[wid], src_v)
  pltpu.sync_copy(dst_hbm.at[wid], dst_v)

  zrow_b = jnp.zeros((32,), _bf16)

  @pl.loop(0, ZR)
  def _(i):
    for j in range(H2 // 32):
      zbuf[i, pl.ds(j * 32, 32)] = zrow_b

  for k in range(RPT // ZR):
    pltpu.sync_copy(zbuf, agg_sh.at[pl.ds(s * RPT + k * ZR, ZR)])

  plsc.subcore_barrier()

  gsems = sems[:NBUF]
  ssems = sems[NBUF:]

  for b in range(NBUF):
    pltpu.async_copy(y_hbm.at[src_v.at[b]], rows_v.at[b], gsems[b])

  @pl.loop(0, NCH2, step=NBUF)
  def _(i):
    for b in range(NBUF):
      ch = i + b
      pb = (b - 1) % NBUF
      pltpu.make_async_copy(y_hbm.at[src_v.at[0]], rows_v.at[b], gsems[b]).wait()
      pltpu.async_copy(rows_v.at[b], agg_sh.at[dst_v.at[ch]], ssems[b], add=True)

      @pl.when(ch >= 1)
      def _():
        pltpu.make_async_copy(
            rows_v.at[pb], agg_sh.at[dst_v.at[0]], ssems[pb]).wait()

      @pl.when((ch >= 1) & (ch - 1 + NBUF < NCH2))
      def _():
        pltpu.async_copy(
            y_hbm.at[src_v.at[ch - 1 + NBUF]], rows_v.at[pb], gsems[pb])

  pltpu.make_async_copy(
      rows_v.at[(NCH2 - 1) % NBUF], agg_sh.at[dst_v.at[0]],
      ssems[(NCH2 - 1) % NBUF]).wait()

  plsc.subcore_barrier()

  row0 = s * RPT
  pltpu.sync_copy(agg_sh.at[pl.ds(row0, RPT)], agg_out.at[c, pl.ds(row0, RPT)])


_sc_agg2 = pl.kernel(
    _sc2_body,
    out_type=[jax.ShapeDtypeStruct((NC, NPAD, H2), _bf16)],
    mesh=_MESH,
    scratch_types=[
        pltpu.VMEM((NCH2, CH), jnp.int32),
        pltpu.VMEM((NCH2, CH), jnp.int32),
        pltpu.VMEM((NBUF, CH, H2), _bf16),
        pltpu.VMEM((ZR, H2), _bf16),
        pltpu.VMEM_SHARED((NPAD, H2), _bf16),
    ] + [pltpu.SemaphoreType.DMA] * (2 * NBUF),
    compiler_params=_SC_PARAMS,
)


def _relu(v):
  return jnp.maximum(v, 0.0)


def _leaky(v):
  return jnp.where(v > 0, v, 0.1 * v)


def _tc1_body(a_ref, c_ref, x_ref, wl1_ref, bl1_ref, wr1_ref,
              wl2_ref, bl2_ref, wr2_ref, y_ref, r_ref, ic_ref):
  agg = jnp.concatenate([a_ref[0, 0:N, :], a_ref[1, 0:N, :]], axis=1).astype(_f32)
  cnt = c_ref[0, 0:N, 0:1] + c_ref[1, 0:N, 0:1]
  inv_cnt = 1.0 / jnp.maximum(cnt, 1.0)
  mean = agg * inv_cnt
  h = _relu(
      jnp.dot(mean, wl1_ref[...], preferred_element_type=_f32)
      + bl1_ref[...]
      + jnp.dot(x_ref[...], wr1_ref[...], preferred_element_type=_f32))
  y_ref[...] = jnp.dot(h, wl2_ref[...], preferred_element_type=_f32).astype(_bf16)
  r_ref[...] = jnp.dot(h, wr2_ref[...], preferred_element_type=_f32) + bl2_ref[...]
  ic_ref[...] = inv_cnt


_tc1 = pl.pallas_call(
    _tc1_body,
    out_shape=[
        jax.ShapeDtypeStruct((N, H2), _bf16),
        jax.ShapeDtypeStruct((N, H2), _f32),
        jax.ShapeDtypeStruct((N, 1), _f32),
    ],
)


def _tc2_body(a_ref, ic_ref, r_ref, b_ref,
              wlin1_ref, blin1_ref, wlin2_ref, blin2_ref,
              wd1_ref, bd1_ref, wd2_ref, bd2_ref, wd3_ref, bd3_ref,
              enc_ref, z_ref):
  agg = a_ref[0, 0:N, :].astype(_f32) + a_ref[1, 0:N, :].astype(_f32)
  h2 = _relu(agg * ic_ref[...] + r_ref[...])
  gids = lax.broadcasted_iota(jnp.int32, (1, G), 1)
  onehot = (b_ref[...] == gids).astype(_f32)
  dn = (((0,), (0,)), ((), ()))
  pooled = lax.dot_general(onehot, h2, dn, preferred_element_type=_f32)
  ones_col = jnp.full((N, 1), 1.0, _f32)
  gcnt = lax.dot_general(onehot, ones_col, dn, preferred_element_type=_f32)
  ge = pooled / jnp.maximum(gcnt, 1.0)
  ge = _relu(jnp.dot(ge, wlin1_ref[...], preferred_element_type=_f32) + blin1_ref[...])
  enc = _leaky(jnp.dot(ge, wlin2_ref[...], preferred_element_type=_f32) + blin2_ref[...])
  z = _leaky(jnp.dot(enc, wd1_ref[...], preferred_element_type=_f32) + bd1_ref[...])
  z = _leaky(jnp.dot(z, wd2_ref[...], preferred_element_type=_f32) + bd2_ref[...])
  z = jnp.dot(z, wd3_ref[...], preferred_element_type=_f32) + bd3_ref[...]
  enc_ref[...] = enc
  z_ref[...] = z


_tc2 = pl.pallas_call(
    _tc2_body,
    out_shape=[
        jax.ShapeDtypeStruct((G, LAT), _f32),
        jax.ShapeDtypeStruct((G, NU), _f32),
    ],
)


@jax.jit
def kernel(x, edge_index, batch, Wl1, bl1, Wr1, Wl2, bl2, Wr2,
           W_lin1, b_lin1, W_lin2, b_lin2, Wd1, bd1, Wd2, bd2, Wd3, bd3):
  src = edge_index[0]
  dst = edge_index[1]

  src1 = src.reshape(NS, NCH1, CH)
  dst1 = dst.reshape(NS, NCH1, CH)
  src2 = src.reshape(NW, NCH2, CH)
  dst2 = dst.reshape(NW, NCH2, CH)

  xb = x.astype(_bf16)
  agg1p, cnt = _sc_agg1(xb[:, :HF], xb[:, HF:], src1, dst1)
  y, r, inv_cnt = _tc1(agg1p, cnt, x,
                       Wl1, bl1.reshape(1, H1), Wr1,
                       Wl2, bl2.reshape(1, H2), Wr2)
  (agg2p,) = _sc_agg2(y, src2, dst2)
  encoded, z = _tc2(agg2p, inv_cnt, r, batch.reshape(N, 1),
                    W_lin1, b_lin1.reshape(1, 32),
                    W_lin2, b_lin2.reshape(1, LAT),
                    Wd1, bd1.reshape(1, 32),
                    Wd2, bd2.reshape(1, 32),
                    Wd3, bd3.reshape(1, NU))
  return (encoded, z)

# --- scband reference (transcript-rebuilt; emitter-appended) ---
"""Pipeline reference for scband-autoencoder-48326972015099 (READ-ONLY COPY).

The authoritative reference and input builder live on the scoring server;
editing this copy changes nothing except your own understanding.
"""

import jax, jax.numpy as jnp
import numpy as np

N = 10000
E = 320000
F = 128
H1 = 128
H2 = 32
LAT = 32
NU = 64
G = 16


def _xavier(key, shape):
    fan_in, fan_out = shape[0], shape[1]
    limit = float(np.sqrt(6.0 / (fan_in + fan_out)))
    return jax.random.uniform(key, shape, dtype=jnp.float32, minval=-limit, maxval=limit)


def setup_inputs(seed: int = 0) -> dict:
    key = jax.random.key(seed)
    ks = jax.random.split(key, 20)
    x = jax.random.normal(ks[0], (N, F), dtype=jnp.float32)
    edge_index = jax.random.randint(ks[1], (2, E), 0, N, dtype=jnp.int32)
    batch = jnp.sort(jax.random.randint(ks[2], (N,), 0, G, dtype=jnp.int32))
    return {
        "x": x,
        "edge_index": edge_index,
        "batch": batch,
        # SAGEConv1 (in=F, out=H1): lin_l (aggregated, with bias), lin_r (root, no bias)
        "Wl1": _xavier(ks[3], (F, H1)), "bl1": jnp.zeros((H1,), jnp.float32), "Wr1": _xavier(ks[4], (F, H1)),
        # SAGEConv2 (in=H1, out=H2)
        "Wl2": _xavier(ks[5], (H1, H2)), "bl2": jnp.zeros((H2,), jnp.float32), "Wr2": _xavier(ks[6], (H1, H2)),
        # encoder lin1 / lin2
        "W_lin1": _xavier(ks[7], (H2, 32)), "b_lin1": jnp.zeros((32,), jnp.float32),
        "W_lin2": _xavier(ks[8], (32, LAT)), "b_lin2": jnp.zeros((LAT,), jnp.float32),
        # decoder
        "Wd1": _xavier(ks[9], (LAT, 32)), "bd1": jnp.zeros((32,), jnp.float32),
        "Wd2": _xavier(ks[10], (32, 32)), "bd2": jnp.zeros((32,), jnp.float32),
        "Wd3": _xavier(ks[11], (32, NU)), "bd3": jnp.zeros((NU,), jnp.float32),
    }


def _sage_conv(x, edge_index, Wl, bl, Wr):
    # PyG SAGEConv with mean aggregation:
    # out = lin_l(mean_{j in N(i)} x_j) + lin_r(x_i)
    src = edge_index[0]
    dst = edge_index[1]
    n = x.shape[0]
    msg = jnp.take(x, src, axis=0)
    agg = jax.ops.segment_sum(msg, dst, num_segments=n)
    cnt = jax.ops.segment_sum(jnp.ones((msg.shape[0],), jnp.float32), dst, num_segments=n)
    mean = agg / jnp.clip(cnt, 1.0, None)[:, None]
    return mean @ Wl + bl + x @ Wr


def _leaky(z):
    return jnp.where(z > 0, z, 0.1 * z)


def reference(x, edge_index, batch, Wl1, bl1, Wr1, Wl2, bl2, Wr2,
              W_lin1, b_lin1, W_lin2, b_lin2, Wd1, bd1, Wd2, bd2, Wd3, bd3):
    # Encoder (Net)
    h = jax.nn.relu(_sage_conv(x, edge_index, Wl1, bl1, Wr1))
    h = jax.nn.relu(_sage_conv(h, edge_index, Wl2, bl2, Wr2))
    # global_mean_pool
    pooled_sum = jax.ops.segment_sum(h, batch, num_segments=G)
    counts = jax.ops.segment_sum(jnp.ones((h.shape[0],), jnp.float32), batch, num_segments=G)
    ge = pooled_sum / jnp.clip(counts, 1.0, None)[:, None]
    ge = jax.nn.relu(ge @ W_lin1 + b_lin1)
    encoded = _leaky(ge @ W_lin2 + b_lin2)
    # Decoder
    z = _leaky(encoded @ Wd1 + bd1)
    z = _leaky(z @ Wd2 + bd2)
    z = z @ Wd3 + bd3
    # z.shape[0] == G == 16, so no reshape branch
    return (encoded, z)

if __name__ == "__main__":
    import jax
    _d = setup_inputs()
    print(jax.jit(kernel)(*tuple(_d.values())))

</pallas_src>

<mosaic_0001>
#map = affine_map<(d0, d1) -> (0, 0)>
#map1 = affine_map<(d0, d1) -> (0, 0, 0)>
module attributes {stable_mosaic.version = 14 : i64} {
  func.func @_sc1_body(%arg0: i32, %arg1: i32, %arg2: memref<10000x64xbf16, #tpu.memory_space<hbm>>, %arg3: memref<10000x64xbf16, #tpu.memory_space<hbm>>, %arg4: memref<16x250x80xi32, #tpu.memory_space<hbm>>, %arg5: memref<16x250x80xi32, #tpu.memory_space<hbm>>, %arg6: memref<2x10240x64xbf16, #tpu.memory_space<hbm>>, %arg7: memref<2x10240x16xf32, #tpu.memory_space<hbm>>, %arg8: memref<250x80xi32, #tpu.memory_space<vmem>>, %arg9: memref<250x80xi32, #tpu.memory_space<vmem>>, %arg10: memref<5x80x64xbf16, #tpu.memory_space<vmem>>, %arg11: memref<128x64xbf16, #tpu.memory_space<vmem>>, %arg12: memref<80x16xf32, #tpu.memory_space<vmem>>, %arg13: memref<128x16xf32, #tpu.memory_space<vmem>>, %arg14: memref<10240x64xbf16, #tpu.memory_space<vmem_shared>>, %arg15: memref<10240x16xf32, #tpu.memory_space<vmem_shared>>, %arg16: memref<!tpu.dma_semaphore, #tpu.memory_space<semaphore_mem>>, %arg17: memref<!tpu.dma_semaphore, #tpu.memory_space<semaphore_mem>>, %arg18: memref<!tpu.dma_semaphore, #tpu.memory_space<semaphore_mem>>, %arg19: memref<!tpu.dma_semaphore, #tpu.memory_space<semaphore_mem>>, %arg20: memref<!tpu.dma_semaphore, #tpu.memory_space<semaphore_mem>>, %arg21: memref<!tpu.dma_semaphore, #tpu.memory_space<semaphore_mem>>, %arg22: memref<!tpu.dma_semaphore, #tpu.memory_space<semaphore_mem>>, %arg23: memref<!tpu.dma_semaphore, #tpu.memory_space<semaphore_mem>>, %arg24: memref<!tpu.dma_semaphore, #tpu.memory_space<semaphore_mem>>, %arg25: memref<!tpu.dma_semaphore, #tpu.memory_space<semaphore_mem>>) attributes {dimension_semantics = [#tpu.dimension_semantics<core_parallel>, #tpu.dimension_semantics<subcore_parallel>], iteration_bounds = array<i64: 2, 16>, scalar_prefetch = 0 : i64, scratch_operands = 18 : i64, tpu.core_type = #tpu.core_type<sc_vector_subcore>, window_params = [{transform_indices = #map}, {transform_indices = #map}, {transform_indices = #map1}, {transform_indices = #map1}, {transform_indices = #map1}, {transform_indices = #map1}]} {
    "tpu.region"() ({
      %run_scoped3A = tpu.sem_alloc : memref<!tpu.dma_semaphore, #tpu.memory_space<semaphore_mem>>
      %dma_start3A = arith.constant 0 : i32
      %dma_start3A_42 = arith.constant 0 : i32
      %dma_start3A_43 = tpu.memref_slice %arg4[%arg1, %dma_start3A, %dma_start3A_42] : memref<16x250x80xi32, #tpu.memory_space<hbm>> -> memref<1x250x80xi32, #tpu.memory_space<hbm>>
      %dma_start3A_44 = tpu.memref_squeeze %dma_start3A_43 : memref<1x250x80xi32, #tpu.memory_space<hbm>> -> memref<250x80xi32, #tpu.memory_space<hbm>>
      %dma_start3A_45 = arith.constant 0 : i32
      %dma_start3A_46 = arith.constant 0 : i32
      %dma_start3A_47 = tpu.memref_slice %arg4[%arg1, %dma_start3A_45, %dma_start3A_46] : memref<16x250x80xi32, #tpu.memory_space<hbm>> -> memref<1x250x80xi32, #tpu.memory_space<hbm>>
      %dma_start3A_48 = tpu.memref_squeeze %dma_start3A_47 : memref<1x250x80xi32, #tpu.memory_space<hbm>> -> memref<250x80xi32, #tpu.memory_space<hbm>>
      tpu.enqueue_dma source(%dma_start3A_48 : memref<250x80xi32, #tpu.memory_space<hbm>>) target(%arg8 : memref<250x80xi32, #tpu.memory_space<vmem>>) target_semaphore(%run_scoped3A : memref<!tpu.dma_semaphore, #tpu.memory_space<semaphore_mem>>)
      %dma_wait3A = arith.constant 0 : i32
      %dma_wait3A_49 = arith.constant 0 : i32
      %dma_wait3A_50 = tpu.memref_slice %arg4[%arg1, %dma_wait3A, %dma_wait3A_49] : memref<16x250x80xi32, #tpu.memory_space<hbm>> -> memref<1x250x80xi32, #tpu.memory_space<hbm>>
      %dma_wait3A_51 = tpu.memref_squeeze %dma_wait3A_50 : memref<1x250x80xi32, #tpu.memory_space<hbm>> -> memref<250x80xi32, #tpu.memory_space<hbm>>
      %dma_wait3A_52 = arith.constant 0 : i32
      %dma_wait3A_53 = arith.constant 0 : i32
      %dma_wait3A_54 = tpu.memref_slice %arg4[%arg1, %dma_wait3A_52, %dma_wait3A_53] : memref<16x250x80xi32, #tpu.memory_space<hbm>> -> memref<1x250x80xi32, #tpu.memory_space<hbm>>
      %dma_wait3A_55 = tpu.memref_squeeze %dma_wait3A_54 : memref<1x250x80xi32, #tpu.memory_space<hbm>> -> memref<250x80xi32, #tpu.memory_space<hbm>>
      tpu.wait_dma2 semaphore(%run_scoped3A : memref<!tpu.dma_semaphore, #tpu.memory_space<semaphore_mem>>) src(%dma_wait3A_55 : memref<250x80xi32, #tpu.memory_space<hbm>>) dst(%arg8 : memref<250x80xi32, #tpu.memory_space<vmem>>)
      tpu.yield
    }) : () -> ()
    "tpu.region"() ({
      %run_scoped3A = tpu.sem_alloc : memref<!tpu.dma_semaphore, #tpu.memory_space<semaphore_mem>>
      %dma_start3A = arith.constant 0 : i32
      %dma_start3A_42 = arith.constant 0 : i32
      %dma_start3A_43 = tpu.memref_slice %arg5[%arg1, %dma_start3A, %dma_start3A_42] : memref<16x250x80xi32, #tpu.memory_space<hbm>> -> memref<1x250x80xi32, #tpu.memory_space<hbm>>
      %dma_start3A_44 = tpu.memref_squeeze %dma_start3A_43 : memref<1x250x80xi32, #tpu.memory_space<hbm>> -> memref<250x80xi32, #tpu.memory_space<hbm>>
      %dma_start3A_45 = arith.constant 0 : i32
      %dma_start3A_46 = arith.constant 0 : i32
      %dma_start3A_47 = tpu.memref_slice %arg5[%arg1, %dma_start3A_45, %dma_start3A_46] : memref<16x250x80xi32, #tpu.memory_space<hbm>> -> memref<1x250x80xi32, #tpu.memory_space<hbm>>
      %dma_start3A_48 = tpu.memref_squeeze %dma_start3A_47 : memref<1x250x80xi32, #tpu.memory_space<hbm>> -> memref<250x80xi32, #tpu.memory_space<hbm>>
      tpu.enqueue_dma source(%dma_start3A_48 : memref<250x80xi32, #tpu.memory_space<hbm>>) target(%arg9 : memref<250x80xi32, #tpu.memory_space<vmem>>) target_semaphore(%run_scoped3A : memref<!tpu.dma_semaphore, #tpu.memory_space<semaphore_mem>>)
      %dma_wait3A = arith.constant 0 : i32
      %dma_wait3A_49 = arith.constant 0 : i32
      %dma_wait3A_50 = tpu.memref_slice %arg5[%arg1, %dma_wait3A, %dma_wait3A_49] : memref<16x250x80xi32, #tpu.memory_space<hbm>> -> memref<1x250x80xi32, #tpu.memory_space<hbm>>
      %dma_wait3A_51 = tpu.memref_squeeze %dma_wait3A_50 : memref<1x250x80xi32, #tpu.memory_space<hbm>> -> memref<250x80xi32, #tpu.memory_space<hbm>>
      %dma_wait3A_52 = arith.constant 0 : i32
      %dma_wait3A_53 = arith.constant 0 : i32
      %dma_wait3A_54 = tpu.memref_slice %arg5[%arg1, %dma_wait3A_52, %dma_wait3A_53] : memref<16x250x80xi32, #tpu.memory_space<hbm>> -> memref<1x250x80xi32, #tpu.memory_space<hbm>>
      %dma_wait3A_55 = tpu.memref_squeeze %dma_wait3A_54 : memref<1x250x80xi32, #tpu.memory_space<hbm>> -> memref<250x80xi32, #tpu.memory_space<hbm>>
      tpu.wait_dma2 semaphore(%run_scoped3A : memref<!tpu.dma_semaphore, #tpu.memory_space<semaphore_mem>>) src(%dma_wait3A_55 : memref<250x80xi32, #tpu.memory_space<hbm>>) dst(%arg9 : memref<250x80xi32, #tpu.memory_space<vmem>>)
      tpu.yield
    }) : () -> ()
    %broadcast_in_dim3A = arith.constant 0.000000e+00 : f32
    %broadcast_in_dim3A_0 = vector.broadcast %broadcast_in_dim3A : f32 to vector<16xf32>
    %broadcast_in_dim3A_1 = arith.constant 0.000000e+00 : bf16
    %broadcast_in_dim3A_2 = vector.broadcast %broadcast_in_dim3A_1 : bf16 to vector<32xbf16>
    %broadcast_in_dim3A_3 = arith.constant 1.000000e+00 : f32
    %broadcast_in_dim3A_4 = vector.broadcast %broadcast_in_dim3A_3 : f32 to vector<16xf32>
    %scan3A = arith.constant 0 : i32
    %scan3A_5 = arith.constant 128 : i32
    %scan3A_6 = arith.addi %scan3A, %scan3A_5 : i32
    %scan3A_7 = arith.constant 1 : i32
    scf.for %scan3A_42 = %scan3A to %scan3A_6 step %scan3A_7  : i32 {
      %mul3A_43 = arith.constant 1 : i32
      %mul3A_44 = arith.muli %scan3A_42, %mul3A_43 : i32
      %add3A_45 = arith.constant 0 : i32
      %add3A_46 = arith.addi %add3A_45, %mul3A_44 : i32
      %swap3A = arith.index_cast %add3A_46 : i32 to index
      %swap3A_47 = arith.constant 0 : index
      %swap3A_48 = tpu.vector_load %arg11[%swap3A, %swap3A_47] {strides = array<i32>} : memref<128x64xbf16, #tpu.memory_space<vmem>>, vector<1x32xbf16>,
      %swap3A_49 = vector.shape_cast %swap3A_48 : vector<1x32xbf16> to vector<32xbf16>
      %swap3A_50 = vector.shape_cast %broadcast_in_dim3A_2 : vector<32xbf16> to vector<1x32xbf16>
      tpu.vector_store %arg11[%swap3A, %swap3A_47], %swap3A_50 {strides = array<i32>} : memref<128x64xbf16, #tpu.memory_space<vmem>>, vector<1x32xbf16>,
      %swap3A_51 = arith.index_cast %add3A_46 : i32 to index
      %swap3A_52 = arith.constant 32 : index
      %swap3A_53 = tpu.vector_load %arg11[%swap3A_51, %swap3A_52] {strides = array<i32>} : memref<128x64xbf16, #tpu.memory_space<vmem>>, vector<1x32xbf16>,
      %swap3A_54 = vector.shape_cast %swap3A_53 : vector<1x32xbf16> to vector<32xbf16>
      %swap3A_55 = vector.shape_cast %broadcast_in_dim3A_2 : vector<32xbf16> to vector<1x32xbf16>
      tpu.vector_store %arg11[%swap3A_51, %swap3A_52], %swap3A_55 {strides = array<i32>} : memref<128x64xbf16, #tpu.memory_space<vmem>>, vector<1x32xbf16>,
      %swap3A_56 = arith.index_cast %add3A_46 : i32 to index
      %swap3A_57 = arith.constant 0 : index
      %swap3A_58 = tpu.vector_load %arg13[%swap3A_56, %swap3A_57] {strides = array<i32>} : memref<128x16xf32, #tpu.memory_space<vmem>>, vector<1x16xf32>,
      %swap3A_59 = vector.shape_cast %swap3A_58 : vector<1x16xf32> to vector<16xf32>
      %swap3A_60 = vector.shape_cast %broadcast_in_dim3A_0 : vector<16xf32> to vector<1x16xf32>
      tpu.vector_store %arg13[%swap3A_56, %swap3A_57], %swap3A_60 {strides = array<i32>} : memref<128x16xf32, #tpu.memory_space<vmem>>, vector<1x16xf32>,
    }
    %scan3A_8 = arith.constant 128 : i32
    %scan3A_9 = arith.constant 0 : i32
    %scan3A_10 = arith.constant 80 : i32
    %scan3A_11 = arith.addi %scan3A_9, %scan3A_10 : i32
    %scan3A_12 = arith.constant 1 : i32
    scf.for %scan3A_42 = %scan3A_9 to %scan3A_11 step %scan3A_12  : i32 {
      %mul3A_43 = arith.constant 1 : i32
      %mul3A_44 = arith.muli %scan3A_42, %mul3A_43 : i32
      %add3A_45 = arith.constant 0 : i32
      %add3A_46 = arith.addi %add3A_45, %mul3A_44 : i32
      %swap3A = arith.index_cast %add3A_46 : i32 to index
      %swap3A_47 = arith.constant 0 : index
      %swap3A_48 = tpu.vector_load %arg12[%swap3A, %swap3A_47] {strides = array<i32>} : memref<80x16xf32, #tpu.memory_space<vmem>>, vector<1x16xf32>,
      %swap3A_49 = vector.shape_cast %swap3A_48 : vector<1x16xf32> to vector<16xf32>
      %swap3A_50 = vector.shape_cast %broadcast_in_dim3A_4 : vector<16xf32> to vector<1x16xf32>
      tpu.vector_store %arg12[%swap3A, %swap3A_47], %swap3A_50 {strides = array<i32>} : memref<80x16xf32, #tpu.memory_space<vmem>>, vector<1x16xf32>,
    }
    %scan3A_13 = arith.constant 80 : i32
    %mul3A = arith.constant 640 : i32
    %mul3A_14 = arith.muli %arg1, %mul3A : i32
    %add3A = arith.constant 0 : i32
    %add3A_15 = arith.addi %mul3A_14, %add3A : i32
    "tpu.region"() ({
      %run_scoped3A = tpu.sem_alloc : memref<!tpu.dma_semaphore, #tpu.memory_space<semaphore_mem>>
      %dma_start3A = arith.constant 0 : i32
      %dma_start3A_42 = tpu.memref_slice %arg14[%add3A_15, %dma_start3A] : memref<10240x64xbf16, #tpu.memory_space<vmem_shared>> -> memref<128x64xbf16, #tpu.memory_space<vmem_shared>>
      %dma_start3A_43 = arith.constant 0 : i32
      %dma_start3A_44 = tpu.memref_slice %arg14[%add3A_15, %dma_start3A_43] : memref<10240x64xbf16, #tpu.memory_space<vmem_shared>> -> memref<128x64xbf16, #tpu.memory_space<vmem_shared>>
      tpu.enqueue_dma source(%arg11 : memref<128x64xbf16, #tpu.memory_space<vmem>>) target(%dma_start3A_44 : memref<128x64xbf16, #tpu.memory_space<vmem_shared>>) target_semaphore(%run_scoped3A : memref<!tpu.dma_semaphore, #tpu.memory_space<semaphore_mem>>)
      %dma_wait3A = arith.constant 0 : i32
      %dma_wait3A_45 = tpu.memref_slice %arg14[%add3A_15, %dma_wait3A] : memref<10240x64xbf16, #tpu.memory_space<vmem_shared>> -> memref<128x64xbf16, #tpu.memory_space<vmem_shared>>
      %dma_wait3A_46 = arith.constant 0 : i32
      %dma_wait3A_47 = tpu.memref_slice %arg14[%add3A_15, %dma_wait3A_46] : memref<10240x64xbf16, #tpu.memory_space<vmem_shared>> -> memref<128x64xbf16, #tpu.memory_space<vmem_shared>>
      tpu.wait_dma2 semaphore(%run_scoped3A : memref<!tpu.dma_semaphore, #tpu.memory_space<semaphore_mem>>) src(%arg11 : memref<128x64xbf16, #tpu.memory_space<vmem>>) dst(%dma_wait3A_47 : memref<128x64xbf16, #tpu.memory_space<vmem_shared>>)
      tpu.yield
    }) : () -> ()
    "tpu.region"() ({
      %run_scoped3A = tpu.sem_alloc : memref<!tpu.dma_semaphore, #tpu.memory_space<semaphore_mem>>
      %dma_start3A = arith.constant 0 : i32
      %dma_start3A_42 = tpu.memref_slice %arg15[%add3A_15, %dma_start3A] : memref<10240x16xf32, #tpu.memory_space<vmem_shared>> -> memref<128x16xf32, #tpu.memory_space<vmem_shared>>
      %dma_start3A_43 = arith.constant 0 : i32
      %dma_start3A_44 = tpu.memref_slice %arg15[%add3A_15, %dma_start3A_43] : memref<10240x16xf32, #tpu.memory_space<vmem_shared>> -> memref<128x16xf32, #tpu.memory_space<vmem_shared>>
      tpu.enqueue_dma source(%arg13 : memref<128x16xf32, #tpu.memory_space<vmem>>) target(%dma_start3A_44 : memref<128x16xf32, #tpu.memory_space<vmem_shared>>) target_semaphore(%run_scoped3A : memref<!tpu.dma_semaphore, #tpu.memory_space<semaphore_mem>>)
      %dma_wait3A = arith.constant 0 : i32
      %dma_wait3A_45 = tpu.memref_slice %arg15[%add3A_15, %dma_wait3A] : memref<10240x16xf32, #tpu.memory_space<vmem_shared>> -> memref<128x16xf32, #tpu.memory_space<vmem_shared>>
      %dma_wait3A_46 = arith.constant 0 : i32
      %dma_wait3A_47 = tpu.memref_slice %arg15[%add3A_15, %dma_wait3A_46] : memref<10240x16xf32, #tpu.memory_space<vmem_shared>> -> memref<128x16xf32, #tpu.memory_space<vmem_shared>>
      tpu.wait_dma2 semaphore(%run_scoped3A : memref<!tpu.dma_semaphore, #tpu.memory_space<semaphore_mem>>) src(%arg13 : memref<128x16xf32, #tpu.memory_space<vmem>>) dst(%dma_wait3A_47 : memref<128x16xf32, #tpu.memory_space<vmem_shared>>)
      tpu.yield
    }) : () -> ()
    %mul3A_16 = arith.constant 640 : i32
    %mul3A_17 = arith.muli %arg1, %mul3A_16 : i32
    %add3A_18 = arith.constant 128 : i32
    %add3A_19 = arith.addi %mul3A_17, %add3A_18 : i32
    "tpu.region"() ({
      %run_scoped3A = tpu.sem_alloc : memref<!tpu.dma_semaphore, #tpu.memory_space<semaphore_mem>>
      %dma_start3A = arith.constant 0 : i32
      %dma_start3A_42 = tpu.memref_slice %arg14[%add3A_19, %dma_start3A] : memref<10240x64xbf16, #tpu.memory_space<vmem_shared>> -> memref<128x64xbf16, #tpu.memory_space<vmem_shared>>
      %dma_start3A_43 = arith.constant 0 : i32
      %dma_start3A_44 = tpu.memref_slice %arg14[%add3A_19, %dma_start3A_43] : memref<10240x64xbf16, #tpu.memory_space<vmem_shared>> -> memref<128x64xbf16, #tpu.memory_space<vmem_shared>>
      tpu.enqueue_dma source(%arg11 : memref<128x64xbf16, #tpu.memory_space<vmem>>) target(%dma_start3A_44 : memref<128x64xbf16, #tpu.memory_space<vmem_shared>>) target_semaphore(%run_scoped3A : memref<!tpu.dma_semaphore, #tpu.memory_space<semaphore_mem>>)
      %dma_wait3A = arith.constant 0 : i32
      %dma_wait3A_45 = tpu.memref_slice %arg14[%add3A_19, %dma_wait3A] : memref<10240x64xbf16, #tpu.memory_space<vmem_shared>> -> memref<128x64xbf16, #tpu.memory_space<vmem_shared>>
      %dma_wait3A_46 = arith.constant 0 : i32
      %dma_wait3A_47 = tpu.memref_slice %arg14[%add3A_19, %dma_wait3A_46] : memref<10240x64xbf16, #tpu.memory_space<vmem_shared>> -> memref<128x64xbf16, #tpu.memory_space<vmem_shared>>
      tpu.wait_dma2 semaphore(%run_scoped3A : memref<!tpu.dma_semaphore, #tpu.memory_space<semaphore_mem>>) src(%arg11 : memref<128x64xbf16, #tpu.memory_space<vmem>>) dst(%dma_wait3A_47 : memref<128x64xbf16, #tpu.memory_space<vmem_shared>>)
      tpu.yield
    }) : () -> ()
    "tpu.region"() ({
      %run_scoped3A = tpu.sem_alloc : memref<!tpu.dma_semaphore, #tpu.memory_space<semaphore_mem>>
      %dma_start3A = arith.constant 0 : i32
      %dma_start3A_42 = tpu.memref_slice %arg15[%add3A_19, %dma_start3A] : memref<10240x16xf32, #tpu.memory_space<vmem_shared>> -> memref<128x16xf32, #tpu.memory_space<vmem_shared>>
      %dma_start3A_43 = arith.constant 0 : i32
      %dma_start3A_44 = tpu.memref_slice %arg15[%add3A_19, %dma_start3A_43] : memref<10240x16xf32, #tpu.memory_space<vmem_shared>> -> memref<128x16xf32, #tpu.memory_space<vmem_shared>>
      tpu.enqueue_dma source(%arg13 : memref<128x16xf32, #tpu.memory_space<vmem>>) target(%dma_start3A_44 : memref<128x16xf32, #tpu.memory_space<vmem_shared>>) target_semaphore(%run_scoped3A : memref<!tpu.dma_semaphore, #tpu.memory_space<semaphore_mem>>)
      %dma_wait3A = arith.constant 0 : i32
      %dma_wait3A_45 = tpu.memref_slice %arg15[%add3A_19, %dma_wait3A] : memref<10240x16xf32, #tpu.memory_space<vmem_shared>> -> memref<128x16xf32, #tpu.memory_space<vmem_shared>>
      %dma_wait3A_46 = arith.constant 0 : i32
      %dma_wait3A_47 = tpu.memref_slice %arg15[%add3A_19, %dma_wait3A_46] : memref<10240x16xf32, #tpu.memory_space<vmem_shared>> -> memref<128x16xf32, #tpu.memory_space<vmem_shared>>
      tpu.wait_dma2 semaphore(%run_scoped3A : memref<!tpu.dma_semaphore, #tpu.memory_space<semaphore_mem>>) src(%arg13 : memref<128x16xf32, #tpu.memory_space<vmem>>) dst(%dma_wait3A_47 : memref<128x16xf32, #tpu.memory_space<vmem_shared>>)
      tpu.yield
    }) : () -> ()
    %mul3A_20 = arith.constant 640 : i32
    %mul3A_21 = arith.muli %arg1, %mul3A_20 : i32
    %add3A_22 = arith.constant 256 : i32
    %add3A_23 = arith.addi %mul3A_21, %add3A_22 : i32
    "tpu.region"() ({
      %run_scoped3A = tpu.sem_alloc : memref<!tpu.dma_semaphore, #tpu.memory_space<semaphore_mem>>
      %dma_start3A = arith.constant 0 : i32
      %dma_start3A_42 = tpu.memref_slice %arg14[%add3A_23, %dma_start3A] : memref<10240x64xbf16, #tpu.memory_space<vmem_shared>> -> memref<128x64xbf16, #tpu.memory_space<vmem_shared>>
      %dma_start3A_43 = arith.constant 0 : i32
      %dma_start3A_44 = tpu.memref_slice %arg14[%add3A_23, %dma_start3A_43] : memref<10240x64xbf16, #tpu.memory_space<vmem_shared>> -> memref<128x64xbf16, #tpu.memory_space<vmem_shared>>
      tpu.enqueue_dma source(%arg11 : memref<128x64xbf16, #tpu.memory_space<vmem>>) target(%dma_start3A_44 : memref<128x64xbf16, #tpu.memory_space<vmem_shared>>) target_semaphore(%run_scoped3A : memref<!tpu.dma_semaphore, #tpu.memory_space<semaphore_mem>>)
      %dma_wait3A = arith.constant 0 : i32
      %dma_wait3A_45 = tpu.memref_slice %arg14[%add3A_23, %dma_wait3A] : memref<10240x64xbf16, #tpu.memory_space<vmem_shared>> -> memref<128x64xbf16, #tpu.memory_space<vmem_shared>>
      %dma_wait3A_46 = arith.constant 0 : i32
      %dma_wait3A_47 = tpu.memref_slice %arg14[%add3A_23, %dma_wait3A_46] : memref<10240x64xbf16, #tpu.memory_space<vmem_shared>> -> memref<128x64xbf16, #tpu.memory_space<vmem_shared>>
      tpu.wait_dma2 semaphore(%run_scoped3A : memref<!tpu.dma_semaphore, #tpu.memory_space<semaphore_mem>>) src(%arg11 : memref<128x64xbf16, #tpu.memory_space<vmem>>) dst(%dma_wait3A_47 : memref<128x64xbf16, #tpu.memory_space<vmem_shared>>)
      tpu.yield
    }) : () -> ()
    "tpu.region"() ({
      %run_scoped3A = tpu.sem_alloc : memref<!tpu.dma_semaphore, #tpu.memory_space<semaphore_mem>>
      %dma_start3A = arith.constant 0 : i32
      %dma_start3A_42 = tpu.memref_slice %arg15[%add3A_23, %dma_start3A] : memref<10240x16xf32, #tpu.memory_space<vmem_shared>> -> memref<128x16xf32, #tpu.memory_space<vmem_shared>>
      %dma_start3A_43 = arith.constant 0 : i32
      %dma_start3A_44 = tpu.memref_slice %arg15[%add3A_23, %dma_start3A_43] : memref<10240x16xf32, #tpu.memory_space<vmem_shared>> -> memref<128x16xf32, #tpu.memory_space<vmem_shared>>
      tpu.enqueue_dma source(%arg13 : memref<128x16xf32, #tpu.memory_space<vmem>>) target(%dma_start3A_44 : memref<128x16xf32, #tpu.memory_space<vmem_shared>>) target_semaphore(%run_scoped3A : memref<!tpu.dma_semaphore, #tpu.memory_space<semaphore_mem>>)
      %dma_wait3A = arith.constant 0 : i32
      %dma_wait3A_45 = tpu.memref_slice %arg15[%add3A_23, %dma_wait3A] : memref<10240x16xf32, #tpu.memory_space<vmem_shared>> -> memref<128x16xf32, #tpu.memory_space<vmem_shared>>
      %dma_wait3A_46 = arith.constant 0 : i32
      %dma_wait3A_47 = tpu.memref_slice %arg15[%add3A_23, %dma_wait3A_46] : memref<10240x16xf32, #tpu.memory_space<vmem_shared>> -> memref<128x16xf32, #tpu.memory_space<vmem_shared>>
      tpu.wait_dma2 semaphore(%run_scoped3A : memref<!tpu.dma_semaphore, #tpu.memory_space<semaphore_mem>>) src(%arg13 : memref<128x16xf32, #tpu.memory_space<vmem>>) dst(%dma_wait3A_47 : memref<128x16xf32, #tpu.memory_space<vmem_shared>>)
      tpu.yield
    }) : () -> ()
    %mul3A_24 = arith.constant 640 : i32
    %mul3A_25 = arith.muli %arg1, %mul3A_24 : i32
    %add3A_26 = arith.constant 384 : i32
    %add3A_27 = arith.addi %mul3A_25, %add3A_26 : i32
    "tpu.region"() ({
      %run_scoped3A = tpu.sem_alloc : memref<!tpu.dma_semaphore, #tpu.memory_space<semaphore_mem>>
      %dma_start3A = arith.constant 0 : i32
      %dma_start3A_42 = tpu.memref_slice %arg14[%add3A_27, %dma_start3A] : memref<10240x64xbf16, #tpu.memory_space<vmem_shared>> -> memref<128x64xbf16, #tpu.memory_space<vmem_shared>>
      %dma_start3A_43 = arith.constant 0 : i32
      %dma_start3A_44 = tpu.memref_slice %arg14[%add3A_27, %dma_start3A_43] : memref<10240x64xbf16, #tpu.memory_space<vmem_shared>> -> memref<128x64xbf16, #tpu.memory_space<vmem_shared>>
      tpu.enqueue_dma source(%arg11 : memref<128x64xbf16, #tpu.memory_space<vmem>>) target(%dma_start3A_44 : memref<128x64xbf16, #tpu.memory_space<vmem_shared>>) target_semaphore(%run_scoped3A : memref<!tpu.dma_semaphore, #tpu.memory_space<semaphore_mem>>)
      %dma_wait3A = arith.constant 0 : i32
      %dma_wait3A_45 = tpu.memref_slice %arg14[%add3A_27, %dma_wait3A] : memref<10240x64xbf16, #tpu.memory_space<vmem_shared>> -> memref<128x64xbf16, #tpu.memory_space<vmem_shared>>
      %dma_wait3A_46 = arith.constant 0 : i32
      %dma_wait3A_47 = tpu.memref_slice %arg14[%add3A_27, %dma_wait3A_46] : memref<10240x64xbf16, #tpu.memory_space<vmem_shared>> -> memref<128x64xbf16, #tpu.memory_space<vmem_shared>>
      tpu.wait_dma2 semaphore(%run_scoped3A : memref<!tpu.dma_semaphore, #tpu.memory_space<semaphore_mem>>) src(%arg11 : memref<128x64xbf16, #tpu.memory_space<vmem>>) dst(%dma_wait3A_47 : memref<128x64xbf16, #tpu.memory_space<vmem_shared>>)
      tpu.yield
    }) : () -> ()
    "tpu.region"() ({
      %run_scoped3A = tpu.sem_alloc : memref<!tpu.dma_semaphore, #tpu.memory_space<semaphore_mem>>
      %dma_start3A = arith.constant 0 : i32
      %dma_start3A_42 = tpu.memref_slice %arg15[%add3A_27, %dma_start3A] : memref<10240x16xf32, #tpu.memory_space<vmem_shared>> -> memref<128x16xf32, #tpu.memory_space<vmem_shared>>
      %dma_start3A_43 = arith.constant 0 : i32
      %dma_start3A_44 = tpu.memref_slice %arg15[%add3A_27, %dma_start3A_43] : memref<10240x16xf32, #tpu.memory_space<vmem_shared>> -> memref<128x16xf32, #tpu.memory_space<vmem_shared>>
      tpu.enqueue_dma source(%arg13 : memref<128x16xf32, #tpu.memory_space<vmem>>) target(%dma_start3A_44 : memref<128x16xf32, #tpu.memory_space<vmem_shared>>) target_semaphore(%run_scoped3A : memref<!tpu.dma_semaphore, #tpu.memory_space<semaphore_mem>>)
      %dma_wait3A = arith.constant 0 : i32
      %dma_wait3A_45 = tpu.memref_slice %arg15[%add3A_27, %dma_wait3A] : memref<10240x16xf32, #tpu.memory_space<vmem_shared>> -> memref<128x16xf32, #tpu.memory_space<vmem_shared>>
      %dma_wait3A_46 = arith.constant 0 : i32
      %dma_wait3A_47 = tpu.memref_slice %arg15[%add3A_27, %dma_wait3A_46] : memref<10240x16xf32, #tpu.memory_space<vmem_shared>> -> memref<128x16xf32, #tpu.memory_space<vmem_shared>>
      tpu.wait_dma2 semaphore(%run_scoped3A : memref<!tpu.dma_semaphore, #tpu.memory_space<semaphore_mem>>) src(%arg13 : memref<128x16xf32, #tpu.memory_space<vmem>>) dst(%dma_wait3A_47 : memref<128x16xf32, #tpu.memory_space<vmem_shared>>)
      tpu.yield
    }) : () -> ()
    %mul3A_28 = arith.constant 640 : i32
    %mul3A_29 = arith.muli %arg1, %mul3A_28 : i32
    %add3A_30 = arith.constant 512 : i32
    %add3A_31 = arith.addi %mul3A_29, %add3A_30 : i32
    "tpu.region"() ({
      %run_scoped3A = tpu.sem_alloc : memref<!tpu.dma_semaphore, #tpu.memory_space<semaphore_mem>>
      %dma_start3A = arith.constant 0 : i32
      %dma_start3A_42 = tpu.memref_slice %arg14[%add3A_31, %dma_start3A] : memref<10240x64xbf16, #tpu.memory_space<vmem_shared>> -> memref<128x64xbf16, #tpu.memory_space<vmem_shared>>
      %dma_start3A_43 = arith.constant 0 : i32
      %dma_start3A_44 = tpu.memref_slice %arg14[%add3A_31, %dma_start3A_43] : memref<10240x64xbf16, #tpu.memory_space<vmem_shared>> -> memref<128x64xbf16, #tpu.memory_space<vmem_shared>>
      tpu.enqueue_dma source(%arg11 : memref<128x64xbf16, #tpu.memory_space<vmem>>) target(%dma_start3A_44 : memref<128x64xbf16, #tpu.memory_space<vmem_shared>>) target_semaphore(%run_scoped3A : memref<!tpu.dma_semaphore, #tpu.memory_space<semaphore_mem>>)
      %dma_wait3A = arith.constant 0 : i32
      %dma_wait3A_45 = tpu.memref_slice %arg14[%add3A_31, %dma_wait3A] : memref<10240x64xbf16, #tpu.memory_space<vmem_shared>> -> memref<128x64xbf16, #tpu.memory_space<vmem_shared>>
      %dma_wait3A_46 = arith.constant 0 : i32
      %dma_wait3A_47 = tpu.memref_slice %arg14[%add3A_31, %dma_wait3A_46] : memref<10240x64xbf16, #tpu.memory_space<vmem_shared>> -> memref<128x64xbf16, #tpu.memory_space<vmem_shared>>
      tpu.wait_dma2 semaphore(%run_scoped3A : memref<!tpu.dma_semaphore, #tpu.memory_space<semaphore_mem>>) src(%arg11 : memref<128x64xbf16, #tpu.memory_space<vmem>>) dst(%dma_wait3A_47 : memref<128x64xbf16, #tpu.memory_space<vmem_shared>>)
      tpu.yield
    }) : () -> ()
    "tpu.region"() ({
      %run_scoped3A = tpu.sem_alloc : memref<!tpu.dma_semaphore, #tpu.memory_space<semaphore_mem>>
      %dma_start3A = arith.constant 0 : i32
      %dma_start3A_42 = tpu.memref_slice %arg15[%add3A_31, %dma_start3A] : memref<10240x16xf32, #tpu.memory_space<vmem_shared>> -> memref<128x16xf32, #tpu.memory_space<vmem_shared>>
      %dma_start3A_43 = arith.constant 0 : i32
      %dma_start3A_44 = tpu.memref_slice %arg15[%add3A_31, %dma_start3A_43] : memref<10240x16xf32, #tpu.memory_space<vmem_shared>> -> memref<128x16xf32, #tpu.memory_space<vmem_shared>>
      tpu.enqueue_dma source(%arg13 : memref<128x16xf32, #tpu.memory_space<vmem>>) target(%dma_start3A_44 : memref<128x16xf32, #tpu.memory_space<vmem_shared>>) target_semaphore(%run_scoped3A : memref<!tpu.dma_semaphore, #tpu.memory_space<semaphore_mem>>)
      %dma_wait3A = arith.constant 0 : i32
      %dma_wait3A_45 = tpu.memref_slice %arg15[%add3A_31, %dma_wait3A] : memref<10240x16xf32, #tpu.memory_space<vmem_shared>> -> memref<128x16xf32, #tpu.memory_space<vmem_shared>>
      %dma_wait3A_46 = arith.constant 0 : i32
      %dma_wait3A_47 = tpu.memref_slice %arg15[%add3A_31, %dma_wait3A_46] : memref<10240x16xf32, #tpu.memory_space<vmem_shared>> -> memref<128x16xf32, #tpu.memory_space<vmem_shared>>
      tpu.wait_dma2 semaphore(%run_scoped3A : memref<!tpu.dma_semaphore, #tpu.memory_space<semaphore_mem>>) src(%arg13 : memref<128x16xf32, #tpu.memory_space<vmem>>) dst(%dma_wait3A_47 : memref<128x16xf32, #tpu.memory_space<vmem_shared>>)
      tpu.yield
    }) : () -> ()
    %barrier3A = arith.constant 0 : index
    tpu.barrier barrier_id(%barrier3A)
    %eq3A = arith.constant 0 : i32
    %eq3A_32 = arith.cmpi eq, %arg0, %eq3A : i32
    %convert_element_type3A = arith.extui %eq3A_32 : i1 to i32
    %cond3A = arith.constant 0 : i32
    %cond3A_33 = arith.cmpi ne, %convert_element_type3A, %cond3A : i32
    scf.if %cond3A_33 {
      %dma_start3A = arith.constant 0 : i32
      %dma_start3A_42 = arith.constant 0 : i32
      %dma_start3A_43 = arith.constant 0 : i32
      %dma_start3A_44 = arith.constant 0 : i32
      %dma_start3A_45 = tpu.memref_slice %arg10[%dma_start3A_42, %dma_start3A_43, %dma_start3A_44] : memref<5x80x64xbf16, #tpu.memory_space<vmem>> -> memref<1x80x64xbf16, #tpu.memory_space<vmem>>
      %dma_start3A_46 = tpu.memref_squeeze %dma_start3A_45 : memref<1x80x64xbf16, #tpu.memory_space<vmem>> -> memref<80x64xbf16, #tpu.memory_space<vmem>>
      %dma_start3A_47 = arith.constant 0 : i32
      %dma_start3A_48 = tpu.memref_slice %arg8[%dma_start3A, %dma_start3A_47] : memref<250x80xi32, #tpu.memory_space<vmem>> -> memref<1x80xi32, #tpu.memory_space<vmem>>
      %dma_start3A_49 = tpu.memref_squeeze %dma_start3A_48 : memref<1x80xi32, #tpu.memory_space<vmem>> -> memref<80xi32, #tpu.memory_space<vmem>>
      %dma_start3A_50 = arith.constant 0 : i32
      %dma_start3A_51 = arith.constant 0 : i32
      %dma_start3A_52 = tpu.memref_slice %arg2[%dma_start3A_50, %dma_start3A_51] : memref<10000x64xbf16, #tpu.memory_space<hbm>> -> memref<10000x64xbf16, #tpu.memory_space<hbm>>
      tpu.enqueue_indirect_dma source(%dma_start3A_52 : memref<10000x64xbf16, #tpu.memory_space<hbm>>) target(%dma_start3A_46 : memref<80x64xbf16, #tpu.memory_space<vmem>>) offsets(%dma_start3A_49 : memref<80xi32, #tpu.memory_space<vmem>>) semaphore(%arg16 : memref<!tpu.dma_semaphore, #tpu.memory_space<semaphore_mem>>)
      %dma_start3A_53 = arith.constant 1 : i32
      %dma_start3A_54 = arith.constant 1 : i32
      %dma_start3A_55 = arith.constant 0 : i32
      %dma_start3A_56 = arith.constant 0 : i32
      %dma_start3A_57 = tpu.memref_slice %arg10[%dma_start3A_54, %dma_start3A_55, %dma_start3A_56] : memref<5x80x64xbf16, #tpu.memory_space<vmem>> -> memref<1x80x64xbf16, #tpu.memory_space<vmem>>
      %dma_start3A_58 = tpu.memref_squeeze %dma_start3A_57 : memref<1x80x64xbf16, #tpu.memory_space<vmem>> -> memref<80x64xbf16, #tpu.memory_space<vmem>>
      %dma_start3A_59 = arith.constant 0 : i32
      %dma_start3A_60 = tpu.memref_slice %arg8[%dma_start3A_53, %dma_start3A_59] : memref<250x80xi32, #tpu.memory_space<vmem>> -> memref<1x80xi32, #tpu.memory_space<vmem>>
      %dma_start3A_61 = tpu.memref_squeeze %dma_start3A_60 : memref<1x80xi32, #tpu.memory_space<vmem>> -> memref<80xi32, #tpu.memory_space<vmem>>
      %dma_start3A_62 = arith.constant 0 : i32
      %dma_start3A_63 = arith.constant 0 : i32
      %dma_start3A_64 = tpu.memref_slice %arg2[%dma_start3A_62, %dma_start3A_63] : memref<10000x64xbf16, #tpu.memory_space<hbm>> -> memref<10000x64xbf16, #tpu.memory_space<hbm>>
      tpu.enqueue_indirect_dma source(%dma_start3A_64 : memref<10000x64xbf16, #tpu.memory_space<hbm>>) target(%dma_start3A_58 : memref<80x64xbf16, #tpu.memory_space<vmem>>) offsets(%dma_start3A_61 : memref<80xi32, #tpu.memory_space<vmem>>) semaphore(%arg17 : memref<!tpu.dma_semaphore, #tpu.memory_space<semaphore_mem>>)
      %dma_start3A_65 = arith.constant 2 : i32
      %dma_start3A_66 = arith.constant 2 : i32
      %dma_start3A_67 = arith.constant 0 : i32
      %dma_start3A_68 = arith.constant 0 : i32
      %dma_start3A_69 = tpu.memref_slice %arg10[%dma_start3A_66, %dma_start3A_67, %dma_start3A_68] : memref<5x80x64xbf16, #tpu.memory_space<vmem>> -> memref<1x80x64xbf16, #tpu.memory_space<vmem>>
      %dma_start3A_70 = tpu.memref_squeeze %dma_start3A_69 : memref<1x80x64xbf16, #tpu.memory_space<vmem>> -> memref<80x64xbf16, #tpu.memory_space<vmem>>
      %dma_start3A_71 = arith.constant 0 : i32
      %dma_start3A_72 = tpu.memref_slice %arg8[%dma_start3A_65, %dma_start3A_71] : memref<250x80xi32, #tpu.memory_space<vmem>> -> memref<1x80xi32, #tpu.memory_space<vmem>>
      %dma_start3A_73 = tpu.memref_squeeze %dma_start3A_72 : memref<1x80xi32, #tpu.memory_space<vmem>> -> memref<80xi32, #tpu.memory_space<vmem>>
      %dma_start3A_74 = arith.constant 0 : i32
      %dma_start3A_75 = arith.constant 0 : i32
      %dma_start3A_76 = tpu.memref_slice %arg2[%dma_start3A_74, %dma_start3A_75] : memref<10000x64xbf16, #tpu.memory_space<hbm>> -> memref<10000x64xbf16, #tpu.memory_space<hbm>>
      tpu.enqueue_indirect_dma source(%dma_start3A_76 : memref<10000x64xbf16, #tpu.memory_space<hbm>>) target(%dma_start3A_70 : memref<80x64xbf16, #tpu.memory_space<vmem>>) offsets(%dma_start3A_73 : memref<80xi32, #tpu.memory_space<vmem>>) semaphore(%arg18 : memref<!tpu.dma_semaphore, #tpu.memory_space<semaphore_mem>>)
      %dma_start3A_77 = arith.constant 3 : i32
      %dma_start3A_78 = arith.constant 3 : i32
      %dma_start3A_79 = arith.constant 0 : i32
      %dma_start3A_80 = arith.constant 0 : i32
      %dma_start3A_81 = tpu.memref_slice %arg10[%dma_start3A_78, %dma_start3A_79, %dma_start3A_80] : memref<5x80x64xbf16, #tpu.memory_space<vmem>> -> memref<1x80x64xbf16, #tpu.memory_space<vmem>>
      %dma_start3A_82 = tpu.memref_squeeze %dma_start3A_81 : memref<1x80x64xbf16, #tpu.memory_space<vmem>> -> memref<80x64xbf16, #tpu.memory_space<vmem>>
      %dma_start3A_83 = arith.constant 0 : i32
      %dma_start3A_84 = tpu.memref_slice %arg8[%dma_start3A_77, %dma_start3A_83] : memref<250x80xi32, #tpu.memory_space<vmem>> -> memref<1x80xi32, #tpu.memory_space<vmem>>
      %dma_start3A_85 = tpu.memref_squeeze %dma_start3A_84 : memref<1x80xi32, #tpu.memory_space<vmem>> -> memref<80xi32, #tpu.memory_space<vmem>>
      %dma_start3A_86 = arith.constant 0 : i32
      %dma_start3A_87 = arith.constant 0 : i32
      %dma_start3A_88 = tpu.memref_slice %arg2[%dma_start3A_86, %dma_start3A_87] : memref<10000x64xbf16, #tpu.memory_space<hbm>> -> memref<10000x64xbf16, #tpu.memory_space<hbm>>
      tpu.enqueue_indirect_dma source(%dma_start3A_88 : memref<10000x64xbf16, #tpu.memory_space<hbm>>) target(%dma_start3A_82 : memref<80x64xbf16, #tpu.memory_space<vmem>>) offsets(%dma_start3A_85 : memref<80xi32, #tpu.memory_space<vmem>>) semaphore(%arg19 : memref<!tpu.dma_semaphore, #tpu.memory_space<semaphore_mem>>)
      %dma_start3A_89 = arith.constant 4 : i32
      %dma_start3A_90 = arith.constant 4 : i32
      %dma_start3A_91 = arith.constant 0 : i32
      %dma_start3A_92 = arith.constant 0 : i32
      %dma_start3A_93 = tpu.memref_slice %arg10[%dma_start3A_90, %dma_start3A_91, %dma_start3A_92] : memref<5x80x64xbf16, #tpu.memory_space<vmem>> -> memref<1x80x64xbf16, #tpu.memory_space<vmem>>
      %dma_start3A_94 = tpu.memref_squeeze %dma_start3A_93 : memref<1x80x64xbf16, #tpu.memory_space<vmem>> -> memref<80x64xbf16, #tpu.memory_space<vmem>>
      %dma_start3A_95 = arith.constant 0 : i32
      %dma_start3A_96 = tpu.memref_slice %arg8[%dma_start3A_89, %dma_start3A_95] : memref<250x80xi32, #tpu.memory_space<vmem>> -> memref<1x80xi32, #tpu.memory_space<vmem>>
      %dma_start3A_97 = tpu.memref_squeeze %dma_start3A_96 : memref<1x80xi32, #tpu.memory_space<vmem>> -> memref<80xi32, #tpu.memory_space<vmem>>
      %dma_start3A_98 = arith.constant 0 : i32
      %dma_start3A_99 = arith.constant 0 : i32
      %dma_start3A_100 = tpu.memref_slice %arg2[%dma_start3A_98, %dma_start3A_99] : memref<10000x64xbf16, #tpu.memory_space<hbm>> -> memref<10000x64xbf16, #tpu.memory_space<hbm>>
      tpu.enqueue_indirect_dma source(%dma_start3A_100 : memref<10000x64xbf16, #tpu.memory_space<hbm>>) target(%dma_start3A_94 : memref<80x64xbf16, #tpu.memory_space<vmem>>) offsets(%dma_start3A_97 : memref<80xi32, #tpu.memory_space<vmem>>) semaphore(%arg20 : memref<!tpu.dma_semaphore, #tpu.memory_space<semaphore_mem>>)
      %scan3A_101 = arith.constant 0 : i32
      %scan3A_102 = arith.constant 50 : i32
      %scan3A_103 = arith.addi %scan3A_101, %scan3A_102 : i32
      %scan3A_104 = arith.constant 1 : i32
      scf.for %scan3A_117 = %scan3A_101 to %scan3A_103 step %scan3A_104  : i32 {
        %mul3A_118 = arith.constant 5 : i32
        %mul3A_119 = arith.muli %scan3A_117, %mul3A_118 : i32
        %add3A_120 = arith.constant 0 : i32
        %add3A_121 = arith.addi %add3A_120, %mul3A_119 : i32
        %add3A_122 = arith.constant 0 : i32
        %add3A_123 = arith.addi %add3A_121, %add3A_122 : i32
        %dma_wait3A_124 = arith.constant 0 : i32
        %dma_wait3A_125 = arith.constant 0 : i32
        %dma_wait3A_126 = arith.constant 0 : i32
        %dma_wait3A_127 = arith.constant 0 : i32
        %dma_wait3A_128 = tpu.memref_slice %arg10[%dma_wait3A_125, %dma_wait3A_126, %dma_wait3A_127] : memref<5x80x64xbf16, #tpu.memory_space<vmem>> -> memref<1x80x64xbf16, #tpu.memory_space<vmem>>
        %dma_wait3A_129 = tpu.memref_squeeze %dma_wait3A_128 : memref<1x80x64xbf16, #tpu.memory_space<vmem>> -> memref<80x64xbf16, #tpu.memory_space<vmem>>
        %dma_wait3A_130 = arith.constant 0 : i32
        %dma_wait3A_131 = tpu.memref_slice %arg8[%dma_wait3A_124, %dma_wait3A_130] : memref<250x80xi32, #tpu.memory_space<vmem>> -> memref<1x80xi32, #tpu.memory_space<vmem>>
        %dma_wait3A_132 = tpu.memref_squeeze %dma_wait3A_131 : memref<1x80xi32, #tpu.memory_space<vmem>> -> memref<80xi32, #tpu.memory_space<vmem>>
        %dma_wait3A_133 = arith.constant 0 : i32
        %dma_wait3A_134 = arith.constant 0 : i32
        %dma_wait3A_135 = tpu.memref_slice %arg2[%dma_wait3A_133, %dma_wait3A_134] : memref<10000x64xbf16, #tpu.memory_space<hbm>> -> memref<10000x64xbf16, #tpu.memory_space<hbm>>
        tpu.wait_indirect_dma semaphore(%arg16 : memref<!tpu.dma_semaphore, #tpu.memory_space<semaphore_mem>>) src(%dma_wait3A_135 : memref<10000x64xbf16, #tpu.memory_space<hbm>>) dst(%dma_wait3A_129 : memref<80x64xbf16, #tpu.memory_space<vmem>>)
        %dma_start3A_136 = arith.constant 0 : i32
        %dma_start3A_137 = arith.constant 0 : i32
        %dma_start3A_138 = arith.constant 0 : i32
        %dma_start3A_139 = tpu.memref_slice %arg10[%dma_start3A_136, %dma_start3A_137, %dma_start3A_138] : memref<5x80x64xbf16, #tpu.memory_space<vmem>> -> memref<1x80x64xbf16, #tpu.memory_space<vmem>>
        %dma_start3A_140 = tpu.memref_squeeze %dma_start3A_139 : memref<1x80x64xbf16, #tpu.memory_space<vmem>> -> memref<80x64xbf16, #tpu.memory_space<vmem>>
        %dma_start3A_141 = arith.constant 0 : i32
        %dma_start3A_142 = tpu.memref_slice %arg9[%add3A_123, %dma_start3A_141] : memref<250x80xi32, #tpu.memory_space<vmem>> -> memref<1x80xi32, #tpu.memory_space<vmem>>
        %dma_start3A_143 = tpu.memref_squeeze %dma_start3A_142 : memref<1x80xi32, #tpu.memory_space<vmem>> -> memref<80xi32, #tpu.memory_space<vmem>>
        %dma_start3A_144 = arith.constant 0 : i32
        %dma_start3A_145 = arith.constant 0 : i32
        %dma_start3A_146 = tpu.memref_slice %arg14[%dma_start3A_144, %dma_start3A_145] : memref<10240x64xbf16, #tpu.memory_space<vmem_shared>> -> memref<10240x64xbf16, #tpu.memory_space<vmem_shared>>
        tpu.enqueue_indirect_dma source(%dma_start3A_140 : memref<80x64xbf16, #tpu.memory_space<vmem>>) target(%dma_start3A_146 : memref<10240x64xbf16, #tpu.memory_space<vmem_shared>>) offsets(%dma_start3A_143 : memref<80xi32, #tpu.memory_space<vmem>>) semaphore(%arg21 : memref<!tpu.dma_semaphore, #tpu.memory_space<semaphore_mem>>) {add = true}
        %ge3A = arith.constant 0 : i32
        %ge3A_147 = arith.cmpi sge, %add3A_123, %ge3A : i32
        %lt3A = arith.constant 125 : i32
        %lt3A_148 = arith.cmpi slt, %add3A_123, %lt3A : i32
        %and3A = arith.andi %ge3A_147, %lt3A_148 : i1
        %convert_element_type3A_149 = arith.extui %and3A : i1 to i32
        %cond3A_150 = arith.constant 0 : i32
        %cond3A_151 = arith.cmpi ne, %convert_element_type3A_149, %cond3A_150 : i32
        scf.if %cond3A_151 {
          "tpu.region"() ({
            %run_scoped3A = tpu.sem_alloc : memref<!tpu.dma_semaphore, #tpu.memory_space<semaphore_mem>>
            %dma_start3A_368 = arith.constant 0 : i32
            %dma_start3A_369 = tpu.memref_slice %arg9[%add3A_123, %dma_start3A_368] : memref<250x80xi32, #tpu.memory_space<vmem>> -> memref<1x80xi32, #tpu.memory_space<vmem>>
            %dma_start3A_370 = tpu.memref_squeeze %dma_start3A_369 : memref<1x80xi32, #tpu.memory_space<vmem>> -> memref<80xi32, #tpu.memory_space<vmem>>
            %dma_start3A_371 = arith.constant 0 : i32
            %dma_start3A_372 = arith.constant 0 : i32
            %dma_start3A_373 = tpu.memref_slice %arg15[%dma_start3A_371, %dma_start3A_372] : memref<10240x16xf32, #tpu.memory_space<vmem_shared>> -> memref<10240x16xf32, #tpu.memory_space<vmem_shared>>
            tpu.enqueue_indirect_dma source(%arg12 : memref<80x16xf32, #tpu.memory_space<vmem>>) target(%dma_start3A_373 : memref<10240x16xf32, #tpu.memory_space<vmem_shared>>) offsets(%dma_start3A_370 : memref<80xi32, #tpu.memory_space<vmem>>) semaphore(%run_scoped3A : memref<!tpu.dma_semaphore, #tpu.memory_space<semaphore_mem>>) {add = true}
            %dma_wait3A_374 = arith.constant 0 : i32
            %dma_wait3A_375 = tpu.memref_slice %arg9[%add3A_123, %dma_wait3A_374] : memref<250x80xi32, #tpu.memory_space<vmem>> -> memref<1x80xi32, #tpu.memory_space<vmem>>
            %dma_wait3A_376 = tpu.memref_squeeze %dma_wait3A_375 : memref<1x80xi32, #tpu.memory_space<vmem>> -> memref<80xi32, #tpu.memory_space<vmem>>
            %dma_wait3A_377 = arith.constant 0 : i32
            %dma_wait3A_378 = arith.constant 0 : i32
            %dma_wait3A_379 = tpu.memref_slice %arg15[%dma_wait3A_377, %dma_wait3A_378] : memref<10240x16xf32, #tpu.memory_space<vmem_shared>> -> memref<10240x16xf32, #tpu.memory_space<vmem_shared>>
            tpu.wait_indirect_dma semaphore(%run_scoped3A : memref<!tpu.dma_semaphore, #tpu.memory_space<semaphore_mem>>) src(%arg12 : memref<80x16xf32, #tpu.memory_space<vmem>>) dst(%dma_wait3A_379 : memref<10240x16xf32, #tpu.memory_space<vmem_shared>>)
            tpu.yield
          }) : () -> ()
        } else {
        }
        %ge3A_152 = arith.constant 1 : i32
        %ge3A_153 = arith.cmpi sge, %add3A_123, %ge3A_152 : i32
        %convert_element_type3A_154 = arith.extui %ge3A_153 : i1 to i32
        %cond3A_155 = arith.constant 0 : i32
        %cond3A_156 = arith.cmpi ne, %convert_element_type3A_154, %cond3A_155 : i32
        scf.if %cond3A_156 {
          %dma_wait3A_368 = arith.constant 4 : i32
          %dma_wait3A_369 = arith.constant 0 : i32
          %dma_wait3A_370 = arith.constant 0 : i32
          %dma_wait3A_371 = arith.constant 0 : i32
          %dma_wait3A_372 = tpu.memref_slice %arg10[%dma_wait3A_368, %dma_wait3A_370, %dma_wait3A_371] : memref<5x80x64xbf16, #tpu.memory_space<vmem>> -> memref<1x80x64xbf16, #tpu.memory_space<vmem>>
          %dma_wait3A_373 = tpu.memref_squeeze %dma_wait3A_372 : memref<1x80x64xbf16, #tpu.memory_space<vmem>> -> memref<80x64xbf16, #tpu.memory_space<vmem>>
          %dma_wait3A_374 = arith.constant 0 : i32
          %dma_wait3A_375 = tpu.memref_slice %arg9[%dma_wait3A_369, %dma_wait3A_374] : memref<250x80xi32, #tpu.memory_space<vmem>> -> memref<1x80xi32, #tpu.memory_space<vmem>>
          %dma_wait3A_376 = tpu.memref_squeeze %dma_wait3A_375 : memref<1x80xi32, #tpu.memory_space<vmem>> -> memref<80xi32, #tpu.memory_space<vmem>>
          %dma_wait3A_377 = arith.constant 0 : i32
          %dma_wait3A_378 = arith.constant 0 : i32
          %dma_wait3A_379 = tpu.memref_slice %arg14[%dma_wait3A_377, %dma_wait3A_378] : memref<10240x64xbf16, #tpu.memory_space<vmem_shared>> -> memref<10240x64xbf16, #tpu.memory_space<vmem_shared>>
          tpu.wait_indirect_dma semaphore(%arg25 : memref<!tpu.dma_semaphore, #tpu.memory_space<semaphore_mem>>) src(%dma_wait3A_373 : memref<80x64xbf16, #tpu.memory_space<vmem>>) dst(%dma_wait3A_379 : memref<10240x64xbf16, #tpu.memory_space<vmem_shared>>)
        } else {
        }
        %ge3A_157 = arith.constant 1 : i32
        %ge3A_158 = arith.cmpi sge, %add3A_123, %ge3A_157 : i32
        %sub3A = arith.constant 1 : i32
        %sub3A_159 = arith.subi %add3A_123, %sub3A : i32
        %add3A_160 = arith.constant 5 : i32
        %add3A_161 = arith.addi %sub3A_159, %add3A_160 : i32
        %lt3A_162 = arith.constant 250 : i32
        %lt3A_163 = arith.cmpi slt, %add3A_161, %lt3A_162 : i32
        %and3A_164 = arith.andi %ge3A_158, %lt3A_163 : i1
        %convert_element_type3A_165 = arith.extui %and3A_164 : i1 to i32
        %cond3A_166 = arith.constant 0 : i32
        %cond3A_167 = arith.cmpi ne, %convert_element_type3A_165, %cond3A_166 : i32
        scf.if %cond3A_167 {
          %sub3A_368 = arith.constant 1 : i32
          %sub3A_369 = arith.subi %add3A_123, %sub3A_368 : i32
          %add3A_370 = arith.constant 5 : i32
          %add3A_371 = arith.addi %sub3A_369, %add3A_370 : i32
          %dma_start3A_372 = arith.constant 4 : i32
          %dma_start3A_373 = arith.constant 0 : i32
          %dma_start3A_374 = arith.constant 0 : i32
          %dma_start3A_375 = tpu.memref_slice %arg10[%dma_start3A_372, %dma_start3A_373, %dma_start3A_374] : memref<5x80x64xbf16, #tpu.memory_space<vmem>> -> memref<1x80x64xbf16, #tpu.memory_space<vmem>>
          %dma_start3A_376 = tpu.memref_squeeze %dma_start3A_375 : memref<1x80x64xbf16, #tpu.memory_space<vmem>> -> memref<80x64xbf16, #tpu.memory_space<vmem>>
          %dma_start3A_377 = arith.constant 0 : i32
          %dma_start3A_378 = tpu.memref_slice %arg8[%add3A_371, %dma_start3A_377] : memref<250x80xi32, #tpu.memory_space<vmem>> -> memref<1x80xi32, #tpu.memory_space<vmem>>
          %dma_start3A_379 = tpu.memref_squeeze %dma_start3A_378 : memref<1x80xi32, #tpu.memory_space<vmem>> -> memref<80xi32, #tpu.memory_space<vmem>>
          %dma_start3A_380 = arith.constant 0 : i32
          %dma_start3A_381 = arith.constant 0 : i32
          %dma_start3A_382 = tpu.memref_slice %arg2[%dma_start3A_380, %dma_start3A_381] : memref<10000x64xbf16, #tpu.memory_space<hbm>> -> memref<10000x64xbf16, #tpu.memory_space<hbm>>
          tpu.enqueue_indirect_dma source(%dma_start3A_382 : memref<10000x64xbf16, #tpu.memory_space<hbm>>) target(%dma_start3A_376 : memref<80x64xbf16, #tpu.memory_space<vmem>>) offsets(%dma_start3A_379 : memref<80xi32, #tpu.memory_space<vmem>>) semaphore(%arg20 : memref<!tpu.dma_semaphore, #tpu.memory_space<semaphore_mem>>)
        } else {
        }
        %add3A_168 = arith.constant 1 : i32
        %add3A_169 = arith.addi %add3A_121, %add3A_168 : i32
        %dma_wait3A_170 = arith.constant 0 : i32
        %dma_wait3A_171 = arith.constant 1 : i32
        %dma_wait3A_172 = arith.constant 0 : i32
        %dma_wait3A_173 = arith.constant 0 : i32
        %dma_wait3A_174 = tpu.memref_slice %arg10[%dma_wait3A_171, %dma_wait3A_172, %dma_wait3A_173] : memref<5x80x64xbf16, #tpu.memory_space<vmem>> -> memref<1x80x64xbf16, #tpu.memory_space<vmem>>
        %dma_wait3A_175 = tpu.memref_squeeze %dma_wait3A_174 : memref<1x80x64xbf16, #tpu.memory_space<vmem>> -> memref<80x64xbf16, #tpu.memory_space<vmem>>
        %dma_wait3A_176 = arith.constant 0 : i32
        %dma_wait3A_177 = tpu.memref_slice %arg8[%dma_wait3A_170, %dma_wait3A_176] : memref<250x80xi32, #tpu.memory_space<vmem>> -> memref<1x80xi32, #tpu.memory_space<vmem>>
        %dma_wait3A_178 = tpu.memref_squeeze %dma_wait3A_177 : memref<1x80xi32, #tpu.memory_space<vmem>> -> memref<80xi32, #tpu.memory_space<vmem>>
        %dma_wait3A_179 = arith.constant 0 : i32
        %dma_wait3A_180 = arith.constant 0 : i32
        %dma_wait3A_181 = tpu.memref_slice %arg2[%dma_wait3A_179, %dma_wait3A_180] : memref<10000x64xbf16, #tpu.memory_space<hbm>> -> memref<10000x64xbf16, #tpu.memory_space<hbm>>
        tpu.wait_indirect_dma semaphore(%arg17 : memref<!tpu.dma_semaphore, #tpu.memory_space<semaphore_mem>>) src(%dma_wait3A_181 : memref<10000x64xbf16, #tpu.memory_space<hbm>>) dst(%dma_wait3A_175 : memref<80x64xbf16, #tpu.memory_space<vmem>>)
        %dma_start3A_182 = arith.constant 1 : i32
        %dma_start3A_183 = arith.constant 0 : i32
        %dma_start3A_184 = arith.constant 0 : i32
        %dma_start3A_185 = tpu.memref_slice %arg10[%dma_start3A_182, %dma_start3A_183, %dma_start3A_184] : memref<5x80x64xbf16, #tpu.memory_space<vmem>> -> memref<1x80x64xbf16, #tpu.memory_space<vmem>>
        %dma_start3A_186 = tpu.memref_squeeze %dma_start3A_185 : memref<1x80x64xbf16, #tpu.memory_space<vmem>> -> memref<80x64xbf16, #tpu.memory_space<vmem>>
        %dma_start3A_187 = arith.constant 0 : i32
        %dma_start3A_188 = tpu.memref_slice %arg9[%add3A_169, %dma_start3A_187] : memref<250x80xi32, #tpu.memory_space<vmem>> -> memref<1x80xi32, #tpu.memory_space<vmem>>
        %dma_start3A_189 = tpu.memref_squeeze %dma_start3A_188 : memref<1x80xi32, #tpu.memory_space<vmem>> -> memref<80xi32, #tpu.memory_space<vmem>>
        %dma_start3A_190 = arith.constant 0 : i32
        %dma_start3A_191 = arith.constant 0 : i32
        %dma_start3A_192 = tpu.memref_slice %arg14[%dma_start3A_190, %dma_start3A_191] : memref<10240x64xbf16, #tpu.memory_space<vmem_shared>> -> memref<10240x64xbf16, #tpu.memory_space<vmem_shared>>
        tpu.enqueue_indirect_dma source(%dma_start3A_186 : memref<80x64xbf16, #tpu.memory_space<vmem>>) target(%dma_start3A_192 : memref<10240x64xbf16, #tpu.memory_space<vmem_shared>>) offsets(%dma_start3A_189 : memref<80xi32, #tpu.memory_space<vmem>>) semaphore(%arg22 : memref<!tpu.dma_semaphore, #tpu.memory_space<semaphore_mem>>) {add = true}
        %ge3A_193 = arith.constant 0 : i32
        %ge3A_194 = arith.cmpi sge, %add3A_169, %ge3A_193 : i32
        %lt3A_195 = arith.constant 125 : i32
        %lt3A_196 = arith.cmpi slt, %add3A_169, %lt3A_195 : i32
        %and3A_197 = arith.andi %ge3A_194, %lt3A_196 : i1
        %convert_element_type3A_198 = arith.extui %and3A_197 : i1 to i32
        %cond3A_199 = arith.constant 0 : i32
        %cond3A_200 = arith.cmpi ne, %convert_element_type3A_198, %cond3A_199 : i32
        scf.if %cond3A_200 {
          "tpu.region"() ({
            %run_scoped3A = tpu.sem_alloc : memref<!tpu.dma_semaphore, #tpu.memory_space<semaphore_mem>>
            %dma_start3A_368 = arith.constant 0 : i32
            %dma_start3A_369 = tpu.memref_slice %arg9[%add3A_169, %dma_start3A_368] : memref<250x80xi32, #tpu.memory_space<vmem>> -> memref<1x80xi32, #tpu.memory_space<vmem>>
            %dma_start3A_370 = tpu.memref_squeeze %dma_start3A_369 : memref<1x80xi32, #tpu.memory_space<vmem>> -> memref<80xi32, #tpu.memory_space<vmem>>
            %dma_start3A_371 = arith.constant 0 : i32
            %dma_start3A_372 = arith.constant 0 : i32
            %dma_start3A_373 = tpu.memref_slice %arg15[%dma_start3A_371, %dma_start3A_372] : memref<10240x16xf32, #tpu.memory_space<vmem_shared>> -> memref<10240x16xf32, #tpu.memory_space<vmem_shared>>
            tpu.enqueue_indirect_dma source(%arg12 : memref<80x16xf32, #tpu.memory_space<vmem>>) target(%dma_start3A_373 : memref<10240x16xf32, #tpu.memory_space<vmem_shared>>) offsets(%dma_start3A_370 : memref<80xi32, #tpu.memory_space<vmem>>) semaphore(%run_scoped3A : memref<!tpu.dma_semaphore, #tpu.memory_space<semaphore_mem>>) {add = true}
            %dma_wait3A_374 = arith.constant 0 : i32
            %dma_wait3A_375 = tpu.memref_slice %arg9[%add3A_169, %dma_wait3A_374] : memref<250x80xi32, #tpu.memory_space<vmem>> -> memref<1x80xi32, #tpu.memory_space<vmem>>
            %dma_wait3A_376 = tpu.memref_squeeze %dma_wait3A_375 : memref<1x80xi32, #tpu.memory_space<vmem>> -> memref<80xi32, #tpu.memory_space<vmem>>
            %dma_wait3A_377 = arith.constant 0 : i32
            %dma_wait3A_378 = arith.constant 0 : i32
            %dma_wait3A_379 = tpu.memref_slice %arg15[%dma_wait3A_377, %dma_wait3A_378] : memref<10240x16xf32, #tpu.memory_space<vmem_shared>> -> memref<10240x16xf32, #tpu.memory_space<vmem_shared>>
            tpu.wait_indirect_dma semaphore(%run_scoped3A : memref<!tpu.dma_semaphore, #tpu.memory_space<semaphore_mem>>) src(%arg12 : memref<80x16xf32, #tpu.memory_space<vmem>>) dst(%dma_wait3A_379 : memref<10240x16xf32, #tpu.memory_space<vmem_shared>>)
            tpu.yield
          }) : () -> ()
        } else {
        }
        %ge3A_201 = arith.constant 1 : i32
        %ge3A_202 = arith.cmpi sge, %add3A_169, %ge3A_201 : i32
        %convert_element_type3A_203 = arith.extui %ge3A_202 : i1 to i32
        %cond3A_204 = arith.constant 0 : i32
        %cond3A_205 = arith.cmpi ne, %convert_element_type3A_203, %cond3A_204 : i32
        scf.if %cond3A_205 {
          %dma_wait3A_368 = arith.constant 0 : i32
          %dma_wait3A_369 = arith.constant 0 : i32
          %dma_wait3A_370 = arith.constant 0 : i32
          %dma_wait3A_371 = arith.constant 0 : i32
          %dma_wait3A_372 = tpu.memref_slice %arg10[%dma_wait3A_368, %dma_wait3A_370, %dma_wait3A_371] : memref<5x80x64xbf16, #tpu.memory_space<vmem>> -> memref<1x80x64xbf16, #tpu.memory_space<vmem>>
          %dma_wait3A_373 = tpu.memref_squeeze %dma_wait3A_372 : memref<1x80x64xbf16, #tpu.memory_space<vmem>> -> memref<80x64xbf16, #tpu.memory_space<vmem>>
          %dma_wait3A_374 = arith.constant 0 : i32
          %dma_wait3A_375 = tpu.memref_slice %arg9[%dma_wait3A_369, %dma_wait3A_374] : memref<250x80xi32, #tpu.memory_space<vmem>> -> memref<1x80xi32, #tpu.memory_space<vmem>>
          %dma_wait3A_376 = tpu.memref_squeeze %dma_wait3A_375 : memref<1x80xi32, #tpu.memory_space<vmem>> -> memref<80xi32, #tpu.memory_space<vmem>>
          %dma_wait3A_377 = arith.constant 0 : i32
          %dma_wait3A_378 = arith.constant 0 : i32
          %dma_wait3A_379 = tpu.memref_slice %arg14[%dma_wait3A_377, %dma_wait3A_378] : memref<10240x64xbf16, #tpu.memory_space<vmem_shared>> -> memref<10240x64xbf16, #tpu.memory_space<vmem_shared>>
          tpu.wait_indirect_dma semaphore(%arg21 : memref<!tpu.dma_semaphore, #tpu.memory_space<semaphore_mem>>) src(%dma_wait3A_373 : memref<80x64xbf16, #tpu.memory_space<vmem>>) dst(%dma_wait3A_379 : memref<10240x64xbf16, #tpu.memory_space<vmem_shared>>)
        } else {
        }
        %ge3A_206 = arith.constant 1 : i32
        %ge3A_207 = arith.cmpi sge, %add3A_169, %ge3A_206 : i32
        %sub3A_208 = arith.constant 1 : i32
        %sub3A_209 = arith.subi %add3A_169, %sub3A_208 : i32
        %add3A_210 = arith.constant 5 : i32
        %add3A_211 = arith.addi %sub3A_209, %add3A_210 : i32
        %lt3A_212 = arith.constant 250 : i32
        %lt3A_213 = arith.cmpi slt, %add3A_211, %lt3A_212 : i32
        %and3A_214 = arith.andi %ge3A_207, %lt3A_213 : i1
        %convert_element_type3A_215 = arith.extui %and3A_214 : i1 to i32
        %cond3A_216 = arith.constant 0 : i32
        %cond3A_217 = arith.cmpi ne, %convert_element_type3A_215, %cond3A_216 : i32
        scf.if %cond3A_217 {
          %sub3A_368 = arith.constant 1 : i32
          %sub3A_369 = arith.subi %add3A_169, %sub3A_368 : i32
          %add3A_370 = arith.constant 5 : i32
          %add3A_371 = arith.addi %sub3A_369, %add3A_370 : i32
          %dma_start3A_372 = arith.constant 0 : i32
          %dma_start3A_373 = arith.constant 0 : i32
          %dma_start3A_374 = arith.constant 0 : i32
          %dma_start3A_375 = tpu.memref_slice %arg10[%dma_start3A_372, %dma_start3A_373, %dma_start3A_374] : memref<5x80x64xbf16, #tpu.memory_space<vmem>> -> memref<1x80x64xbf16, #tpu.memory_space<vmem>>
          %dma_start3A_376 = tpu.memref_squeeze %dma_start3A_375 : memref<1x80x64xbf16, #tpu.memory_space<vmem>> -> memref<80x64xbf16, #tpu.memory_space<vmem>>
          %dma_start3A_377 = arith.constant 0 : i32
          %dma_start3A_378 = tpu.memref_slice %arg8[%add3A_371, %dma_start3A_377] : memref<250x80xi32, #tpu.memory_space<vmem>> -> memref<1x80xi32, #tpu.memory_space<vmem>>
          %dma_start3A_379 = tpu.memref_squeeze %dma_start3A_378 : memref<1x80xi32, #tpu.memory_space<vmem>> -> memref<80xi32, #tpu.memory_space<vmem>>
          %dma_start3A_380 = arith.constant 0 : i32
          %dma_start3A_381 = arith.constant 0 : i32
          %dma_start3A_382 = tpu.memref_slice %arg2[%dma_start3A_380, %dma_start3A_381] : memref<10000x64xbf16, #tpu.memory_space<hbm>> -> memref<10000x64xbf16, #tpu.memory_space<hbm>>
          tpu.enqueue_indirect_dma source(%dma_start3A_382 : memref<10000x64xbf16, #tpu.memory_space<hbm>>) target(%dma_start3A_376 : memref<80x64xbf16, #tpu.memory_space<vmem>>) offsets(%dma_start3A_379 : memref<80xi32, #tpu.memory_space<vmem>>) semaphore(%arg16 : memref<!tpu.dma_semaphore, #tpu.memory_space<semaphore_mem>>)
        } else {
        }
        %add3A_218 = arith.constant 2 : i32
        %add3A_219 = arith.addi %add3A_121, %add3A_218 : i32
        %dma_wait3A_220 = arith.constant 0 : i32
        %dma_wait3A_221 = arith.constant 2 : i32
        %dma_wait3A_222 = arith.constant 0 : i32
        %dma_wait3A_223 = arith.constant 0 : i32
        %dma_wait3A_224 = tpu.memref_slice %arg10[%dma_wait3A_221, %dma_wait3A_222, %dma_wait3A_223] : memref<5x80x64xbf16, #tpu.memory_space<vmem>> -> memref<1x80x64xbf16, #tpu.memory_space<vmem>>
        %dma_wait3A_225 = tpu.memref_squeeze %dma_wait3A_224 : memref<1x80x64xbf16, #tpu.memory_space<vmem>> -> memref<80x64xbf16, #tpu.memory_space<vmem>>
        %dma_wait3A_226 = arith.constant 0 : i32
        %dma_wait3A_227 = tpu.memref_slice %arg8[%dma_wait3A_220, %dma_wait3A_226] : memref<250x80xi32, #tpu.memory_space<vmem>> -> memref<1x80xi32, #tpu.memory_space<vmem>>
        %dma_wait3A_228 = tpu.memref_squeeze %dma_wait3A_227 : memref<1x80xi32, #tpu.memory_space<vmem>> -> memref<80xi32, #tpu.memory_space<vmem>>
        %dma_wait3A_229 = arith.constant 0 : i32
        %dma_wait3A_230 = arith.constant 0 : i32
        %dma_wait3A_231 = tpu.memref_slice %arg2[%dma_wait3A_229, %dma_wait3A_230] : memref<10000x64xbf16, #tpu.memory_space<hbm>> -> memref<10000x64xbf16, #tpu.memory_space<hbm>>
        tpu.wait_indirect_dma semaphore(%arg18 : memref<!tpu.dma_semaphore, #tpu.memory_space<semaphore_mem>>) src(%dma_wait3A_231 : memref<10000x64xbf16, #tpu.memory_space<hbm>>) dst(%dma_wait3A_225 : memref<80x64xbf16, #tpu.memory_space<vmem>>)
        %dma_start3A_232 = arith.constant 2 : i32
        %dma_start3A_233 = arith.constant 0 : i32
        %dma_start3A_234 = arith.constant 0 : i32
        %dma_start3A_235 = tpu.memref_slice %arg10[%dma_start3A_232, %dma_start3A_233, %dma_start3A_234] : memref<5x80x64xbf16, #tpu.memory_space<vmem>> -> memref<1x80x64xbf16, #tpu.memory_space<vmem>>
        %dma_start3A_236 = tpu.memref_squeeze %dma_start3A_235 : memref<1x80x64xbf16, #tpu.memory_space<vmem>> -> memref<80x64xbf16, #tpu.memory_space<vmem>>
        %dma_start3A_237 = arith.constant 0 : i32
        %dma_start3A_238 = tpu.memref_slice %arg9[%add3A_219, %dma_start3A_237] : memref<250x80xi32, #tpu.memory_space<vmem>> -> memref<1x80xi32, #tpu.memory_space<vmem>>
        %dma_start3A_239 = tpu.memref_squeeze %dma_start3A_238 : memref<1x80xi32, #tpu.memory_space<vmem>> -> memref<80xi32, #tpu.memory_space<vmem>>
        %dma_start3A_240 = arith.constant 0 : i32
        %dma_start3A_241 = arith.constant 0 : i32
        %dma_start3A_242 = tpu.memref_slice %arg14[%dma_start3A_240, %dma_start3A_241] : memref<10240x64xbf16, #tpu.memory_space<vmem_shared>> -> memref<10240x64xbf16, #tpu.memory_space<vmem_shared>>
        tpu.enqueue_indirect_dma source(%dma_start3A_236 : memref<80x64xbf16, #tpu.memory_space<vmem>>) target(%dma_start3A_242 : memref<10240x64xbf16, #tpu.memory_space<vmem_shared>>) offsets(%dma_start3A_239 : memref<80xi32, #tpu.memory_space<vmem>>) semaphore(%arg23 : memref<!tpu.dma_semaphore, #tpu.memory_space<semaphore_mem>>) {add = true}
        %ge3A_243 = arith.constant 0 : i32
        %ge3A_244 = arith.cmpi sge, %add3A_219, %ge3A_243 : i32
        %lt3A_245 = arith.constant 125 : i32
        %lt3A_246 = arith.cmpi slt, %add3A_219, %lt3A_245 : i32
        %and3A_247 = arith.andi %ge3A_244, %lt3A_246 : i1
        %convert_element_type3A_248 = arith.extui %and3A_247 : i1 to i32
        %cond3A_249 = arith.constant 0 : i32
        %cond3A_250 = arith.cmpi ne, %convert_element_type3A_248, %cond3A_249 : i32
        scf.if %cond3A_250 {
          "tpu.region"() ({
            %run_scoped3A = tpu.sem_alloc : memref<!tpu.dma_semaphore, #tpu.memory_space<semaphore_mem>>
            %dma_start3A_368 = arith.constant 0 : i32
            %dma_start3A_369 = tpu.memref_slice %arg9[%add3A_219, %dma_start3A_368] : memref<250x80xi32, #tpu.memory_space<vmem>> -> memref<1x80xi32, #tpu.memory_space<vmem>>
            %dma_start3A_370 = tpu.memref_squeeze %dma_start3A_369 : memref<1x80xi32, #tpu.memory_space<vmem>> -> memref<80xi32, #tpu.memory_space<vmem>>
            %dma_start3A_371 = arith.constant 0 : i32
            %dma_start3A_372 = arith.constant 0 : i32
            %dma_start3A_373 = tpu.memref_slice %arg15[%dma_start3A_371, %dma_start3A_372] : memref<10240x16xf32, #tpu.memory_space<vmem_shared>> -> memref<10240x16xf32, #tpu.memory_space<vmem_shared>>
            tpu.enqueue_indirect_dma source(%arg12 : memref<80x16xf32, #tpu.memory_space<vmem>>) target(%dma_start3A_373 : memref<10240x16xf32, #tpu.memory_space<vmem_shared>>) offsets(%dma_start3A_370 : memref<80xi32, #tpu.memory_space<vmem>>) semaphore(%run_scoped3A : memref<!tpu.dma_semaphore, #tpu.memory_space<semaphore_mem>>) {add = true}
            %dma_wait3A_374 = arith.constant 0 : i32
            %dma_wait3A_375 = tpu.memref_slice %arg9[%add3A_219, %dma_wait3A_374] : memref<250x80xi32, #tpu.memory_space<vmem>> -> memref<1x80xi32, #tpu.memory_space<vmem>>
            %dma_wait3A_376 = tpu.memref_squeeze %dma_wait3A_375 : memref<1x80xi32, #tpu.memory_space<vmem>> -> memref<80xi32, #tpu.memory_space<vmem>>
            %dma_wait3A_377 = arith.constant 0 : i32
            %dma_wait3A_378 = arith.constant 0 : i32
            %dma_wait3A_379 = tpu.memref_slice %arg15[%dma_wait3A_377, %dma_wait3A_378] : memref<10240x16xf32, #tpu.memory_space<vmem_shared>> -> memref<10240x16xf32, #tpu.memory_space<vmem_shared>>
            tpu.wait_indirect_dma semaphore(%run_scoped3A : memref<!tpu.dma_semaphore, #tpu.memory_space<semaphore_mem>>) src(%arg12 : memref<80x16xf32, #tpu.memory_space<vmem>>) dst(%dma_wait3A_379 : memref<10240x16xf32, #tpu.memory_space<vmem_shared>>)
            tpu.yield
          }) : () -> ()
        } else {
        }
        %ge3A_251 = arith.constant 1 : i32
        %ge3A_252 = arith.cmpi sge, %add3A_219, %ge3A_251 : i32
        %convert_element_type3A_253 = arith.extui %ge3A_252 : i1 to i32
        %cond3A_254 = arith.constant 0 : i32
        %cond3A_255 = arith.cmpi ne, %convert_element_type3A_253, %cond3A_254 : i32
        scf.if %cond3A_255 {
          %dma_wait3A_368 = arith.constant 1 : i32
          %dma_wait3A_369 = arith.constant 0 : i32
          %dma_wait3A_370 = arith.constant 0 : i32
          %dma_wait3A_371 = arith.constant 0 : i32
          %dma_wait3A_372 = tpu.memref_slice %arg10[%dma_wait3A_368, %dma_wait3A_370, %dma_wait3A_371] : memref<5x80x64xbf16, #tpu.memory_space<vmem>> -> memref<1x80x64xbf16, #tpu.memory_space<vmem>>
          %dma_wait3A_373 = tpu.memref_squeeze %dma_wait3A_372 : memref<1x80x64xbf16, #tpu.memory_space<vmem>> -> memref<80x64xbf16, #tpu.memory_space<vmem>>
          %dma_wait3A_374 = arith.constant 0 : i32
          %dma_wait3A_375 = tpu.memref_slice %arg9[%dma_wait3A_369, %dma_wait3A_374] : memref<250x80xi32, #tpu.memory_space<vmem>> -> memref<1x80xi32, #tpu.memory_space<vmem>>
          %dma_wait3A_376 = tpu.memref_squeeze %dma_wait3A_375 : memref<1x80xi32, #tpu.memory_space<vmem>> -> memref<80xi32, #tpu.memory_space<vmem>>
          %dma_wait3A_377 = arith.constant 0 : i32
          %dma_wait3A_378 = arith.constant 0 : i32
          %dma_wait3A_379 = tpu.memref_slice %arg14[%dma_wait3A_377, %dma_wait3A_378] : memref<10240x64xbf16, #tpu.memory_space<vmem_shared>> -> memref<10240x64xbf16, #tpu.memory_space<vmem_shared>>
          tpu.wait_indirect_dma semaphore(%arg22 : memref<!tpu.dma_semaphore, #tpu.memory_space<semaphore_mem>>) src(%dma_wait3A_373 : memref<80x64xbf16, #tpu.memory_space<vmem>>) dst(%dma_wait3A_379 : memref<10240x64xbf16, #tpu.memory_space<vmem_shared>>)
        } else {
        }
        %ge3A_256 = arith.constant 1 : i32
        %ge3A_257 = arith.cmpi sge, %add3A_219, %ge3A_256 : i32
        %sub3A_258 = arith.constant 1 : i32
        %sub3A_259 = arith.subi %add3A_219, %sub3A_258 : i32
        %add3A_260 = arith.constant 5 : i32
        %add3A_261 = arith.addi %sub3A_259, %add3A_260 : i32
        %lt3A_262 = arith.constant 250 : i32
        %lt3A_263 = arith.cmpi slt, %add3A_261, %lt3A_262 : i32
        %and3A_264 = arith.andi %ge3A_257, %lt3A_263 : i1
        %convert_element_type3A_265 = arith.extui %and3A_264 : i1 to i32
        %cond3A_266 = arith.constant 0 : i32
        %cond3A_267 = arith.cmpi ne, %convert_element_type3A_265, %cond3A_266 : i32
        scf.if %cond3A_267 {
          %sub3A_368 = arith.constant 1 : i32
          %sub3A_369 = arith.subi %add3A_219, %sub3A_368 : i32
          %add3A_370 = arith.constant 5 : i32
          %add3A_371 = arith.addi %sub3A_369, %add3A_370 : i32
          %dma_start3A_372 = arith.constant 1 : i32
          %dma_start3A_373 = arith.constant 0 : i32
          %dma_start3A_374 = arith.constant 0 : i32
          %dma_start3A_375 = tpu.memref_slice %arg10[%dma_start3A_372, %dma_start3A_373, %dma_start3A_374] : memref<5x80x64xbf16, #tpu.memory_space<vmem>> -> memref<1x80x64xbf16, #tpu.memory_space<vmem>>
          %dma_start3A_376 = tpu.memref_squeeze %dma_start3A_375 : memref<1x80x64xbf16, #tpu.memory_space<vmem>> -> memref<80x64xbf16, #tpu.memory_space<vmem>>
          %dma_start3A_377 = arith.constant 0 : i32
          %dma_start3A_378 = tpu.memref_slice %arg8[%add3A_371, %dma_start3A_377] : memref<250x80xi32, #tpu.memory_space<vmem>> -> memref<1x80xi32, #tpu.memory_space<vmem>>
          %dma_start3A_379 = tpu.memref_squeeze %dma_start3A_378 : memref<1x80xi32, #tpu.memory_space<vmem>> -> memref<80xi32, #tpu.memory_space<vmem>>
          %dma_start3A_380 = arith.constant 0 : i32
          %dma_start3A_381 = arith.constant 0 : i32
          %dma_start3A_382 = tpu.memref_slice %arg2[%dma_start3A_380, %dma_start3A_381] : memref<10000x64xbf16, #tpu.memory_space<hbm>> -> memref<10000x64xbf16, #tpu.memory_space<hbm>>
          tpu.enqueue_indirect_dma source(%dma_start3A_382 : memref<10000x64xbf16, #tpu.memory_space<hbm>>) target(%dma_start3A_376 : memref<80x64xbf16, #tpu.memory_space<vmem>>) offsets(%dma_start3A_379 : memref<80xi32, #tpu.memory_space<vmem>>) semaphore(%arg17 : memref<!tpu.dma_semaphore, #tpu.memory_space<semaphore_mem>>)
        } else {
        }
        %add3A_268 = arith.constant 3 : i32
        %add3A_269 = arith.addi %add3A_121, %add3A_268 : i32
        %dma_wait3A_270 = arith.constant 0 : i32
        %dma_wait3A_271 = arith.constant 3 : i32
        %dma_wait3A_272 = arith.constant 0 : i32
        %dma_wait3A_273 = arith.constant 0 : i32
        %dma_wait3A_274 = tpu.memref_slice %arg10[%dma_wait3A_271, %dma_wait3A_272, %dma_wait3A_273] : memref<5x80x64xbf16, #tpu.memory_space<vmem>> -> memref<1x80x64xbf16, #tpu.memory_space<vmem>>
        %dma_wait3A_275 = tpu.memref_squeeze %dma_wait3A_274 : memref<1x80x64xbf16, #tpu.memory_space<vmem>> -> memref<80x64xbf16, #tpu.memory_space<vmem>>
        %dma_wait3A_276 = arith.constant 0 : i32
        %dma_wait3A_277 = tpu.memref_slice %arg8[%dma_wait3A_270, %dma_wait3A_276] : memref<250x80xi32, #tpu.memory_space<vmem>> -> memref<1x80xi32, #tpu.memory_space<vmem>>
        %dma_wait3A_278 = tpu.memref_squeeze %dma_wait3A_277 : memref<1x80xi32, #tpu.memory_space<vmem>> -> memref<80xi32, #tpu.memory_space<vmem>>
        %dma_wait3A_279 = arith.constant 0 : i32
        %dma_wait3A_280 = arith.constant 0 : i32
        %dma_wait3A_281 = tpu.memref_slice %arg2[%dma_wait3A_279, %dma_wait3A_280] : memref<10000x64xbf16, #tpu.memory_space<hbm>> -> memref<10000x64xbf16, #tpu.memory_space<hbm>>
        tpu.wait_indirect_dma semaphore(%arg19 : memref<!tpu.dma_semaphore, #tpu.memory_space<semaphore_mem>>) src(%dma_wait3A_281 : memref<10000x64xbf16, #tpu.memory_space<hbm>>) dst(%dma_wait3A_275 : memref<80x64xbf16, #tpu.memory_space<vmem>>)
        %dma_start3A_282 = arith.constant 3 : i32
        %dma_start3A_283 = arith.constant 0 : i32
        %dma_start3A_284 = arith.constant 0 : i32
        %dma_start3A_285 = tpu.memref_slice %arg10[%dma_start3A_282, %dma_start3A_283, %dma_start3A_284] : memref<5x80x64xbf16, #tpu.memory_space<vmem>> -> memref<1x80x64xbf16, #tpu.memory_space<vmem>>
        %dma_start3A_286 = tpu.memref_squeeze %dma_start3A_285 : memref<1x80x64xbf16, #tpu.memory_space<vmem>> -> memref<80x64xbf16, #tpu.memory_space<vmem>>
        %dma_start3A_287 = arith.constant 0 : i32
        %dma_start3A_288 = tpu.memref_slice %arg9[%add3A_269, %dma_start3A_287] : memref<250x80xi32, #tpu.memory_space<vmem>> -> memref<1x80xi32, #tpu.memory_space<vmem>>
        %dma_start3A_289 = tpu.memref_squeeze %dma_start3A_288 : memref<1x80xi32, #tpu.memory_space<vmem>> -> memref<80xi32, #tpu.memory_space<vmem>>
        %dma_start3A_290 = arith.constant 0 : i32
        %dma_start3A_291 = arith.constant 0 : i32
        %dma_start3A_292 = tpu.memref_slice %arg14[%dma_start3A_290, %dma_start3A_291] : memref<10240x64xbf16, #tpu.memory_space<vmem_shared>> -> memref<10240x64xbf16, #tpu.memory_space<vmem_shared>>
        tpu.enqueue_indirect_dma source(%dma_start3A_286 : memref<80x64xbf16, #tpu.memory_space<vmem>>) target(%dma_start3A_292 : memref<10240x64xbf16, #tpu.memory_space<vmem_shared>>) offsets(%dma_start3A_289 : memref<80xi32, #tpu.memory_space<vmem>>) semaphore(%arg24 : memref<!tpu.dma_semaphore, #tpu.memory_space<semaphore_mem>>) {add = true}
        %ge3A_293 = arith.constant 0 : i32
        %ge3A_294 = arith.cmpi sge, %add3A_269, %ge3A_293 : i32
        %lt3A_295 = arith.constant 125 : i32
        %lt3A_296 = arith.cmpi slt, %add3A_269, %lt3A_295 : i32
        %and3A_297 = arith.andi %ge3A_294, %lt3A_296 : i1
        %convert_element_type3A_298 = arith.extui %and3A_297 : i1 to i32
        %cond3A_299 = arith.constant 0 : i32
        %cond3A_300 = arith.cmpi ne, %convert_element_type3A_298, %cond3A_299 : i32
        scf.if %cond3A_300 {
          "tpu.region"() ({
            %run_scoped3A = tpu.sem_alloc : memref<!tpu.dma_semaphore, #tpu.memory_space<semaphore_mem>>
            %dma_start3A_368 = arith.constant 0 : i32
            %dma_start3A_369 = tpu.memref_slice %arg9[%add3A_269, %dma_start3A_368] : memref<250x80xi32, #tpu.memory_space<vmem>> -> memref<1x80xi32, #tpu.memory_space<vmem>>
            %dma_start3A_370 = tpu.memref_squeeze %dma_start3A_369 : memref<1x80xi32, #tpu.memory_space<vmem>> -> memref<80xi32, #tpu.memory_space<vmem>>
            %dma_start3A_371 = arith.constant 0 : i32
            %dma_start3A_372 = arith.constant 0 : i32
            %dma_start3A_373 = tpu.memref_slice %arg15[%dma_start3A_371, %dma_start3A_372] : memref<10240x16xf32, #tpu.memory_space<vmem_shared>> -> memref<10240x16xf32, #tpu.memory_space<vmem_shared>>
            tpu.enqueue_indirect_dma source(%arg12 : memref<80x16xf32, #tpu.memory_space<vmem>>) target(%dma_start3A_373 : memref<10240x16xf32, #tpu.memory_space<vmem_shared>>) offsets(%dma_start3A_370 : memref<80xi32, #tpu.memory_space<vmem>>) semaphore(%run_scoped3A : memref<!tpu.dma_semaphore, #tpu.memory_space<semaphore_mem>>) {add = true}
            %dma_wait3A_374 = arith.constant 0 : i32
            %dma_wait3A_375 = tpu.memref_slice %arg9[%add3A_269, %dma_wait3A_374] : memref<250x80xi32, #tpu.memory_space<vmem>> -> memref<1x80xi32, #tpu.memory_space<vmem>>
            %dma_wait3A_376 = tpu.memref_squeeze %dma_wait3A_375 : memref<1x80xi32, #tpu.memory_space<vmem>> -> memref<80xi32, #tpu.memory_space<vmem>>
            %dma_wait3A_377 = arith.constant 0 : i32
            %dma_wait3A_378 = arith.constant 0 : i32
            %dma_wait3A_379 = tpu.memref_slice %arg15[%dma_wait3A_377, %dma_wait3A_378] : memref<10240x16xf32, #tpu.memory_space<vmem_shared>> -> memref<10240x16xf32, #tpu.memory_space<vmem_shared>>
            tpu.wait_indirect_dma semaphore(%run_scoped3A : memref<!tpu.dma_semaphore, #tpu.memory_space<semaphore_mem>>) src(%arg12 : memref<80x16xf32, #tpu.memory_space<vmem>>) dst(%dma_wait3A_379 : memref<10240x16xf32, #tpu.memory_space<vmem_shared>>)
            tpu.yield
          }) : () -> ()
        } else {
        }
        %ge3A_301 = arith.constant 1 : i32
        %ge3A_302 = arith.cmpi sge, %add3A_269, %ge3A_301 : i32
        %convert_element_type3A_303 = arith.extui %ge3A_302 : i1 to i32
        %cond3A_304 = arith.constant 0 : i32
        %cond3A_305 = arith.cmpi ne, %convert_element_type3A_303, %cond3A_304 : i32
        scf.if %cond3A_305 {
          %dma_wait3A_368 = arith.constant 2 : i32
          %dma_wait3A_369 = arith.constant 0 : i32
          %dma_wait3A_370 = arith.constant 0 : i32
          %dma_wait3A_371 = arith.constant 0 : i32
          %dma_wait3A_372 = tpu.memref_slice %arg10[%dma_wait3A_368, %dma_wait3A_370, %dma_wait3A_371] : memref<5x80x64xbf16, #tpu.memory_space<vmem>> -> memref<1x80x64xbf16, #tpu.memory_space<vmem>>
          %dma_wait3A_373 = tpu.memref_squeeze %dma_wait3A_372 : memref<1x80x64xbf16, #tpu.memory_space<vmem>> -> memref<80x64xbf16, #tpu.memory_space<vmem>>
          %dma_wait3A_374 = arith.constant 0 : i32
          %dma_wait3A_375 = tpu.memref_slice %arg9[%dma_wait3A_369, %dma_wait3A_374] : memref<250x80xi32, #tpu.memory_space<vmem>> -> memref<1x80xi32, #tpu.memory_space<vmem>>
          %dma_wait3A_376 = tpu.memref_squeeze %dma_wait3A_375 : memref<1x80xi32, #tpu.memory_space<vmem>> -> memref<80xi32, #tpu.memory_space<vmem>>
          %dma_wait3A_377 = arith.constant 0 : i32
          %dma_wait3A_378 = arith.constant 0 : i32
          %dma_wait3A_379 = tpu.memref_slice %arg14[%dma_wait3A_377, %dma_wait3A_378] : memref<10240x64xbf16, #tpu.memory_space<vmem_shared>> -> memref<10240x64xbf16, #tpu.memory_space<vmem_shared>>
          tpu.wait_indirect_dma semaphore(%arg23 : memref<!tpu.dma_semaphore, #tpu.memory_space<semaphore_mem>>) src(%dma_wait3A_373 : memref<80x64xbf16, #tpu.memory_space<vmem>>) dst(%dma_wait3A_379 : memref<10240x64xbf16, #tpu.memory_space<vmem_shared>>)
        } else {
        }
        %ge3A_306 = arith.constant 1 : i32
        %ge3A_307 = arith.cmpi sge, %add3A_269, %ge3A_306 : i32
        %sub3A_308 = arith.constant 1 : i32
        %sub3A_309 = arith.subi %add3A_269, %sub3A_308 : i32
        %add3A_310 = arith.constant 5 : i32
        %add3A_311 = arith.addi %sub3A_309, %add3A_310 : i32
        %lt3A_312 = arith.constant 250 : i32
        %lt3A_313 = arith.cmpi slt, %add3A_311, %lt3A_312 : i32
        %and3A_314 = arith.andi %ge3A_307, %lt3A_313 : i1
        %convert_element_type3A_315 = arith.extui %and3A_314 : i1 to i32
        %cond3A_316 = arith.constant 0 : i32
        %cond3A_317 = arith.cmpi ne, %convert_element_type3A_315, %cond3A_316 : i32
        scf.if %cond3A_317 {
          %sub3A_368 = arith.constant 1 : i32
          %sub3A_369 = arith.subi %add3A_269, %sub3A_368 : i32
          %add3A_370 = arith.constant 5 : i32
          %add3A_371 = arith.addi %sub3A_369, %add3A_370 : i32
          %dma_start3A_372 = arith.constant 2 : i32
          %dma_start3A_373 = arith.constant 0 : i32
          %dma_start3A_374 = arith.constant 0 : i32
          %dma_start3A_375 = tpu.memref_slice %arg10[%dma_start3A_372, %dma_start3A_373, %dma_start3A_374] : memref<5x80x64xbf16, #tpu.memory_space<vmem>> -> memref<1x80x64xbf16, #tpu.memory_space<vmem>>
          %dma_start3A_376 = tpu.memref_squeeze %dma_start3A_375 : memref<1x80x64xbf16, #tpu.memory_space<vmem>> -> memref<80x64xbf16, #tpu.memory_space<vmem>>
          %dma_start3A_377 = arith.constant 0 : i32
          %dma_start3A_378 = tpu.memref_slice %arg8[%add3A_371, %dma_start3A_377] : memref<250x80xi32, #tpu.memory_space<vmem>> -> memref<1x80xi32, #tpu.memory_space<vmem>>
          %dma_start3A_379 = tpu.memref_squeeze %dma_start3A_378 : memref<1x80xi32, #tpu.memory_space<vmem>> -> memref<80xi32, #tpu.memory_space<vmem>>
          %dma_start3A_380 = arith.constant 0 : i32
          %dma_start3A_381 = arith.constant 0 : i32
          %dma_start3A_382 = tpu.memref_slice %arg2[%dma_start3A_380, %dma_start3A_381] : memref<10000x64xbf16, #tpu.memory_space<hbm>> -> memref<10000x64xbf16, #tpu.memory_space<hbm>>
          tpu.enqueue_indirect_dma source(%dma_start3A_382 : memref<10000x64xbf16, #tpu.memory_space<hbm>>) target(%dma_start3A_376 : memref<80x64xbf16, #tpu.memory_space<vmem>>) offsets(%dma_start3A_379 : memref<80xi32, #tpu.memory_space<vmem>>) semaphore(%arg18 : memref<!tpu.dma_semaphore, #tpu.memory_space<semaphore_mem>>)
        } else {
        }
        %add3A_318 = arith.constant 4 : i32
        %add3A_319 = arith.addi %add3A_121, %add3A_318 : i32
        %dma_wait3A_320 = arith.constant 0 : i32
        %dma_wait3A_321 = arith.constant 4 : i32
        %dma_wait3A_322 = arith.constant 0 : i32
        %dma_wait3A_323 = arith.constant 0 : i32
        %dma_wait3A_324 = tpu.memref_slice %arg10[%dma_wait3A_321, %dma_wait3A_322, %dma_wait3A_323] : memref<5x80x64xbf16, #tpu.memory_space<vmem>> -> memref<1x80x64xbf16, #tpu.memory_space<vmem>>
        %dma_wait3A_325 = tpu.memref_squeeze %dma_wait3A_324 : memref<1x80x64xbf16, #tpu.memory_space<vmem>> -> memref<80x64xbf16, #tpu.memory_space<vmem>>
        %dma_wait3A_326 = arith.constant 0 : i32
        %dma_wait3A_327 = tpu.memref_slice %arg8[%dma_wait3A_320, %dma_wait3A_326] : memref<250x80xi32, #tpu.memory_space<vmem>> -> memref<1x80xi32, #tpu.memory_space<vmem>>
        %dma_wait3A_328 = tpu.memref_squeeze %dma_wait3A_327 : memref<1x80xi32, #tpu.memory_space<vmem>> -> memref<80xi32, #tpu.memory_space<vmem>>
        %dma_wait3A_329 = arith.constant 0 : i32
        %dma_wait3A_330 = arith.constant 0 : i32
        %dma_wait3A_331 = tpu.memref_slice %arg2[%dma_wait3A_329, %dma_wait3A_330] : memref<10000x64xbf16, #tpu.memory_space<hbm>> -> memref<10000x64xbf16, #tpu.memory_space<hbm>>
        tpu.wait_indirect_dma semaphore(%arg20 : memref<!tpu.dma_semaphore, #tpu.memory_space<semaphore_mem>>) src(%dma_wait3A_331 : memref<10000x64xbf16, #tpu.memory_space<hbm>>) dst(%dma_wait3A_325 : memref<80x64xbf16, #tpu.memory_space<vmem>>)
        %dma_start3A_332 = arith.constant 4 : i32
        %dma_start3A_333 = arith.constant 0 : i32
        %dma_start3A_334 = arith.constant 0 : i32
        %dma_start3A_335 = tpu.memref_slice %arg10[%dma_start3A_332, %dma_start3A_333, %dma_start3A_334] : memref<5x80x64xbf16, #tpu.memory_space<vmem>> -> memref<1x80x64xbf16, #tpu.memory_space<vmem>>
        %dma_start3A_336 = tpu.memref_squeeze %dma_start3A_335 : memref<1x80x64xbf16, #tpu.memory_space<vmem>> -> memref<80x64xbf16, #tpu.memory_space<vmem>>
        %dma_start3A_337 = arith.constant 0 : i32
        %dma_start3A_338 = tpu.memref_slice %arg9[%add3A_319, %dma_start3A_337] : memref<250x80xi32, #tpu.memory_space<vmem>> -> memref<1x80xi32, #tpu.memory_space<vmem>>
        %dma_start3A_339 = tpu.memref_squeeze %dma_start3A_338 : memref<1x80xi32, #tpu.memory_space<vmem>> -> memref<80xi32, #tpu.memory_space<vmem>>
        %dma_start3A_340 = arith.constant 0 : i32
        %dma_start3A_341 = arith.constant 0 : i32
        %dma_start3A_342 = tpu.memref_slice %arg14[%dma_start3A_340, %dma_start3A_341] : memref<10240x64xbf16, #tpu.memory_space<vmem_shared>> -> memref<10240x64xbf16, #tpu.memory_space<vmem_shared>>
        tpu.enqueue_indirect_dma source(%dma_start3A_336 : memref<80x64xbf16, #tpu.memory_space<vmem>>) target(%dma_start3A_342 : memref<10240x64xbf16, #tpu.memory_space<vmem_shared>>) offsets(%dma_start3A_339 : memref<80xi32, #tpu.memory_space<vmem>>) semaphore(%arg25 : memref<!tpu.dma_semaphore, #tpu.memory_space<semaphore_mem>>) {add = true}
        %ge3A_343 = arith.constant 0 : i32
        %ge3A_344 = arith.cmpi sge, %add3A_319, %ge3A_343 : i32
        %lt3A_345 = arith.constant 125 : i32
        %lt3A_346 = arith.cmpi slt, %add3A_319, %lt3A_345 : i32
        %and3A_347 = arith.andi %ge3A_344, %lt3A_346 : i1
        %convert_element_type3A_348 = arith.extui %and3A_347 : i1 to i32
        %cond3A_349 = arith.constant 0 : i32
        %cond3A_350 = arith.cmpi ne, %convert_element_type3A_348, %cond3A_349 : i32
        scf.if %cond3A_350 {
          "tpu.region"() ({
            %run_scoped3A = tpu.sem_alloc : memref<!tpu.dma_semaphore, #tpu.memory_space<semaphore_mem>>
            %dma_start3A_368 = arith.constant 0 : i32
            %dma_start3A_369 = tpu.memref_slice %arg9[%add3A_319, %dma_start3A_368] : memref<250x80xi32, #tpu.memory_space<vmem>> -> memref<1x80xi32, #tpu.memory_space<vmem>>
            %dma_start3A_370 = tpu.memref_squeeze %dma_start3A_369 : memref<1x80xi32, #tpu.memory_space<vmem>> -> memref<80xi32, #tpu.memory_space<vmem>>
            %dma_start3A_371 = arith.constant 0 : i32
            %dma_start3A_372 = arith.constant 0 : i32
            %dma_start3A_373 = tpu.memref_slice %arg15[%dma_start3A_371, %dma_start3A_372] : memref<10240x16xf32, #tpu.memory_space<vmem_shared>> -> memref<10240x16xf32, #tpu.memory_space<vmem_shared>>
            tpu.enqueue_indirect_dma source(%arg12 : memref<80x16xf32, #tpu.memory_space<vmem>>) target(%dma_start3A_373 : memref<10240x16xf32, #tpu.memory_space<vmem_shared>>) offsets(%dma_start3A_370 : memref<80xi32, #tpu.memory_space<vmem>>) semaphore(%run_scoped3A : memref<!tpu.dma_semaphore, #tpu.memory_space<semaphore_mem>>) {add = true}
            %dma_wait3A_374 = arith.constant 0 : i32
            %dma_wait3A_375 = tpu.memref_slice %arg9[%add3A_319, %dma_wait3A_374] : memref<250x80xi32, #tpu.memory_space<vmem>> -> memref<1x80xi32, #tpu.memory_space<vmem>>
            %dma_wait3A_376 = tpu.memref_squeeze %dma_wait3A_375 : memref<1x80xi32, #tpu.memory_space<vmem>> -> memref<80xi32, #tpu.memory_space<vmem>>
            %dma_wait3A_377 = arith.constant 0 : i32
            %dma_wait3A_378 = arith.constant 0 : i32
            %dma_wait3A_379 = tpu.memref_slice %arg15[%dma_wait3A_377, %dma_wait3A_378] : memref<10240x16xf32, #tpu.memory_space<vmem_shared>> -> memref<10240x16xf32, #tpu.memory_space<vmem_shared>>
            tpu.wait_indirect_dma semaphore(%run_scoped3A : memref<!tpu.dma_semaphore, #tpu.memory_space<semaphore_mem>>) src(%arg12 : memref<80x16xf32, #tpu.memory_space<vmem>>) dst(%dma_wait3A_379 : memref<10240x16xf32, #tpu.memory_space<vmem_shared>>)
            tpu.yield
          }) : () -> ()
        } else {
        }
        %ge3A_351 = arith.constant 1 : i32
        %ge3A_352 = arith.cmpi sge, %add3A_319, %ge3A_351 : i32
        %convert_element_type3A_353 = arith.extui %ge3A_352 : i1 to i32
        %cond3A_354 = arith.constant 0 : i32
        %cond3A_355 = arith.cmpi ne, %convert_element_type3A_353, %cond3A_354 : i32
        scf.if %cond3A_355 {
          %dma_wait3A_368 = arith.constant 3 : i32
          %dma_wait3A_369 = arith.constant 0 : i32
          %dma_wait3A_370 = arith.constant 0 : i32
          %dma_wait3A_371 = arith.constant 0 : i32
          %dma_wait3A_372 = tpu.memref_slice %arg10[%dma_wait3A_368, %dma_wait3A_370, %dma_wait3A_371] : memref<5x80x64xbf16, #tpu.memory_space<vmem>> -> memref<1x80x64xbf16, #tpu.memory_space<vmem>>
          %dma_wait3A_373 = tpu.memref_squeeze %dma_wait3A_372 : memref<1x80x64xbf16, #tpu.memory_space<vmem>> -> memref<80x64xbf16, #tpu.memory_space<vmem>>
          %dma_wait3A_374 = arith.constant 0 : i32
          %dma_wait3A_375 = tpu.memref_slice %arg9[%dma_wait3A_369, %dma_wait3A_374] : memref<250x80xi32, #tpu.memory_space<vmem>> -> memref<1x80xi32, #tpu.memory_space<vmem>>
          %dma_wait3A_376 = tpu.memref_squeeze %dma_wait3A_375 : memref<1x80xi32, #tpu.memory_space<vmem>> -> memref<80xi32, #tpu.memory_space<vmem>>
          %dma_wait3A_377 = arith.constant 0 : i32
          %dma_wait3A_378 = arith.constant 0 : i32
          %dma_wait3A_379 = tpu.memref_slice %arg14[%dma_wait3A_377, %dma_wait3A_378] : memref<10240x64xbf16, #tpu.memory_space<vmem_shared>> -> memref<10240x64xbf16, #tpu.memory_space<vmem_shared>>
          tpu.wait_indirect_dma semaphore(%arg24 : memref<!tpu.dma_semaphore, #tpu.memory_space<semaphore_mem>>) src(%dma_wait3A_373 : memref<80x64xbf16, #tpu.memory_space<vmem>>) dst(%dma_wait3A_379 : memref<10240x64xbf16, #tpu.memory_space<vmem_shared>>)
        } else {
        }
        %ge3A_356 = arith.constant 1 : i32
        %ge3A_357 = arith.cmpi sge, %add3A_319, %ge3A_356 : i32
        %sub3A_358 = arith.constant 1 : i32
        %sub3A_359 = arith.subi %add3A_319, %sub3A_358 : i32
        %add3A_360 = arith.constant 5 : i32
        %add3A_361 = arith.addi %sub3A_359, %add3A_360 : i32
        %lt3A_362 = arith.constant 250 : i32
        %lt3A_363 = arith.cmpi slt, %add3A_361, %lt3A_362 : i32
        %and3A_364 = arith.andi %ge3A_357, %lt3A_363 : i1
        %convert_element_type3A_365 = arith.extui %and3A_364 : i1 to i32
        %cond3A_366 = arith.constant 0 : i32
        %cond3A_367 = arith.cmpi ne, %convert_element_type3A_365, %cond3A_366 : i32
        scf.if %cond3A_367 {
          %sub3A_368 = arith.constant 1 : i32
          %sub3A_369 = arith.subi %add3A_319, %sub3A_368 : i32
          %add3A_370 = arith.constant 5 : i32
          %add3A_371 = arith.addi %sub3A_369, %add3A_370 : i32
          %dma_start3A_372 = arith.constant 3 : i32
          %dma_start3A_373 = arith.constant 0 : i32
          %dma_start3A_374 = arith.constant 0 : i32
          %dma_start3A_375 = tpu.memref_slice %arg10[%dma_start3A_372, %dma_start3A_373, %dma_start3A_374] : memref<5x80x64xbf16, #tpu.memory_space<vmem>> -> memref<1x80x64xbf16, #tpu.memory_space<vmem>>
          %dma_start3A_376 = tpu.memref_squeeze %dma_start3A_375 : memref<1x80x64xbf16, #tpu.memory_space<vmem>> -> memref<80x64xbf16, #tpu.memory_space<vmem>>
          %dma_start3A_377 = arith.constant 0 : i32
          %dma_start3A_378 = tpu.memref_slice %arg8[%add3A_371, %dma_start3A_377] : memref<250x80xi32, #tpu.memory_space<vmem>> -> memref<1x80xi32, #tpu.memory_space<vmem>>
          %dma_start3A_379 = tpu.memref_squeeze %dma_start3A_378 : memref<1x80xi32, #tpu.memory_space<vmem>> -> memref<80xi32, #tpu.memory_space<vmem>>
          %dma_start3A_380 = arith.constant 0 : i32
          %dma_start3A_381 = arith.constant 0 : i32
          %dma_start3A_382 = tpu.memref_slice %arg2[%dma_start3A_380, %dma_start3A_381] : memref<10000x64xbf16, #tpu.memory_space<hbm>> -> memref<10000x64xbf16, #tpu.memory_space<hbm>>
          tpu.enqueue_indirect_dma source(%dma_start3A_382 : memref<10000x64xbf16, #tpu.memory_space<hbm>>) target(%dma_start3A_376 : memref<80x64xbf16, #tpu.memory_space<vmem>>) offsets(%dma_start3A_379 : memref<80xi32, #tpu.memory_space<vmem>>) semaphore(%arg19 : memref<!tpu.dma_semaphore, #tpu.memory_space<semaphore_mem>>)
        } else {
        }
      }
      %scan3A_105 = arith.constant 50 : i32
      %dma_wait3A = arith.constant 4 : i32
      %dma_wait3A_106 = arith.constant 0 : i32
      %dma_wait3A_107 = arith.constant 0 : i32
      %dma_wait3A_108 = arith.constant 0 : i32
      %dma_wait3A_109 = tpu.memref_slice %arg10[%dma_wait3A, %dma_wait3A_107, %dma_wait3A_108] : memref<5x80x64xbf16, #tpu.memory_space<vmem>> -> memref<1x80x64xbf16, #tpu.memory_space<vmem>>
      %dma_wait3A_110 = tpu.memref_squeeze %dma_wait3A_109 : memref<1x80x64xbf16, #tpu.memory_space<vmem>> -> memref<80x64xbf16, #tpu.memory_space<vmem>>
      %dma_wait3A_111 = arith.constant 0 : i32
      %dma_wait3A_112 = tpu.memref_slice %arg9[%dma_wait3A_106, %dma_wait3A_111] : memref<250x80xi32, #tpu.memory_space<vmem>> -> memref<1x80xi32, #tpu.memory_space<vmem>>
      %dma_wait3A_113 = tpu.memref_squeeze %dma_wait3A_112 : memref<1x80xi32, #tpu.memory_space<vmem>> -> memref<80xi32, #tpu.memory_space<vmem>>
      %dma_wait3A_114 = arith.constant 0 : i32
      %dma_wait3A_115 = arith.constant 0 : i32
      %dma_wait3A_116 = tpu.memref_slice %arg14[%dma_wait3A_114, %dma_wait3A_115] : memref<10240x64xbf16, #tpu.memory_space<vmem_shared>> -> memref<10240x64xbf16, #tpu.memory_space<vmem_shared>>
      tpu.wait_indirect_dma semaphore(%arg25 : memref<!tpu.dma_semaphore, #tpu.memory_space<semaphore_mem>>) src(%dma_wait3A_110 : memref<80x64xbf16, #tpu.memory_space<vmem>>) dst(%dma_wait3A_116 : memref<10240x64xbf16, #tpu.memory_space<vmem_shared>>)
    } else {
    }
    %eq3A_34 = arith.constant 1 : i32
    %eq3A_35 = arith.cmpi eq, %arg0, %eq3A_34 : i32
    %convert_element_type3A_36 = arith.extui %eq3A_35 : i1 to i32
    %cond3A_37 = arith.constant 0 : i32
    %cond3A_38 = arith.cmpi ne, %convert_element_type3A_36, %cond3A_37 : i32
    scf.if %cond3A_38 {
      %dma_start3A = arith.constant 0 : i32
      %dma_start3A_42 = arith.constant 0 : i32
      %dma_start3A_43 = arith.constant 0 : i32
      %dma_start3A_44 = arith.constant 0 : i32
      %dma_start3A_45 = tpu.memref_slice %arg10[%dma_start3A_42, %dma_start3A_43, %dma_start3A_44] : memref<5x80x64xbf16, #tpu.memory_space<vmem>> -> memref<1x80x64xbf16, #tpu.memory_space<vmem>>
      %dma_start3A_46 = tpu.memref_squeeze %dma_start3A_45 : memref<1x80x64xbf16, #tpu.memory_space<vmem>> -> memref<80x64xbf16, #tpu.memory_space<vmem>>
      %dma_start3A_47 = arith.constant 0 : i32
      %dma_start3A_48 = tpu.memref_slice %arg8[%dma_start3A, %dma_start3A_47] : memref<250x80xi32, #tpu.memory_space<vmem>> -> memref<1x80xi32, #tpu.memory_space<vmem>>
      %dma_start3A_49 = tpu.memref_squeeze %dma_start3A_48 : memref<1x80xi32, #tpu.memory_space<vmem>> -> memref<80xi32, #tpu.memory_space<vmem>>
      %dma_start3A_50 = arith.constant 0 : i32
      %dma_start3A_51 = arith.constant 0 : i32
      %dma_start3A_52 = tpu.memref_slice %arg3[%dma_start3A_50, %dma_start3A_51] : memref<10000x64xbf16, #tpu.memory_space<hbm>> -> memref<10000x64xbf16, #tpu.memory_space<hbm>>
      tpu.enqueue_indirect_dma source(%dma_start3A_52 : memref<10000x64xbf16, #tpu.memory_space<hbm>>) target(%dma_start3A_46 : memref<80x64xbf16, #tpu.memory_space<vmem>>) offsets(%dma_start3A_49 : memref<80xi32, #tpu.memory_space<vmem>>) semaphore(%arg16 : memref<!tpu.dma_semaphore, #tpu.memory_space<semaphore_mem>>)
      %dma_start3A_53 = arith.constant 1 : i32
      %dma_start3A_54 = arith.constant 1 : i32
      %dma_start3A_55 = arith.constant 0 : i32
      %dma_start3A_56 = arith.constant 0 : i32
      %dma_start3A_57 = tpu.memref_slice %arg10[%dma_start3A_54, %dma_start3A_55, %dma_start3A_56] : memref<5x80x64xbf16, #tpu.memory_space<vmem>> -> memref<1x80x64xbf16, #tpu.memory_space<vmem>>
      %dma_start3A_58 = tpu.memref_squeeze %dma_start3A_57 : memref<1x80x64xbf16, #tpu.memory_space<vmem>> -> memref<80x64xbf16, #tpu.memory_space<vmem>>
      %dma_start3A_59 = arith.constant 0 : i32
      %dma_start3A_60 = tpu.memref_slice %arg8[%dma_start3A_53, %dma_start3A_59] : memref<250x80xi32, #tpu.memory_space<vmem>> -> memref<1x80xi32, #tpu.memory_space<vmem>>
      %dma_start3A_61 = tpu.memref_squeeze %dma_start3A_60 : memref<1x80xi32, #tpu.memory_space<vmem>> -> memref<80xi32, #tpu.memory_space<vmem>>
      %dma_start3A_62 = arith.constant 0 : i32
      %dma_start3A_63 = arith.constant 0 : i32
      %dma_start3A_64 = tpu.memref_slice %arg3[%dma_start3A_62, %dma_start3A_63] : memref<10000x64xbf16, #tpu.memory_space<hbm>> -> memref<10000x64xbf16, #tpu.memory_space<hbm>>
      tpu.enqueue_indirect_dma source(%dma_start3A_64 : memref<10000x64xbf16, #tpu.memory_space<hbm>>) target(%dma_start3A_58 : memref<80x64xbf16, #tpu.memory_space<vmem>>) offsets(%dma_start3A_61 : memref<80xi32, #tpu.memory_space<vmem>>) semaphore(%arg17 : memref<!tpu.dma_semaphore, #tpu.memory_space<semaphore_mem>>)
      %dma_start3A_65 = arith.constant 2 : i32
      %dma_start3A_66 = arith.constant 2 : i32
      %dma_start3A_67 = arith.constant 0 : i32
      %dma_start3A_68 = arith.constant 0 : i32
      %dma_start3A_69 = tpu.memref_slice %arg10[%dma_start3A_66, %dma_start3A_67, %dma_start3A_68] : memref<5x80x64xbf16, #tpu.memory_space<vmem>> -> memref<1x80x64xbf16, #tpu.memory_space<vmem>>
      %dma_start3A_70 = tpu.memref_squeeze %dma_start3A_69 : memref<1x80x64xbf16, #tpu.memory_space<vmem>> -> memref<80x64xbf16, #tpu.memory_space<vmem>>
      %dma_start3A_71 = arith.constant 0 : i32
      %dma_start3A_72 = tpu.memref_slice %arg8[%dma_start3A_65, %dma_start3A_71] : memref<250x80xi32, #tpu.memory_space<vmem>> -> memref<1x80xi32, #tpu.memory_space<vmem>>
      %dma_start3A_73 = tpu.memref_squeeze %dma_start3A_72 : memref<1x80xi32, #tpu.memory_space<vmem>> -> memref<80xi32, #tpu.memory_space<vmem>>
      %dma_start3A_74 = arith.constant 0 : i32
      %dma_start3A_75 = arith.constant 0 : i32
      %dma_start3A_76 = tpu.memref_slice %arg3[%dma_start3A_74, %dma_start3A_75] : memref<10000x64xbf16, #tpu.memory_space<hbm>> -> memref<10000x64xbf16, #tpu.memory_space<hbm>>
      tpu.enqueue_indirect_dma source(%dma_start3A_76 : memref<10000x64xbf16, #tpu.memory_space<hbm>>) target(%dma_start3A_70 : memref<80x64xbf16, #tpu.memory_space<vmem>>) offsets(%dma_start3A_73 : memref<80xi32, #tpu.memory_space<vmem>>) semaphore(%arg18 : memref<!tpu.dma_semaphore, #tpu.memory_space<semaphore_mem>>)
      %dma_start3A_77 = arith.constant 3 : i32
      %dma_start3A_78 = arith.constant 3 : i32
      %dma_start3A_79 = arith.constant 0 : i32
      %dma_start3A_80 = arith.constant 0 : i32
      %dma_start3A_81 = tpu.memref_slice %arg10[%dma_start3A_78, %dma_start3A_79, %dma_start3A_80] : memref<5x80x64xbf16, #tpu.memory_space<vmem>> -> memref<1x80x64xbf16, #tpu.memory_space<vmem>>
      %dma_start3A_82 = tpu.memref_squeeze %dma_start3A_81 : memref<1x80x64xbf16, #tpu.memory_space<vmem>> -> memref<80x64xbf16, #tpu.memory_space<vmem>>
      %dma_start3A_83 = arith.constant 0 : i32
      %dma_start3A_84 = tpu.memref_slice %arg8[%dma_start3A_77, %dma_start3A_83] : memref<250x80xi32, #tpu.memory_space<vmem>> -> memref<1x80xi32, #tpu.memory_space<vmem>>
      %dma_start3A_85 = tpu.memref_squeeze %dma_start3A_84 : memref<1x80xi32, #tpu.memory_space<vmem>> -> memref<80xi32, #tpu.memory_space<vmem>>
      %dma_start3A_86 = arith.constant 0 : i32
      %dma_start3A_87 = arith.constant 0 : i32
      %dma_start3A_88 = tpu.memref_slice %arg3[%dma_start3A_86, %dma_start3A_87] : memref<10000x64xbf16, #tpu.memory_space<hbm>> -> memref<10000x64xbf16, #tpu.memory_space<hbm>>
      tpu.enqueue_indirect_dma source(%dma_start3A_88 : memref<10000x64xbf16, #tpu.memory_space<hbm>>) target(%dma_start3A_82 : memref<80x64xbf16, #tpu.memory_space<vmem>>) offsets(%dma_start3A_85 : memref<80xi32, #tpu.memory_space<vmem>>) semaphore(%arg19 : memref<!tpu.dma_semaphore, #tpu.memory_space<semaphore_mem>>)
      %dma_start3A_89 = arith.constant 4 : i32
      %dma_start3A_90 = arith.constant 4 : i32
      %dma_start3A_91 = arith.constant 0 : i32
      %dma_start3A_92 = arith.constant 0 : i32
      %dma_start3A_93 = tpu.memref_slice %arg10[%dma_start3A_90, %dma_start3A_91, %dma_start3A_92] : memref<5x80x64xbf16, #tpu.memory_space<vmem>> -> memref<1x80x64xbf16, #tpu.memory_space<vmem>>
      %dma_start3A_94 = tpu.memref_squeeze %dma_start3A_93 : memref<1x80x64xbf16, #tpu.memory_space<vmem>> -> memref<80x64xbf16, #tpu.memory_space<vmem>>
      %dma_start3A_95 = arith.constant 0 : i32
      %dma_start3A_96 = tpu.memref_slice %arg8[%dma_start3A_89, %dma_start3A_95] : memref<250x80xi32, #tpu.memory_space<vmem>> -> memref<1x80xi32, #tpu.memory_space<vmem>>
      %dma_start3A_97 = tpu.memref_squeeze %dma_start3A_96 : memref<1x80xi32, #tpu.memory_space<vmem>> -> memref<80xi32, #tpu.memory_space<vmem>>
      %dma_start3A_98 = arith.constant 0 : i32
      %dma_start3A_99 = arith.constant 0 : i32
      %dma_start3A_100 = tpu.memref_slice %arg3[%dma_start3A_98, %dma_start3A_99] : memref<10000x64xbf16, #tpu.memory_space<hbm>> -> memref<10000x64xbf16, #tpu.memory_space<hbm>>
      tpu.enqueue_indirect_dma source(%dma_start3A_100 : memref<10000x64xbf16, #tpu.memory_space<hbm>>) target(%dma_start3A_94 : memref<80x64xbf16, #tpu.memory_space<vmem>>) offsets(%dma_start3A_97 : memref<80xi32, #tpu.memory_space<vmem>>) semaphore(%arg20 : memref<!tpu.dma_semaphore, #tpu.memory_space<semaphore_mem>>)
      %scan3A_101 = arith.constant 0 : i32
      %scan3A_102 = arith.constant 50 : i32
      %scan3A_103 = arith.addi %scan3A_101, %scan3A_102 : i32
      %scan3A_104 = arith.constant 1 : i32
      scf.for %scan3A_117 = %scan3A_101 to %scan3A_103 step %scan3A_104  : i32 {
        %mul3A_118 = arith.constant 5 : i32
        %mul3A_119 = arith.muli %scan3A_117, %mul3A_118 : i32
        %add3A_120 = arith.constant 0 : i32
        %add3A_121 = arith.addi %add3A_120, %mul3A_119 : i32
        %add3A_122 = arith.constant 0 : i32
        %add3A_123 = arith.addi %add3A_121, %add3A_122 : i32
        %dma_wait3A_124 = arith.constant 0 : i32
        %dma_wait3A_125 = arith.constant 0 : i32
        %dma_wait3A_126 = arith.constant 0 : i32
        %dma_wait3A_127 = arith.constant 0 : i32
        %dma_wait3A_128 = tpu.memref_slice %arg10[%dma_wait3A_125, %dma_wait3A_126, %dma_wait3A_127] : memref<5x80x64xbf16, #tpu.memory_space<vmem>> -> memref<1x80x64xbf16, #tpu.memory_space<vmem>>
        %dma_wait3A_129 = tpu.memref_squeeze %dma_wait3A_128 : memref<1x80x64xbf16, #tpu.memory_space<vmem>> -> memref<80x64xbf16, #tpu.memory_space<vmem>>
        %dma_wait3A_130 = arith.constant 0 : i32
        %dma_wait3A_131 = tpu.memref_slice %arg8[%dma_wait3A_124, %dma_wait3A_130] : memref<250x80xi32, #tpu.memory_space<vmem>> -> memref<1x80xi32, #tpu.memory_space<vmem>>
        %dma_wait3A_132 = tpu.memref_squeeze %dma_wait3A_131 : memref<1x80xi32, #tpu.memory_space<vmem>> -> memref<80xi32, #tpu.memory_space<vmem>>
        %dma_wait3A_133 = arith.constant 0 : i32
        %dma_wait3A_134 = arith.constant 0 : i32
        %dma_wait3A_135 = tpu.memref_slice %arg3[%dma_wait3A_133, %dma_wait3A_134] : memref<10000x64xbf16, #tpu.memory_space<hbm>> -> memref<10000x64xbf16, #tpu.memory_space<hbm>>
        tpu.wait_indirect_dma semaphore(%arg16 : memref<!tpu.dma_semaphore, #tpu.memory_space<semaphore_mem>>) src(%dma_wait3A_135 : memref<10000x64xbf16, #tpu.memory_space<hbm>>) dst(%dma_wait3A_129 : memref<80x64xbf16, #tpu.memory_space<vmem>>)
        %dma_start3A_136 = arith.constant 0 : i32
        %dma_start3A_137 = arith.constant 0 : i32
        %dma_start3A_138 = arith.constant 0 : i32
        %dma_start3A_139 = tpu.memref_slice %arg10[%dma_start3A_136, %dma_start3A_137, %dma_start3A_138] : memref<5x80x64xbf16, #tpu.memory_space<vmem>> -> memref<1x80x64xbf16, #tpu.memory_space<vmem>>
        %dma_start3A_140 = tpu.memref_squeeze %dma_start3A_139 : memref<1x80x64xbf16, #tpu.memory_space<vmem>> -> memref<80x64xbf16, #tpu.memory_space<vmem>>
        %dma_start3A_141 = arith.constant 0 : i32
        %dma_start3A_142 = tpu.memref_slice %arg9[%add3A_123, %dma_start3A_141] : memref<250x80xi32, #tpu.memory_space<vmem>> -> memref<1x80xi32, #tpu.memory_space<vmem>>
        %dma_start3A_143 = tpu.memref_squeeze %dma_start3A_142 : memref<1x80xi32, #tpu.memory_space<vmem>> -> memref<80xi32, #tpu.memory_space<vmem>>
        %dma_start3A_144 = arith.constant 0 : i32
        %dma_start3A_145 = arith.constant 0 : i32
        %dma_start3A_146 = tpu.memref_slice %arg14[%dma_start3A_144, %dma_start3A_145] : memref<10240x64xbf16, #tpu.memory_space<vmem_shared>> -> memref<10240x64xbf16, #tpu.memory_space<vmem_shared>>
        tpu.enqueue_indirect_dma source(%dma_start3A_140 : memref<80x64xbf16, #tpu.memory_space<vmem>>) target(%dma_start3A_146 : memref<10240x64xbf16, #tpu.memory_space<vmem_shared>>) offsets(%dma_start3A_143 : memref<80xi32, #tpu.memory_space<vmem>>) semaphore(%arg21 : memref<!tpu.dma_semaphore, #tpu.memory_space<semaphore_mem>>) {add = true}
        %ge3A = arith.constant 125 : i32
        %ge3A_147 = arith.cmpi sge, %add3A_123, %ge3A : i32
        %lt3A = arith.constant 250 : i32
        %lt3A_148 = arith.cmpi slt, %add3A_123, %lt3A : i32
        %and3A = arith.andi %ge3A_147, %lt3A_148 : i1
        %convert_element_type3A_149 = arith.extui %and3A : i1 to i32
        %cond3A_150 = arith.constant 0 : i32
        %cond3A_151 = arith.cmpi ne, %convert_element_type3A_149, %cond3A_150 : i32
        scf.if %cond3A_151 {
          "tpu.region"() ({
            %run_scoped3A = tpu.sem_alloc : memref<!tpu.dma_semaphore, #tpu.memory_space<semaphore_mem>>
            %dma_start3A_368 = arith.constant 0 : i32
            %dma_start3A_369 = tpu.memref_slice %arg9[%add3A_123, %dma_start3A_368] : memref<250x80xi32, #tpu.memory_space<vmem>> -> memref<1x80xi32, #tpu.memory_space<vmem>>
            %dma_start3A_370 = tpu.memref_squeeze %dma_start3A_369 : memref<1x80xi32, #tpu.memory_space<vmem>> -> memref<80xi32, #tpu.memory_space<vmem>>
            %dma_start3A_371 = arith.constant 0 : i32
            %dma_start3A_372 = arith.constant 0 : i32
            %dma_start3A_373 = tpu.memref_slice %arg15[%dma_start3A_371, %dma_start3A_372] : memref<10240x16xf32, #tpu.memory_space<vmem_shared>> -> memref<10240x16xf32, #tpu.memory_space<vmem_shared>>
            tpu.enqueue_indirect_dma source(%arg12 : memref<80x16xf32, #tpu.memory_space<vmem>>) target(%dma_start3A_373 : memref<10240x16xf32, #tpu.memory_space<vmem_shared>>) offsets(%dma_start3A_370 : memref<80xi32, #tpu.memory_space<vmem>>) semaphore(%run_scoped3A : memref<!tpu.dma_semaphore, #tpu.memory_space<semaphore_mem>>) {add = true}
            %dma_wait3A_374 = arith.constant 0 : i32
            %dma_wait3A_375 = tpu.memref_slice %arg9[%add3A_123, %dma_wait3A_374] : memref<250x80xi32, #tpu.memory_space<vmem>> -> memref<1x80xi32, #tpu.memory_space<vmem>>
            %dma_wait3A_376 = tpu.memref_squeeze %dma_wait3A_375 : memref<1x80xi32, #tpu.memory_space<vmem>> -> memref<80xi32, #tpu.memory_space<vmem>>
            %dma_wait3A_377 = arith.constant 0 : i32
            %dma_wait3A_378 = arith.constant 0 : i32
            %dma_wait3A_379 = tpu.memref_slice %arg15[%dma_wait3A_377, %dma_wait3A_378] : memref<10240x16xf32, #tpu.memory_space<vmem_shared>> -> memref<10240x16xf32, #tpu.memory_space<vmem_shared>>
            tpu.wait_indirect_dma semaphore(%run_scoped3A : memref<!tpu.dma_semaphore, #tpu.memory_space<semaphore_mem>>) src(%arg12 : memref<80x16xf32, #tpu.memory_space<vmem>>) dst(%dma_wait3A_379 : memref<10240x16xf32, #tpu.memory_space<vmem_shared>>)
            tpu.yield
          }) : () -> ()
        } else {
        }
        %ge3A_152 = arith.constant 1 : i32
        %ge3A_153 = arith.cmpi sge, %add3A_123, %ge3A_152 : i32
        %convert_element_type3A_154 = arith.extui %ge3A_153 : i1 to i32
        %cond3A_155 = arith.constant 0 : i32
        %cond3A_156 = arith.cmpi ne, %convert_element_type3A_154, %cond3A_155 : i32
        scf.if %cond3A_156 {
          %dma_wait3A_368 = arith.constant 4 : i32
          %dma_wait3A_369 = arith.constant 0 : i32
          %dma_wait3A_370 = arith.constant 0 : i32
          %dma_wait3A_371 = arith.constant 0 : i32
          %dma_wait3A_372 = tpu.memref_slice %arg10[%dma_wait3A_368, %dma_wait3A_370, %dma_wait3A_371] : memref<5x80x64xbf16, #tpu.memory_space<vmem>> -> memref<1x80x64xbf16, #tpu.memory_space<vmem>>
          %dma_wait3A_373 = tpu.memref_squeeze %dma_wait3A_372 : memref<1x80x64xbf16, #tpu.memory_space<vmem>> -> memref<80x64xbf16, #tpu.memory_space<vmem>>
          %dma_wait3A_374 = arith.constant 0 : i32
          %dma_wait3A_375 = tpu.memref_slice %arg9[%dma_wait3A_369, %dma_wait3A_374] : memref<250x80xi32, #tpu.memory_space<vmem>> -> memref<1x80xi32, #tpu.memory_space<vmem>>
          %dma_wait3A_376 = tpu.memref_squeeze %dma_wait3A_375 : memref<1x80xi32, #tpu.memory_space<vmem>> -> memref<80xi32, #tpu.memory_space<vmem>>
          %dma_wait3A_377 = arith.constant 0 : i32
          %dma_wait3A_378 = arith.constant 0 : i32
          %dma_wait3A_379 = tpu.memref_slice %arg14[%dma_wait3A_377, %dma_wait3A_378] : memref<10240x64xbf16, #tpu.memory_space<vmem_shared>> -> memref<10240x64xbf16, #tpu.memory_space<vmem_shared>>
          tpu.wait_indirect_dma semaphore(%arg25 : memref<!tpu.dma_semaphore, #tpu.memory_space<semaphore_mem>>) src(%dma_wait3A_373 : memref<80x64xbf16, #tpu.memory_space<vmem>>) dst(%dma_wait3A_379 : memref<10240x64xbf16, #tpu.memory_space<vmem_shared>>)
        } else {
        }
        %ge3A_157 = arith.constant 1 : i32
        %ge3A_158 = arith.cmpi sge, %add3A_123, %ge3A_157 : i32
        %sub3A = arith.constant 1 : i32
        %sub3A_159 = arith.subi %add3A_123, %sub3A : i32
        %add3A_160 = arith.constant 5 : i32
        %add3A_161 = arith.addi %sub3A_159, %add3A_160 : i32
        %lt3A_162 = arith.constant 250 : i32
        %lt3A_163 = arith.cmpi slt, %add3A_161, %lt3A_162 : i32
        %and3A_164 = arith.andi %ge3A_158, %lt3A_163 : i1
        %convert_element_type3A_165 = arith.extui %and3A_164 : i1 to i32
        %cond3A_166 = arith.constant 0 : i32
        %cond3A_167 = arith.cmpi ne, %convert_element_type3A_165, %cond3A_166 : i32
        scf.if %cond3A_167 {
          %sub3A_368 = arith.constant 1 : i32
          %sub3A_369 = arith.subi %add3A_123, %sub3A_368 : i32
          %add3A_370 = arith.constant 5 : i32
          %add3A_371 = arith.addi %sub3A_369, %add3A_370 : i32
          %dma_start3A_372 = arith.constant 4 : i32
          %dma_start3A_373 = arith.constant 0 : i32
          %dma_start3A_374 = arith.constant 0 : i32
          %dma_start3A_375 = tpu.memref_slice %arg10[%dma_start3A_372, %dma_start3A_373, %dma_start3A_374] : memref<5x80x64xbf16, #tpu.memory_space<vmem>> -> memref<1x80x64xbf16, #tpu.memory_space<vmem>>
          %dma_start3A_376 = tpu.memref_squeeze %dma_start3A_375 : memref<1x80x64xbf16, #tpu.memory_space<vmem>> -> memref<80x64xbf16, #tpu.memory_space<vmem>>
          %dma_start3A_377 = arith.constant 0 : i32
          %dma_start3A_378 = tpu.memref_slice %arg8[%add3A_371, %dma_start3A_377] : memref<250x80xi32, #tpu.memory_space<vmem>> -> memref<1x80xi32, #tpu.memory_space<vmem>>
          %dma_start3A_379 = tpu.memref_squeeze %dma_start3A_378 : memref<1x80xi32, #tpu.memory_space<vmem>> -> memref<80xi32, #tpu.memory_space<vmem>>
          %dma_start3A_380 = arith.constant 0 : i32
          %dma_start3A_381 = arith.constant 0 : i32
          %dma_start3A_382 = tpu.memref_slice %arg3[%dma_start3A_380, %dma_start3A_381] : memref<10000x64xbf16, #tpu.memory_space<hbm>> -> memref<10000x64xbf16, #tpu.memory_space<hbm>>
          tpu.enqueue_indirect_dma source(%dma_start3A_382 : memref<10000x64xbf16, #tpu.memory_space<hbm>>) target(%dma_start3A_376 : memref<80x64xbf16, #tpu.memory_space<vmem>>) offsets(%dma_start3A_379 : memref<80xi32, #tpu.memory_space<vmem>>) semaphore(%arg20 : memref<!tpu.dma_semaphore, #tpu.memory_space<semaphore_mem>>)
        } else {
        }
        %add3A_168 = arith.constant 1 : i32
        %add3A_169 = arith.addi %add3A_121, %add3A_168 : i32
        %dma_wait3A_170 = arith.constant 0 : i32
        %dma_wait3A_171 = arith.constant 1 : i32
        %dma_wait3A_172 = arith.constant 0 : i32
        %dma_wait3A_173 = arith.constant 0 : i32
        %dma_wait3A_174 = tpu.memref_slice %arg10[%dma_wait3A_171, %dma_wait3A_172, %dma_wait3A_173] : memref<5x80x64xbf16, #tpu.memory_space<vmem>> -> memref<1x80x64xbf16, #tpu.memory_space<vmem>>
        %dma_wait3A_175 = tpu.memref_squeeze %dma_wait3A_174 : memref<1x80x64xbf16, #tpu.memory_space<vmem>> -> memref<80x64xbf16, #tpu.memory_space<vmem>>
        %dma_wait3A_176 = arith.constant 0 : i32
        %dma_wait3A_177 = tpu.memref_slice %arg8[%dma_wait3A_170, %dma_wait3A_176] : memref<250x80xi32, #tpu.memory_space<vmem>> -> memref<1x80xi32, #tpu.memory_space<vmem>>
        %dma_wait3A_178 = tpu.memref_squeeze %dma_wait3A_177 : memref<1x80xi32, #tpu.memory_space<vmem>> -> memref<80xi32, #tpu.memory_space<vmem>>
        %dma_wait3A_179 = arith.constant 0 : i32
        %dma_wait3A_180 = arith.constant 0 : i32
        %dma_wait3A_181 = tpu.memref_slice %arg3[%dma_wait3A_179, %dma_wait3A_180] : memref<10000x64xbf16, #tpu.memory_space<hbm>> -> memref<10000x64xbf16, #tpu.memory_space<hbm>>
        tpu.wait_indirect_dma semaphore(%arg17 : memref<!tpu.dma_semaphore, #tpu.memory_space<semaphore_mem>>) src(%dma_wait3A_181 : memref<10000x64xbf16, #tpu.memory_space<hbm>>) dst(%dma_wait3A_175 : memref<80x64xbf16, #tpu.memory_space<vmem>>)
        %dma_start3A_182 = arith.constant 1 : i32
        %dma_start3A_183 = arith.constant 0 : i32
        %dma_start3A_184 = arith.constant 0 : i32
        %dma_start3A_185 = tpu.memref_slice %arg10[%dma_start3A_182, %dma_start3A_183, %dma_start3A_184] : memref<5x80x64xbf16, #tpu.memory_space<vmem>> -> memref<1x80x64xbf16, #tpu.memory_space<vmem>>
        %dma_start3A_186 = tpu.memref_squeeze %dma_start3A_185 : memref<1x80x64xbf16, #tpu.memory_space<vmem>> -> memref<80x64xbf16, #tpu.memory_space<vmem>>
        %dma_start3A_187 = arith.constant 0 : i32
        %dma_start3A_188 = tpu.memref_slice %arg9[%add3A_169, %dma_start3A_187] : memref<250x80xi32, #tpu.memory_space<vmem>> -> memref<1x80xi32, #tpu.memory_space<vmem>>
        %dma_start3A_189 = tpu.memref_squeeze %dma_start3A_188 : memref<1x80xi32, #tpu.memory_space<vmem>> -> memref<80xi32, #tpu.memory_space<vmem>>
        %dma_start3A_190 = arith.constant 0 : i32
        %dma_start3A_191 = arith.constant 0 : i32
        %dma_start3A_192 = tpu.memref_slice %arg14[%dma_start3A_190, %dma_start3A_191] : memref<10240x64xbf16, #tpu.memory_space<vmem_shared>> -> memref<10240x64xbf16, #tpu.memory_space<vmem_shared>>
        tpu.enqueue_indirect_dma source(%dma_start3A_186 : memref<80x64xbf16, #tpu.memory_space<vmem>>) target(%dma_start3A_192 : memref<10240x64xbf16, #tpu.memory_space<vmem_shared>>) offsets(%dma_start3A_189 : memref<80xi32, #tpu.memory_space<vmem>>) semaphore(%arg22 : memref<!tpu.dma_semaphore, #tpu.memory_space<semaphore_mem>>) {add = true}
        %ge3A_193 = arith.constant 125 : i32
        %ge3A_194 = arith.cmpi sge, %add3A_169, %ge3A_193 : i32
        %lt3A_195 = arith.constant 250 : i32
        %lt3A_196 = arith.cmpi slt, %add3A_169, %lt3A_195 : i32
        %and3A_197 = arith.andi %ge3A_194, %lt3A_196 : i1
        %convert_element_type3A_198 = arith.extui %and3A_197 : i1 to i32
        %cond3A_199 = arith.constant 0 : i32
        %cond3A_200 = arith.cmpi ne, %convert_element_type3A_198, %cond3A_199 : i32
        scf.if %cond3A_200 {
          "tpu.region"() ({
            %run_scoped3A = tpu.sem_alloc : memref<!tpu.dma_semaphore, #tpu.memory_space<semaphore_mem>>
            %dma_start3A_368 = arith.constant 0 : i32
            %dma_start3A_369 = tpu.memref_slice %arg9[%add3A_169, %dma_start3A_368] : memref<250x80xi32, #tpu.memory_space<vmem>> -> memref<1x80xi32, #tpu.memory_space<vmem>>
            %dma_start3A_370 = tpu.memref_squeeze %dma_start3A_369 : memref<1x80xi32, #tpu.memory_space<vmem>> -> memref<80xi32, #tpu.memory_space<vmem>>
            %dma_start3A_371 = arith.constant 0 : i32
            %dma_start3A_372 = arith.constant 0 : i32
            %dma_start3A_373 = tpu.memref_slice %arg15[%dma_start3A_371, %dma_start3A_372] : memref<10240x16xf32, #tpu.memory_space<vmem_shared>> -> memref<10240x16xf32, #tpu.memory_space<vmem_shared>>
            tpu.enqueue_indirect_dma source(%arg12 : memref<80x16xf32, #tpu.memory_space<vmem>>) target(%dma_start3A_373 : memref<10240x16xf32, #tpu.memory_space<vmem_shared>>) offsets(%dma_start3A_370 : memref<80xi32, #tpu.memory_space<vmem>>) semaphore(%run_scoped3A : memref<!tpu.dma_semaphore, #tpu.memory_space<semaphore_mem>>) {add = true}
            %dma_wait3A_374 = arith.constant 0 : i32
            %dma_wait3A_375 = tpu.memref_slice %arg9[%add3A_169, %dma_wait3A_374] : memref<250x80xi32, #tpu.memory_space<vmem>> -> memref<1x80xi32, #tpu.memory_space<vmem>>
            %dma_wait3A_376 = tpu.memref_squeeze %dma_wait3A_375 : memref<1x80xi32, #tpu.memory_space<vmem>> -> memref<80xi32, #tpu.memory_space<vmem>>
            %dma_wait3A_377 = arith.constant 0 : i32
            %dma_wait3A_378 = arith.constant 0 : i32
            %dma_wait3A_379 = tpu.memref_slice %arg15[%dma_wait3A_377, %dma_wait3A_378] : memref<10240x16xf32, #tpu.memory_space<vmem_shared>> -> memref<10240x16xf32, #tpu.memory_space<vmem_shared>>
            tpu.wait_indirect_dma semaphore(%run_scoped3A : memref<!tpu.dma_semaphore, #tpu.memory_space<semaphore_mem>>) src(%arg12 : memref<80x16xf32, #tpu.memory_space<vmem>>) dst(%dma_wait3A_379 : memref<10240x16xf32, #tpu.memory_space<vmem_shared>>)
            tpu.yield
          }) : () -> ()
        } else {
        }
        %ge3A_201 = arith.constant 1 : i32
        %ge3A_202 = arith.cmpi sge, %add3A_169, %ge3A_201 : i32
        %convert_element_type3A_203 = arith.extui %ge3A_202 : i1 to i32
        %cond3A_204 = arith.constant 0 : i32
        %cond3A_205 = arith.cmpi ne, %convert_element_type3A_203, %cond3A_204 : i32
        scf.if %cond3A_205 {
          %dma_wait3A_368 = arith.constant 0 : i32
          %dma_wait3A_369 = arith.constant 0 : i32
          %dma_wait3A_370 = arith.constant 0 : i32
          %dma_wait3A_371 = arith.constant 0 : i32
          %dma_wait3A_372 = tpu.memref_slice %arg10[%dma_wait3A_368, %dma_wait3A_370, %dma_wait3A_371] : memref<5x80x64xbf16, #tpu.memory_space<vmem>> -> memref<1x80x64xbf16, #tpu.memory_space<vmem>>
          %dma_wait3A_373 = tpu.memref_squeeze %dma_wait3A_372 : memref<1x80x64xbf16, #tpu.memory_space<vmem>> -> memref<80x64xbf16, #tpu.memory_space<vmem>>
          %dma_wait3A_374 = arith.constant 0 : i32
          %dma_wait3A_375 = tpu.memref_slice %arg9[%dma_wait3A_369, %dma_wait3A_374] : memref<250x80xi32, #tpu.memory_space<vmem>> -> memref<1x80xi32, #tpu.memory_space<vmem>>
          %dma_wait3A_376 = tpu.memref_squeeze %dma_wait3A_375 : memref<1x80xi32, #tpu.memory_space<vmem>> -> memref<80xi32, #tpu.memory_space<vmem>>
          %dma_wait3A_377 = arith.constant 0 : i32
          %dma_wait3A_378 = arith.constant 0 : i32
          %dma_wait3A_379 = tpu.memref_slice %arg14[%dma_wait3A_377, %dma_wait3A_378] : memref<10240x64xbf16, #tpu.memory_space<vmem_shared>> -> memref<10240x64xbf16, #tpu.memory_space<vmem_shared>>
          tpu.wait_indirect_dma semaphore(%arg21 : memref<!tpu.dma_semaphore, #tpu.memory_space<semaphore_mem>>) src(%dma_wait3A_373 : memref<80x64xbf16, #tpu.memory_space<vmem>>) dst(%dma_wait3A_379 : memref<10240x64xbf16, #tpu.memory_space<vmem_shared>>)
        } else {
        }
        %ge3A_206 = arith.constant 1 : i32
        %ge3A_207 = arith.cmpi sge, %add3A_169, %ge3A_206 : i32
        %sub3A_208 = arith.constant 1 : i32
        %sub3A_209 = arith.subi %add3A_169, %sub3A_208 : i32
        %add3A_210 = arith.constant 5 : i32
        %add3A_211 = arith.addi %sub3A_209, %add3A_210 : i32
        %lt3A_212 = arith.constant 250 : i32
        %lt3A_213 = arith.cmpi slt, %add3A_211, %lt3A_212 : i32
        %and3A_214 = arith.andi %ge3A_207, %lt3A_213 : i1
        %convert_element_type3A_215 = arith.extui %and3A_214 : i1 to i32
        %cond3A_216 = arith.constant 0 : i32
        %cond3A_217 = arith.cmpi ne, %convert_element_type3A_215, %cond3A_216 : i32
        scf.if %cond3A_217 {
          %sub3A_368 = arith.constant 1 : i32
          %sub3A_369 = arith.subi %add3A_169, %sub3A_368 : i32
          %add3A_370 = arith.constant 5 : i32
          %add3A_371 = arith.addi %sub3A_369, %add3A_370 : i32
          %dma_start3A_372 = arith.constant 0 : i32
          %dma_start3A_373 = arith.constant 0 : i32
          %dma_start3A_374 = arith.constant 0 : i32
          %dma_start3A_375 = tpu.memref_slice %arg10[%dma_start3A_372, %dma_start3A_373, %dma_start3A_374] : memref<5x80x64xbf16, #tpu.memory_space<vmem>> -> memref<1x80x64xbf16, #tpu.memory_space<vmem>>
          %dma_start3A_376 = tpu.memref_squeeze %dma_start3A_375 : memref<1x80x64xbf16, #tpu.memory_space<vmem>> -> memref<80x64xbf16, #tpu.memory_space<vmem>>
          %dma_start3A_377 = arith.constant 0 : i32
          %dma_start3A_378 = tpu.memref_slice %arg8[%add3A_371, %dma_start3A_377] : memref<250x80xi32, #tpu.memory_space<vmem>> -> memref<1x80xi32, #tpu.memory_space<vmem>>
          %dma_start3A_379 = tpu.memref_squeeze %dma_start3A_378 : memref<1x80xi32, #tpu.memory_space<vmem>> -> memref<80xi32, #tpu.memory_space<vmem>>
          %dma_start3A_380 = arith.constant 0 : i32
          %dma_start3A_381 = arith.constant 0 : i32
          %dma_start3A_382 = tpu.memref_slice %arg3[%dma_start3A_380, %dma_start3A_381] : memref<10000x64xbf16, #tpu.memory_space<hbm>> -> memref<10000x64xbf16, #tpu.memory_space<hbm>>
          tpu.enqueue_indirect_dma source(%dma_start3A_382 : memref<10000x64xbf16, #tpu.memory_space<hbm>>) target(%dma_start3A_376 : memref<80x64xbf16, #tpu.memory_space<vmem>>) offsets(%dma_start3A_379 : memref<80xi32, #tpu.memory_space<vmem>>) semaphore(%arg16 : memref<!tpu.dma_semaphore, #tpu.memory_space<semaphore_mem>>)
        } else {
        }
        %add3A_218 = arith.constant 2 : i32
        %add3A_219 = arith.addi %add3A_121, %add3A_218 : i32
        %dma_wait3A_220 = arith.constant 0 : i32
        %dma_wait3A_221 = arith.constant 2 : i32
        %dma_wait3A_222 = arith.constant 0 : i32
        %dma_wait3A_223 = arith.constant 0 : i32
        %dma_wait3A_224 = tpu.memref_slice %arg10[%dma_wait3A_221, %dma_wait3A_222, %dma_wait3A_223] : memref<5x80x64xbf16, #tpu.memory_space<vmem>> -> memref<1x80x64xbf16, #tpu.memory_space<vmem>>
        %dma_wait3A_225 = tpu.memref_squeeze %dma_wait3A_224 : memref<1x80x64xbf16, #tpu.memory_space<vmem>> -> memref<80x64xbf16, #tpu.memory_space<vmem>>
        %dma_wait3A_226 = arith.constant 0 : i32
        %dma_wait3A_227 = tpu.memref_slice %arg8[%dma_wait3A_220, %dma_wait3A_226] : memref<250x80xi32, #tpu.memory_space<vmem>> -> memref<1x80xi32, #tpu.memory_space<vmem>>
        %dma_wait3A_228 = tpu.memref_squeeze %dma_wait3A_227 : memref<1x80xi32, #tpu.memory_space<vmem>> -> memref<80xi32, #tpu.memory_space<vmem>>
        %dma_wait3A_229 = arith.constant 0 : i32
        %dma_wait3A_230 = arith.constant 0 : i32
        %dma_wait3A_231 = tpu.memref_slice %arg3[%dma_wait3A_229, %dma_wait3A_230] : memref<10000x64xbf16, #tpu.memory_space<hbm>> -> memref<10000x64xbf16, #tpu.memory_space<hbm>>
        tpu.wait_indirect_dma semaphore(%arg18 : memref<!tpu.dma_semaphore, #tpu.memory_space<semaphore_mem>>) src(%dma_wait3A_231 : memref<10000x64xbf16, #tpu.memory_space<hbm>>) dst(%dma_wait3A_225 : memref<80x64xbf16, #tpu.memory_space<vmem>>)
        %dma_start3A_232 = arith.constant 2 : i32
        %dma_start3A_233 = arith.constant 0 : i32
        %dma_start3A_234 = arith.constant 0 : i32
        %dma_start3A_235 = tpu.memref_slice %arg10[%dma_start3A_232, %dma_start3A_233, %dma_start3A_234] : memref<5x80x64xbf16, #tpu.memory_space<vmem>> -> memref<1x80x64xbf16, #tpu.memory_space<vmem>>
        %dma_start3A_236 = tpu.memref_squeeze %dma_start3A_235 : memref<1x80x64xbf16, #tpu.memory_space<vmem>> -> memref<80x64xbf16, #tpu.memory_space<vmem>>
        %dma_start3A_237 = arith.constant 0 : i32
        %dma_start3A_238 = tpu.memref_slice %arg9[%add3A_219, %dma_start3A_237] : memref<250x80xi32, #tpu.memory_space<vmem>> -> memref<1x80xi32, #tpu.memory_space<vmem>>
        %dma_start3A_239 = tpu.memref_squeeze %dma_start3A_238 : memref<1x80xi32, #tpu.memory_space<vmem>> -> memref<80xi32, #tpu.memory_space<vmem>>
        %dma_start3A_240 = arith.constant 0 : i32
        %dma_start3A_241 = arith.constant 0 : i32
        %dma_start3A_242 = tpu.memref_slice %arg14[%dma_start3A_240, %dma_start3A_241] : memref<10240x64xbf16, #tpu.memory_space<vmem_shared>> -> memref<10240x64xbf16, #tpu.memory_space<vmem_shared>>
        tpu.enqueue_indirect_dma source(%dma_start3A_236 : memref<80x64xbf16, #tpu.memory_space<vmem>>) target(%dma_start3A_242 : memref<10240x64xbf16, #tpu.memory_space<vmem_shared>>) offsets(%dma_start3A_239 : memref<80xi32, #tpu.memory_space<vmem>>) semaphore(%arg23 : memref<!tpu.dma_semaphore, #tpu.memory_space<semaphore_mem>>) {add = true}
        %ge3A_243 = arith.constant 125 : i32
        %ge3A_244 = arith.cmpi sge, %add3A_219, %ge3A_243 : i32
        %lt3A_245 = arith.constant 250 : i32
        %lt3A_246 = arith.cmpi slt, %add3A_219, %lt3A_245 : i32
        %and3A_247 = arith.andi %ge3A_244, %lt3A_246 : i1
        %convert_element_type3A_248 = arith.extui %and3A_247 : i1 to i32
        %cond3A_249 = arith.constant 0 : i32
        %cond3A_250 = arith.cmpi ne, %convert_element_type3A_248, %cond3A_249 : i32
        scf.if %cond3A_250 {
          "tpu.region"() ({
            %run_scoped3A = tpu.sem_alloc : memref<!tpu.dma_semaphore, #tpu.memory_space<semaphore_mem>>
            %dma_start3A_368 = arith.constant 0 : i32
            %dma_start3A_369 = tpu.memref_slice %arg9[%add3A_219, %dma_start3A_368] : memref<250x80xi32, #tpu.memory_space<vmem>> -> memref<1x80xi32, #tpu.memory_space<vmem>>
            %dma_start3A_370 = tpu.memref_squeeze %dma_start3A_369 : memref<1x80xi32, #tpu.memory_space<vmem>> -> memref<80xi32, #tpu.memory_space<vmem>>
            %dma_start3A_371 = arith.constant 0 : i32
            %dma_start3A_372 = arith.constant 0 : i32
            %dma_start3A_373 = tpu.memref_slice %arg15[%dma_start3A_371, %dma_start3A_372] : memref<10240x16xf32, #tpu.memory_space<vmem_shared>> -> memref<10240x16xf32, #tpu.memory_space<vmem_shared>>
            tpu.enqueue_indirect_dma source(%arg12 : memref<80x16xf32, #tpu.memory_space<vmem>>) target(%dma_start3A_373 : memref<10240x16xf32, #tpu.memory_space<vmem_shared>>) offsets(%dma_start3A_370 : memref<80xi32, #tpu.memory_space<vmem>>) semaphore(%run_scoped3A : memref<!tpu.dma_semaphore, #tpu.memory_space<semaphore_mem>>) {add = true}
            %dma_wait3A_374 = arith.constant 0 : i32
            %dma_wait3A_375 = tpu.memref_slice %arg9[%add3A_219, %dma_wait3A_374] : memref<250x80xi32, #tpu.memory_space<vmem>> -> memref<1x80xi32, #tpu.memory_space<vmem>>
            %dma_wait3A_376 = tpu.memref_squeeze %dma_wait3A_375 : memref<1x80xi32, #tpu.memory_space<vmem>> -> memref<80xi32, #tpu.memory_space<vmem>>
            %dma_wait3A_377 = arith.constant 0 : i32
            %dma_wait3A_378 = arith.constant 0 : i32
            %dma_wait3A_379 = tpu.memref_slice %arg15[%dma_wait3A_377, %dma_wait3A_378] : memref<10240x16xf32, #tpu.memory_space<vmem_shared>> -> memref<10240x16xf32, #tpu.memory_space<vmem_shared>>
            tpu.wait_indirect_dma semaphore(%run_scoped3A : memref<!tpu.dma_semaphore, #tpu.memory_space<semaphore_mem>>) src(%arg12 : memref<80x16xf32, #tpu.memory_space<vmem>>) dst(%dma_wait3A_379 : memref<10240x16xf32, #tpu.memory_space<vmem_shared>>)
            tpu.yield
          }) : () -> ()
        } else {
        }
        %ge3A_251 = arith.constant 1 : i32
        %ge3A_252 = arith.cmpi sge, %add3A_219, %ge3A_251 : i32
        %convert_element_type3A_253 = arith.extui %ge3A_252 : i1 to i32
        %cond3A_254 = arith.constant 0 : i32
        %cond3A_255 = arith.cmpi ne, %convert_element_type3A_253, %cond3A_254 : i32
        scf.if %cond3A_255 {
          %dma_wait3A_368 = arith.constant 1 : i32
          %dma_wait3A_369 = arith.constant 0 : i32
          %dma_wait3A_370 = arith.constant 0 : i32
          %dma_wait3A_371 = arith.constant 0 : i32
          %dma_wait3A_372 = tpu.memref_slice %arg10[%dma_wait3A_368, %dma_wait3A_370, %dma_wait3A_371] : memref<5x80x64xbf16, #tpu.memory_space<vmem>> -> memref<1x80x64xbf16, #tpu.memory_space<vmem>>
          %dma_wait3A_373 = tpu.memref_squeeze %dma_wait3A_372 : memref<1x80x64xbf16, #tpu.memory_space<vmem>> -> memref<80x64xbf16, #tpu.memory_space<vmem>>
          %dma_wait3A_374 = arith.constant 0 : i32
          %dma_wait3A_375 = tpu.memref_slice %arg9[%dma_wait3A_369, %dma_wait3A_374] : memref<250x80xi32, #tpu.memory_space<vmem>> -> memref<1x80xi32, #tpu.memory_space<vmem>>
          %dma_wait3A_376 = tpu.memref_squeeze %dma_wait3A_375 : memref<1x80xi32, #tpu.memory_space<vmem>> -> memref<80xi32, #tpu.memory_space<vmem>>
          %dma_wait3A_377 = arith.constant 0 : i32
          %dma_wait3A_378 = arith.constant 0 : i32
          %dma_wait3A_379 = tpu.memref_slice %arg14[%dma_wait3A_377, %dma_wait3A_378] : memref<10240x64xbf16, #tpu.memory_space<vmem_shared>> -> memref<10240x64xbf16, #tpu.memory_space<vmem_shared>>
          tpu.wait_indirect_dma semaphore(%arg22 : memref<!tpu.dma_semaphore, #tpu.memory_space<semaphore_mem>>) src(%dma_wait3A_373 : memref<80x64xbf16, #tpu.memory_space<vmem>>) dst(%dma_wait3A_379 : memref<10240x64xbf16, #tpu.memory_space<vmem_shared>>)
        } else {
        }
        %ge3A_256 = arith.constant 1 : i32
        %ge3A_257 = arith.cmpi sge, %add3A_219, %ge3A_256 : i32
        %sub3A_258 = arith.constant 1 : i32
        %sub3A_259 = arith.subi %add3A_219, %sub3A_258 : i32
        %add3A_260 = arith.constant 5 : i32
        %add3A_261 = arith.addi %sub3A_259, %add3A_260 : i32
        %lt3A_262 = arith.constant 250 : i32
        %lt3A_263 = arith.cmpi slt, %add3A_261, %lt3A_262 : i32
        %and3A_264 = arith.andi %ge3A_257, %lt3A_263 : i1
        %convert_element_type3A_265 = arith.extui %and3A_264 : i1 to i32
        %cond3A_266 = arith.constant 0 : i32
        %cond3A_267 = arith.cmpi ne, %convert_element_type3A_265, %cond3A_266 : i32
        scf.if %cond3A_267 {
          %sub3A_368 = arith.constant 1 : i32
          %sub3A_369 = arith.subi %add3A_219, %sub3A_368 : i32
          %add3A_370 = arith.constant 5 : i32
          %add3A_371 = arith.addi %sub3A_369, %add3A_370 : i32
          %dma_start3A_372 = arith.constant 1 : i32
          %dma_start3A_373 = arith.constant 0 : i32
          %dma_start3A_374 = arith.constant 0 : i32
          %dma_start3A_375 = tpu.memref_slice %arg10[%dma_start3A_372, %dma_start3A_373, %dma_start3A_374] : memref<5x80x64xbf16, #tpu.memory_space<vmem>> -> memref<1x80x64xbf16, #tpu.memory_space<vmem>>
          %dma_start3A_376 = tpu.memref_squeeze %dma_start3A_375 : memref<1x80x64xbf16, #tpu.memory_space<vmem>> -> memref<80x64xbf16, #tpu.memory_space<vmem>>
          %dma_start3A_377 = arith.constant 0 : i32
          %dma_start3A_378 = tpu.memref_slice %arg8[%add3A_371, %dma_start3A_377] : memref<250x80xi32, #tpu.memory_space<vmem>> -> memref<1x80xi32, #tpu.memory_space<vmem>>
          %dma_start3A_379 = tpu.memref_squeeze %dma_start3A_378 : memref<1x80xi32, #tpu.memory_space<vmem>> -> memref<80xi32, #tpu.memory_space<vmem>>
          %dma_start3A_380 = arith.constant 0 : i32
          %dma_start3A_381 = arith.constant 0 : i32
          %dma_start3A_382 = tpu.memref_slice %arg3[%dma_start3A_380, %dma_start3A_381] : memref<10000x64xbf16, #tpu.memory_space<hbm>> -> memref<10000x64xbf16, #tpu.memory_space<hbm>>
          tpu.enqueue_indirect_dma source(%dma_start3A_382 : memref<10000x64xbf16, #tpu.memory_space<hbm>>) target(%dma_start3A_376 : memref<80x64xbf16, #tpu.memory_space<vmem>>) offsets(%dma_start3A_379 : memref<80xi32, #tpu.memory_space<vmem>>) semaphore(%arg17 : memref<!tpu.dma_semaphore, #tpu.memory_space<semaphore_mem>>)
        } else {
        }
        %add3A_268 = arith.constant 3 : i32
        %add3A_269 = arith.addi %add3A_121, %add3A_268 : i32
        %dma_wait3A_270 = arith.constant 0 : i32
        %dma_wait3A_271 = arith.constant 3 : i32
        %dma_wait3A_272 = arith.constant 0 : i32
        %dma_wait3A_273 = arith.constant 0 : i32
        %dma_wait3A_274 = tpu.memref_slice %arg10[%dma_wait3A_271, %dma_wait3A_272, %dma_wait3A_273] : memref<5x80x64xbf16, #tpu.memory_space<vmem>> -> memref<1x80x64xbf16, #tpu.memory_space<vmem>>
        %dma_wait3A_275 = tpu.memref_squeeze %dma_wait3A_274 : memref<1x80x64xbf16, #tpu.memory_space<vmem>> -> memref<80x64xbf16, #tpu.memory_space<vmem>>
        %dma_wait3A_276 = arith.constant 0 : i32
        %dma_wait3A_277 = tpu.memref_slice %arg8[%dma_wait3A_270, %dma_wait3A_276] : memref<250x80xi32, #tpu.memory_space<vmem>> -> memref<1x80xi32, #tpu.memory_space<vmem>>
        %dma_wait3A_278 = tpu.memref_squeeze %dma_wait3A_277 : memref<1x80xi32, #tpu.memory_space<vmem>> -> memref<80xi32, #tpu.memory_space<vmem>>
        %dma_wait3A_279 = arith.constant 0 : i32
        %dma_wait3A_280 = arith.constant 0 : i32
        %dma_wait3A_281 = tpu.memref_slice %arg3[%dma_wait3A_279, %dma_wait3A_280] : memref<10000x64xbf16, #tpu.memory_space<hbm>> -> memref<10000x64xbf16, #tpu.memory_space<hbm>>
        tpu.wait_indirect_dma semaphore(%arg19 : memref<!tpu.dma_semaphore, #tpu.memory_space<semaphore_mem>>) src(%dma_wait3A_281 : memref<10000x64xbf16, #tpu.memory_space<hbm>>) dst(%dma_wait3A_275 : memref<80x64xbf16, #tpu.memory_space<vmem>>)
        %dma_start3A_282 = arith.constant 3 : i32
        %dma_start3A_283 = arith.constant 0 : i32
        %dma_start3A_284 = arith.constant 0 : i32
        %dma_start3A_285 = tpu.memref_slice %arg10[%dma_start3A_282, %dma_start3A_283, %dma_start3A_284] : memref<5x80x64xbf16, #tpu.memory_space<vmem>> -> memref<1x80x64xbf16, #tpu.memory_space<vmem>>
        %dma_start3A_286 = tpu.memref_squeeze %dma_start3A_285 : memref<1x80x64xbf16, #tpu.memory_space<vmem>> -> memref<80x64xbf16, #tpu.memory_space<vmem>>
        %dma_start3A_287 = arith.constant 0 : i32
        %dma_start3A_288 = tpu.memref_slice %arg9[%add3A_269, %dma_start3A_287] : memref<250x80xi32, #tpu.memory_space<vmem>> -> memref<1x80xi32, #tpu.memory_space<vmem>>
        %dma_start3A_289 = tpu.memref_squeeze %dma_start3A_288 : memref<1x80xi32, #tpu.memory_space<vmem>> -> memref<80xi32, #tpu.memory_space<vmem>>
        %dma_start3A_290 = arith.constant 0 : i32
        %dma_start3A_291 = arith.constant 0 : i32
        %dma_start3A_292 = tpu.memref_slice %arg14[%dma_start3A_290, %dma_start3A_291] : memref<10240x64xbf16, #tpu.memory_space<vmem_shared>> -> memref<10240x64xbf16, #tpu.memory_space<vmem_shared>>
        tpu.enqueue_indirect_dma source(%dma_start3A_286 : memref<80x64xbf16, #tpu.memory_space<vmem>>) target(%dma_start3A_292 : memref<10240x64xbf16, #tpu.memory_space<vmem_shared>>) offsets(%dma_start3A_289 : memref<80xi32, #tpu.memory_space<vmem>>) semaphore(%arg24 : memref<!tpu.dma_semaphore, #tpu.memory_space<semaphore_mem>>) {add = true}
        %ge3A_293 = arith.constant 125 : i32
        %ge3A_294 = arith.cmpi sge, %add3A_269, %ge3A_293 : i32
        %lt3A_295 = arith.constant 250 : i32
        %lt3A_296 = arith.cmpi slt, %add3A_269, %lt3A_295 : i32
        %and3A_297 = arith.andi %ge3A_294, %lt3A_296 : i1
        %convert_element_type3A_298 = arith.extui %and3A_297 : i1 to i32
        %cond3A_299 = arith.constant 0 : i32
        %cond3A_300 = arith.cmpi ne, %convert_element_type3A_298, %cond3A_299 : i32
        scf.if %cond3A_300 {
          "tpu.region"() ({
            %run_scoped3A = tpu.sem_alloc : memref<!tpu.dma_semaphore, #tpu.memory_space<semaphore_mem>>
            %dma_start3A_368 = arith.constant 0 : i32
            %dma_start3A_369 = tpu.memref_slice %arg9[%add3A_269, %dma_start3A_368] : memref<250x80xi32, #tpu.memory_space<vmem>> -> memref<1x80xi32, #tpu.memory_space<vmem>>
            %dma_start3A_370 = tpu.memref_squeeze %dma_start3A_369 : memref<1x80xi32, #tpu.memory_space<vmem>> -> memref<80xi32, #tpu.memory_space<vmem>>
            %dma_start3A_371 = arith.constant 0 : i32
            %dma_start3A_372 = arith.constant 0 : i32
            %dma_start3A_373 = tpu.memref_slice %arg15[%dma_start3A_371, %dma_start3A_372] : memref<10240x16xf32, #tpu.memory_space<vmem_shared>> -> memref<10240x16xf32, #tpu.memory_space<vmem_shared>>
            tpu.enqueue_indirect_dma source(%arg12 : memref<80x16xf32, #tpu.memory_space<vmem>>) target(%dma_start3A_373 : memref<10240x16xf32, #tpu.memory_space<vmem_shared>>) offsets(%dma_start3A_370 : memref<80xi32, #tpu.memory_space<vmem>>) semaphore(%run_scoped3A : memref<!tpu.dma_semaphore, #tpu.memory_space<semaphore_mem>>) {add = true}
            %dma_wait3A_374 = arith.constant 0 : i32
            %dma_wait3A_375 = tpu.memref_slice %arg9[%add3A_269, %dma_wait3A_374] : memref<250x80xi32, #tpu.memory_space<vmem>> -> memref<1x80xi32, #tpu.memory_space<vmem>>
            %dma_wait3A_376 = tpu.memref_squeeze %dma_wait3A_375 : memref<1x80xi32, #tpu.memory_space<vmem>> -> memref<80xi32, #tpu.memory_space<vmem>>
            %dma_wait3A_377 = arith.constant 0 : i32
            %dma_wait3A_378 = arith.constant 0 : i32
            %dma_wait3A_379 = tpu.memref_slice %arg15[%dma_wait3A_377, %dma_wait3A_378] : memref<10240x16xf32, #tpu.memory_space<vmem_shared>> -> memref<10240x16xf32, #tpu.memory_space<vmem_shared>>
            tpu.wait_indirect_dma semaphore(%run_scoped3A : memref<!tpu.dma_semaphore, #tpu.memory_space<semaphore_mem>>) src(%arg12 : memref<80x16xf32, #tpu.memory_space<vmem>>) dst(%dma_wait3A_379 : memref<10240x16xf32, #tpu.memory_space<vmem_shared>>)
            tpu.yield
          }) : () -> ()
        } else {
        }
        %ge3A_301 = arith.constant 1 : i32
        %ge3A_302 = arith.cmpi sge, %add3A_269, %ge3A_301 : i32
        %convert_element_type3A_303 = arith.extui %ge3A_302 : i1 to i32
        %cond3A_304 = arith.constant 0 : i32
        %cond3A_305 = arith.cmpi ne, %convert_element_type3A_303, %cond3A_304 : i32
        scf.if %cond3A_305 {
          %dma_wait3A_368 = arith.constant 2 : i32
          %dma_wait3A_369 = arith.constant 0 : i32
          %dma_wait3A_370 = arith.constant 0 : i32
          %dma_wait3A_371 = arith.constant 0 : i32
          %dma_wait3A_372 = tpu.memref_slice %arg10[%dma_wait3A_368, %dma_wait3A_370, %dma_wait3A_371] : memref<5x80x64xbf16, #tpu.memory_space<vmem>> -> memref<1x80x64xbf16, #tpu.memory_space<vmem>>
          %dma_wait3A_373 = tpu.memref_squeeze %dma_wait3A_372 : memref<1x80x64xbf16, #tpu.memory_space<vmem>> -> memref<80x64xbf16, #tpu.memory_space<vmem>>
          %dma_wait3A_374 = arith.constant 0 : i32
          %dma_wait3A_375 = tpu.memref_slice %arg9[%dma_wait3A_369, %dma_wait3A_374] : memref<250x80xi32, #tpu.memory_space<vmem>> -> memref<1x80xi32, #tpu.memory_space<vmem>>
          %dma_wait3A_376 = tpu.memref_squeeze %dma_wait3A_375 : memref<1x80xi32, #tpu.memory_space<vmem>> -> memref<80xi32, #tpu.memory_space<vmem>>
          %dma_wait3A_377 = arith.constant 0 : i32
          %dma_wait3A_378 = arith.constant 0 : i32
          %dma_wait3A_379 = tpu.memref_slice %arg14[%dma_wait3A_377, %dma_wait3A_378] : memref<10240x64xbf16, #tpu.memory_space<vmem_shared>> -> memref<10240x64xbf16, #tpu.memory_space<vmem_shared>>
          tpu.wait_indirect_dma semaphore(%arg23 : memref<!tpu.dma_semaphore, #tpu.memory_space<semaphore_mem>>) src(%dma_wait3A_373 : memref<80x64xbf16, #tpu.memory_space<vmem>>) dst(%dma_wait3A_379 : memref<10240x64xbf16, #tpu.memory_space<vmem_shared>>)
        } else {
        }
        %ge3A_306 = arith.constant 1 : i32
        %ge3A_307 = arith.cmpi sge, %add3A_269, %ge3A_306 : i32
        %sub3A_308 = arith.constant 1 : i32
        %sub3A_309 = arith.subi %add3A_269, %sub3A_308 : i32
        %add3A_310 = arith.constant 5 : i32
        %add3A_311 = arith.addi %sub3A_309, %add3A_310 : i32
        %lt3A_312 = arith.constant 250 : i32
        %lt3A_313 = arith.cmpi slt, %add3A_311, %lt3A_312 : i32
        %and3A_314 = arith.andi %ge3A_307, %lt3A_313 : i1
        %convert_element_type3A_315 = arith.extui %and3A_314 : i1 to i32
        %cond3A_316 = arith.constant 0 : i32
        %cond3A_317 = arith.cmpi ne, %convert_element_type3A_315, %cond3A_316 : i32
        scf.if %cond3A_317 {
          %sub3A_368 = arith.constant 1 : i32
          %sub3A_369 = arith.subi %add3A_269, %sub3A_368 : i32
          %add3A_370 = arith.constant 5 : i32
          %add3A_371 = arith.addi %sub3A_369, %add3A_370 : i32
          %dma_start3A_372 = arith.constant 2 : i32
          %dma_start3A_373 = arith.constant 0 : i32
          %dma_start3A_374 = arith.constant 0 : i32
          %dma_start3A_375 = tpu.memref_slice %arg10[%dma_start3A_372, %dma_start3A_373, %dma_start3A_374] : memref<5x80x64xbf16, #tpu.memory_space<vmem>> -> memref<1x80x64xbf16, #tpu.memory_space<vmem>>
          %dma_start3A_376 = tpu.memref_squeeze %dma_start3A_375 : memref<1x80x64xbf16, #tpu.memory_space<vmem>> -> memref<80x64xbf16, #tpu.memory_space<vmem>>
          %dma_start3A_377 = arith.constant 0 : i32
          %dma_start3A_378 = tpu.memref_slice %arg8[%add3A_371, %dma_start3A_377] : memref<250x80xi32, #tpu.memory_space<vmem>> -> memref<1x80xi32, #tpu.memory_space<vmem>>
          %dma_start3A_379 = tpu.memref_squeeze %dma_start3A_378 : memref<1x80xi32, #tpu.memory_space<vmem>> -> memref<80xi32, #tpu.memory_space<vmem>>
          %dma_start3A_380 = arith.constant 0 : i32
          %dma_start3A_381 = arith.constant 0 : i32
          %dma_start3A_382 = tpu.memref_slice %arg3[%dma_start3A_380, %dma_start3A_381] : memref<10000x64xbf16, #tpu.memory_space<hbm>> -> memref<10000x64xbf16, #tpu.memory_space<hbm>>
          tpu.enqueue_indirect_dma source(%dma_start3A_382 : memref<10000x64xbf16, #tpu.memory_space<hbm>>) target(%dma_start3A_376 : memref<80x64xbf16, #tpu.memory_space<vmem>>) offsets(%dma_start3A_379 : memref<80xi32, #tpu.memory_space<vmem>>) semaphore(%arg18 : memref<!tpu.dma_semaphore, #tpu.memory_space<semaphore_mem>>)
        } else {
        }
        %add3A_318 = arith.constant 4 : i32
        %add3A_319 = arith.addi %add3A_121, %add3A_318 : i32
        %dma_wait3A_320 = arith.constant 0 : i32
        %dma_wait3A_321 = arith.constant 4 : i32
        %dma_wait3A_322 = arith.constant 0 : i32
        %dma_wait3A_323 = arith.constant 0 : i32
        %dma_wait3A_324 = tpu.memref_slice %arg10[%dma_wait3A_321, %dma_wait3A_322, %dma_wait3A_323] : memref<5x80x64xbf16, #tpu.memory_space<vmem>> -> memref<1x80x64xbf16, #tpu.memory_space<vmem>>
        %dma_wait3A_325 = tpu.memref_squeeze %dma_wait3A_324 : memref<1x80x64xbf16, #tpu.memory_space<vmem>> -> memref<80x64xbf16, #tpu.memory_space<vmem>>
        %dma_wait3A_326 = arith.constant 0 : i32
        %dma_wait3A_327 = tpu.memref_slice %arg8[%dma_wait3A_320, %dma_wait3A_326] : memref<250x80xi32, #tpu.memory_space<vmem>> -> memref<1x80xi32, #tpu.memory_space<vmem>>
        %dma_wait3A_328 = tpu.memref_squeeze %dma_wait3A_327 : memref<1x80xi32, #tpu.memory_space<vmem>> -> memref<80xi32, #tpu.memory_space<vmem>>
        %dma_wait3A_329 = arith.constant 0 : i32
        %dma_wait3A_330 = arith.constant 0 : i32
        %dma_wait3A_331 = tpu.memref_slice %arg3[%dma_wait3A_329, %dma_wait3A_330] : memref<10000x64xbf16, #tpu.memory_space<hbm>> -> memref<10000x64xbf16, #tpu.memory_space<hbm>>
        tpu.wait_indirect_dma semaphore(%arg20 : memref<!tpu.dma_semaphore, #tpu.memory_space<semaphore_mem>>) src(%dma_wait3A_331 : memref<10000x64xbf16, #tpu.memory_space<hbm>>) dst(%dma_wait3A_325 : memref<80x64xbf16, #tpu.memory_space<vmem>>)
        %dma_start3A_332 = arith.constant 4 : i32
        %dma_start3A_333 = arith.constant 0 : i32
        %dma_start3A_334 = arith.constant 0 : i32
        %dma_start3A_335 = tpu.memref_slice %arg10[%dma_start3A_332, %dma_start3A_333, %dma_start3A_334] : memref<5x80x64xbf16, #tpu.memory_space<vmem>> -> memref<1x80x64xbf16, #tpu.memory_space<vmem>>
        %dma_start3A_336 = tpu.memref_squeeze %dma_start3A_335 : memref<1x80x64xbf16, #tpu.memory_space<vmem>> -> memref<80x64xbf16, #tpu.memory_space<vmem>>
        %dma_start3A_337 = arith.constant 0 : i32
        %dma_start3A_338 = tpu.memref_slice %arg9[%add3A_319, %dma_start3A_337] : memref<250x80xi32, #tpu.memory_space<vmem>> -> memref<1x80xi32, #tpu.memory_space<vmem>>
        %dma_start3A_339 = tpu.memref_squeeze %dma_start3A_338 : memref<1x80xi32, #tpu.memory_space<vmem>> -> memref<80xi32, #tpu.memory_space<vmem>>
        %dma_start3A_340 = arith.constant 0 : i32
        %dma_start3A_341 = arith.constant 0 : i32
        %dma_start3A_342 = tpu.memref_slice %arg14[%dma_start3A_340, %dma_start3A_341] : memref<10240x64xbf16, #tpu.memory_space<vmem_shared>> -> memref<10240x64xbf16, #tpu.memory_space<vmem_shared>>
        tpu.enqueue_indirect_dma source(%dma_start3A_336 : memref<80x64xbf16, #tpu.memory_space<vmem>>) target(%dma_start3A_342 : memref<10240x64xbf16, #tpu.memory_space<vmem_shared>>) offsets(%dma_start3A_339 : memref<80xi32, #tpu.memory_space<vmem>>) semaphore(%arg25 : memref<!tpu.dma_semaphore, #tpu.memory_space<semaphore_mem>>) {add = true}
        %ge3A_343 = arith.constant 125 : i32
        %ge3A_344 = arith.cmpi sge, %add3A_319, %ge3A_343 : i32
        %lt3A_345 = arith.constant 250 : i32
        %lt3A_346 = arith.cmpi slt, %add3A_319, %lt3A_345 : i32
        %and3A_347 = arith.andi %ge3A_344, %lt3A_346 : i1
        %convert_element_type3A_348 = arith.extui %and3A_347 : i1 to i32
        %cond3A_349 = arith.constant 0 : i32
        %cond3A_350 = arith.cmpi ne, %convert_element_type3A_348, %cond3A_349 : i32
        scf.if %cond3A_350 {
          "tpu.region"() ({
            %run_scoped3A = tpu.sem_alloc : memref<!tpu.dma_semaphore, #tpu.memory_space<semaphore_mem>>
            %dma_start3A_368 = arith.constant 0 : i32
            %dma_start3A_369 = tpu.memref_slice %arg9[%add3A_319, %dma_start3A_368] : memref<250x80xi32, #tpu.memory_space<vmem>> -> memref<1x80xi32, #tpu.memory_space<vmem>>
            %dma_start3A_370 = tpu.memref_squeeze %dma_start3A_369 : memref<1x80xi32, #tpu.memory_space<vmem>> -> memref<80xi32, #tpu.memory_space<vmem>>
            %dma_start3A_371 = arith.constant 0 : i32
            %dma_start3A_372 = arith.constant 0 : i32
            %dma_start3A_373 = tpu.memref_slice %arg15[%dma_start3A_371, %dma_start3A_372] : memref<10240x16xf32, #tpu.memory_space<vmem_shared>> -> memref<10240x16xf32, #tpu.memory_space<vmem_shared>>
            tpu.enqueue_indirect_dma source(%arg12 : memref<80x16xf32, #tpu.memory_space<vmem>>) target(%dma_start3A_373 : memref<10240x16xf32, #tpu.memory_space<vmem_shared>>) offsets(%dma_start3A_370 : memref<80xi32, #tpu.memory_space<vmem>>) semaphore(%run_scoped3A : memref<!tpu.dma_semaphore, #tpu.memory_space<semaphore_mem>>) {add = true}
            %dma_wait3A_374 = arith.constant 0 : i32
            %dma_wait3A_375 = tpu.memref_slice %arg9[%add3A_319, %dma_wait3A_374] : memref<250x80xi32, #tpu.memory_space<vmem>> -> memref<1x80xi32, #tpu.memory_space<vmem>>
            %dma_wait3A_376 = tpu.memref_squeeze %dma_wait3A_375 : memref<1x80xi32, #tpu.memory_space<vmem>> -> memref<80xi32, #tpu.memory_space<vmem>>
            %dma_wait3A_377 = arith.constant 0 : i32
            %dma_wait3A_378 = arith.constant 0 : i32
            %dma_wait3A_379 = tpu.memref_slice %arg15[%dma_wait3A_377, %dma_wait3A_378] : memref<10240x16xf32, #tpu.memory_space<vmem_shared>> -> memref<10240x16xf32, #tpu.memory_space<vmem_shared>>
            tpu.wait_indirect_dma semaphore(%run_scoped3A : memref<!tpu.dma_semaphore, #tpu.memory_space<semaphore_mem>>) src(%arg12 : memref<80x16xf32, #tpu.memory_space<vmem>>) dst(%dma_wait3A_379 : memref<10240x16xf32, #tpu.memory_space<vmem_shared>>)
            tpu.yield
          }) : () -> ()
        } else {
        }
        %ge3A_351 = arith.constant 1 : i32
        %ge3A_352 = arith.cmpi sge, %add3A_319, %ge3A_351 : i32
        %convert_element_type3A_353 = arith.extui %ge3A_352 : i1 to i32
        %cond3A_354 = arith.constant 0 : i32
        %cond3A_355 = arith.cmpi ne, %convert_element_type3A_353, %cond3A_354 : i32
        scf.if %cond3A_355 {
          %dma_wait3A_368 = arith.constant 3 : i32
          %dma_wait3A_369 = arith.constant 0 : i32
          %dma_wait3A_370 = arith.constant 0 : i32
          %dma_wait3A_371 = arith.constant 0 : i32
          %dma_wait3A_372 = tpu.memref_slice %arg10[%dma_wait3A_368, %dma_wait3A_370, %dma_wait3A_371] : memref<5x80x64xbf16, #tpu.memory_space<vmem>> -> memref<1x80x64xbf16, #tpu.memory_space<vmem>>
          %dma_wait3A_373 = tpu.memref_squeeze %dma_wait3A_372 : memref<1x80x64xbf16, #tpu.memory_space<vmem>> -> memref<80x64xbf16, #tpu.memory_space<vmem>>
          %dma_wait3A_374 = arith.constant 0 : i32
          %dma_wait3A_375 = tpu.memref_slice %arg9[%dma_wait3A_369, %dma_wait3A_374] : memref<250x80xi32, #tpu.memory_space<vmem>> -> memref<1x80xi32, #tpu.memory_space<vmem>>
          %dma_wait3A_376 = tpu.memref_squeeze %dma_wait3A_375 : memref<1x80xi32, #tpu.memory_space<vmem>> -> memref<80xi32, #tpu.memory_space<vmem>>
          %dma_wait3A_377 = arith.constant 0 : i32
          %dma_wait3A_378 = arith.constant 0 : i32
          %dma_wait3A_379 = tpu.memref_slice %arg14[%dma_wait3A_377, %dma_wait3A_378] : memref<10240x64xbf16, #tpu.memory_space<vmem_shared>> -> memref<10240x64xbf16, #tpu.memory_space<vmem_shared>>
          tpu.wait_indirect_dma semaphore(%arg24 : memref<!tpu.dma_semaphore, #tpu.memory_space<semaphore_mem>>) src(%dma_wait3A_373 : memref<80x64xbf16, #tpu.memory_space<vmem>>) dst(%dma_wait3A_379 : memref<10240x64xbf16, #tpu.memory_space<vmem_shared>>)
        } else {
        }
        %ge3A_356 = arith.constant 1 : i32
        %ge3A_357 = arith.cmpi sge, %add3A_319, %ge3A_356 : i32
        %sub3A_358 = arith.constant 1 : i32
        %sub3A_359 = arith.subi %add3A_319, %sub3A_358 : i32
        %add3A_360 = arith.constant 5 : i32
        %add3A_361 = arith.addi %sub3A_359, %add3A_360 : i32
        %lt3A_362 = arith.constant 250 : i32
        %lt3A_363 = arith.cmpi slt, %add3A_361, %lt3A_362 : i32
        %and3A_364 = arith.andi %ge3A_357, %lt3A_363 : i1
        %convert_element_type3A_365 = arith.extui %and3A_364 : i1 to i32
        %cond3A_366 = arith.constant 0 : i32
        %cond3A_367 = arith.cmpi ne, %convert_element_type3A_365, %cond3A_366 : i32
        scf.if %cond3A_367 {
          %sub3A_368 = arith.constant 1 : i32
          %sub3A_369 = arith.subi %add3A_319, %sub3A_368 : i32
          %add3A_370 = arith.constant 5 : i32
          %add3A_371 = arith.addi %sub3A_369, %add3A_370 : i32
          %dma_start3A_372 = arith.constant 3 : i32
          %dma_start3A_373 = arith.constant 0 : i32
          %dma_start3A_374 = arith.constant 0 : i32
          %dma_start3A_375 = tpu.memref_slice %arg10[%dma_start3A_372, %dma_start3A_373, %dma_start3A_374] : memref<5x80x64xbf16, #tpu.memory_space<vmem>> -> memref<1x80x64xbf16, #tpu.memory_space<vmem>>
          %dma_start3A_376 = tpu.memref_squeeze %dma_start3A_375 : memref<1x80x64xbf16, #tpu.memory_space<vmem>> -> memref<80x64xbf16, #tpu.memory_space<vmem>>
          %dma_start3A_377 = arith.constant 0 : i32
          %dma_start3A_378 = tpu.memref_slice %arg8[%add3A_371, %dma_start3A_377] : memref<250x80xi32, #tpu.memory_space<vmem>> -> memref<1x80xi32, #tpu.memory_space<vmem>>
          %dma_start3A_379 = tpu.memref_squeeze %dma_start3A_378 : memref<1x80xi32, #tpu.memory_space<vmem>> -> memref<80xi32, #tpu.memory_space<vmem>>
          %dma_start3A_380 = arith.constant 0 : i32
          %dma_start3A_381 = arith.constant 0 : i32
          %dma_start3A_382 = tpu.memref_slice %arg3[%dma_start3A_380, %dma_start3A_381] : memref<10000x64xbf16, #tpu.memory_space<hbm>> -> memref<10000x64xbf16, #tpu.memory_space<hbm>>
          tpu.enqueue_indirect_dma source(%dma_start3A_382 : memref<10000x64xbf16, #tpu.memory_space<hbm>>) target(%dma_start3A_376 : memref<80x64xbf16, #tpu.memory_space<vmem>>) offsets(%dma_start3A_379 : memref<80xi32, #tpu.memory_space<vmem>>) semaphore(%arg19 : memref<!tpu.dma_semaphore, #tpu.memory_space<semaphore_mem>>)
        } else {
        }
      }
      %scan3A_105 = arith.constant 50 : i32
      %dma_wait3A = arith.constant 4 : i32
      %dma_wait3A_106 = arith.constant 0 : i32
      %dma_wait3A_107 = arith.constant 0 : i32
      %dma_wait3A_108 = arith.constant 0 : i32
      %dma_wait3A_109 = tpu.memref_slice %arg10[%dma_wait3A, %dma_wait3A_107, %dma_wait3A_108] : memref<5x80x64xbf16, #tpu.memory_space<vmem>> -> memref<1x80x64xbf16, #tpu.memory_space<vmem>>
      %dma_wait3A_110 = tpu.memref_squeeze %dma_wait3A_109 : memref<1x80x64xbf16, #tpu.memory_space<vmem>> -> memref<80x64xbf16, #tpu.memory_space<vmem>>
      %dma_wait3A_111 = arith.constant 0 : i32
      %dma_wait3A_112 = tpu.memref_slice %arg9[%dma_wait3A_106, %dma_wait3A_111] : memref<250x80xi32, #tpu.memory_space<vmem>> -> memref<1x80xi32, #tpu.memory_space<vmem>>
      %dma_wait3A_113 = tpu.memref_squeeze %dma_wait3A_112 : memref<1x80xi32, #tpu.memory_space<vmem>> -> memref<80xi32, #tpu.memory_space<vmem>>
      %dma_wait3A_114 = arith.constant 0 : i32
      %dma_wait3A_115 = arith.constant 0 : i32
      %dma_wait3A_116 = tpu.memref_slice %arg14[%dma_wait3A_114, %dma_wait3A_115] : memref<10240x64xbf16, #tpu.memory_space<vmem_shared>> -> memref<10240x64xbf16, #tpu.memory_space<vmem_shared>>
      tpu.wait_indirect_dma semaphore(%arg25 : memref<!tpu.dma_semaphore, #tpu.memory_space<semaphore_mem>>) src(%dma_wait3A_110 : memref<80x64xbf16, #tpu.memory_space<vmem>>) dst(%dma_wait3A_116 : memref<10240x64xbf16, #tpu.memory_space<vmem_shared>>)
    } else {
    }
    %barrier3A_39 = arith.constant 0 : index
    tpu.barrier barrier_id(%barrier3A_39)
    %mul3A_40 = arith.constant 640 : i32
    %mul3A_41 = arith.muli %arg1, %mul3A_40 : i32
    "tpu.region"() ({
      %run_scoped3A = tpu.sem_alloc : memref<!tpu.dma_semaphore, #tpu.memory_space<semaphore_mem>>
      %dma_start3A = arith.constant 0 : i32
      %dma_start3A_42 = tpu.memref_slice %arg6[%arg0, %mul3A_41, %dma_start3A] : memref<2x10240x64xbf16, #tpu.memory_space<hbm>> -> memref<1x640x64xbf16, #tpu.memory_space<hbm>>
      %dma_start3A_43 = tpu.memref_squeeze %dma_start3A_42 : memref<1x640x64xbf16, #tpu.memory_space<hbm>> -> memref<640x64xbf16, #tpu.memory_space<hbm>>
      %dma_start3A_44 = arith.constant 0 : i32
      %dma_start3A_45 = tpu.memref_slice %arg14[%mul3A_41, %dma_start3A_44] : memref<10240x64xbf16, #tpu.memory_space<vmem_shared>> -> memref<640x64xbf16, #tpu.memory_space<vmem_shared>>
      tpu.enqueue_dma source(%dma_start3A_45 : memref<640x64xbf16, #tpu.memory_space<vmem_shared>>) target(%dma_start3A_43 : memref<640x64xbf16, #tpu.memory_space<hbm>>) target_semaphore(%run_scoped3A : memref<!tpu.dma_semaphore, #tpu.memory_space<semaphore_mem>>)
      %dma_wait3A = arith.constant 0 : i32
      %dma_wait3A_46 = tpu.memref_slice %arg6[%arg0, %mul3A_41, %dma_wait3A] : memref<2x10240x64xbf16, #tpu.memory_space<hbm>> -> memref<1x640x64xbf16, #tpu.memory_space<hbm>>
      %dma_wait3A_47 = tpu.memref_squeeze %dma_wait3A_46 : memref<1x640x64xbf16, #tpu.memory_space<hbm>> -> memref<640x64xbf16, #tpu.memory_space<hbm>>
      %dma_wait3A_48 = arith.constant 0 : i32
      %dma_wait3A_49 = tpu.memref_slice %arg14[%mul3A_41, %dma_wait3A_48] : memref<10240x64xbf16, #tpu.memory_space<vmem_shared>> -> memref<640x64xbf16, #tpu.memory_space<vmem_shared>>
      tpu.wait_dma2 semaphore(%run_scoped3A : memref<!tpu.dma_semaphore, #tpu.memory_space<semaphore_mem>>) src(%dma_wait3A_49 : memref<640x64xbf16, #tpu.memory_space<vmem_shared>>) dst(%dma_wait3A_47 : memref<640x64xbf16, #tpu.memory_space<hbm>>)
      tpu.yield
    }) : () -> ()
    "tpu.region"() ({
      %run_scoped3A = tpu.sem_alloc : memref<!tpu.dma_semaphore, #tpu.memory_space<semaphore_mem>>
      %dma_start3A = arith.constant 0 : i32
      %dma_start3A_42 = tpu.memref_slice %arg7[%arg0, %mul3A_41, %dma_start3A] : memref<2x10240x16xf32, #tpu.memory_space<hbm>> -> memref<1x640x16xf32, #tpu.memory_space<hbm>>
      %dma_start3A_43 = tpu.memref_squeeze %dma_start3A_42 : memref<1x640x16xf32, #tpu.memory_space<hbm>> -> memref<640x16xf32, #tpu.memory_space<hbm>>
      %dma_start3A_44 = arith.constant 0 : i32
      %dma_start3A_45 = tpu.memref_slice %arg15[%mul3A_41, %dma_start3A_44] : memref<10240x16xf32, #tpu.memory_space<vmem_shared>> -> memref<640x16xf32, #tpu.memory_space<vmem_shared>>
      tpu.enqueue_dma source(%dma_start3A_45 : memref<640x16xf32, #tpu.memory_space<vmem_shared>>) target(%dma_start3A_43 : memref<640x16xf32, #tpu.memory_space<hbm>>) target_semaphore(%run_scoped3A : memref<!tpu.dma_semaphore, #tpu.memory_space<semaphore_mem>>)
      %dma_wait3A = arith.constant 0 : i32
      %dma_wait3A_46 = tpu.memref_slice %arg7[%arg0, %mul3A_41, %dma_wait3A] : memref<2x10240x16xf32, #tpu.memory_space<hbm>> -> memref<1x640x16xf32, #tpu.memory_space<hbm>>
      %dma_wait3A_47 = tpu.memref_squeeze %dma_wait3A_46 : memref<1x640x16xf32, #tpu.memory_space<hbm>> -> memref<640x16xf32, #tpu.memory_space<hbm>>
      %dma_wait3A_48 = arith.constant 0 : i32
      %dma_wait3A_49 = tpu.memref_slice %arg15[%mul3A_41, %dma_wait3A_48] : memref<10240x16xf32, #tpu.memory_space<vmem_shared>> -> memref<640x16xf32, #tpu.memory_space<vmem_shared>>
      tpu.wait_dma2 semaphore(%run_scoped3A : memref<!tpu.dma_semaphore, #tpu.memory_space<semaphore_mem>>) src(%dma_wait3A_49 : memref<640x16xf32, #tpu.memory_space<vmem_shared>>) dst(%dma_wait3A_47 : memref<640x16xf32, #tpu.memory_space<hbm>>)
      tpu.yield
    }) : () -> ()
    return
  }
}

#map = affine_map<(d0, d1) -> (0, 0)>
#map1 = affine_map<(d0, d1) -> (0, 0, 0)>
module attributes {stable_mosaic.version = 14 : i64} {
  func.func @_sc2_body(%arg0: i32, %arg1: i32, %arg2: memref<10000x32xbf16, #tpu.memory_space<hbm>>, %arg3: memref<32x125x80xi32, #tpu.memory_space<hbm>>, %arg4: memref<32x125x80xi32, #tpu.memory_space<hbm>>, %arg5: memref<2x10240x32xbf16, #tpu.memory_space<hbm>>, %arg6: memref<125x80xi32, #tpu.memory_space<vmem>>, %arg7: memref<125x80xi32, #tpu.memory_space<vmem>>, %arg8: memref<5x80x32xbf16, #tpu.memory_space<vmem>>, %arg9: memref<128x32xbf16, #tpu.memory_space<vmem>>, %arg10: memref<10240x32xbf16, #tpu.memory_space<vmem_shared>>, %arg11: memref<!tpu.dma_semaphore, #tpu.memory_space<semaphore_mem>>, %arg12: memref<!tpu.dma_semaphore, #tpu.memory_space<semaphore_mem>>, %arg13: memref<!tpu.dma_semaphore, #tpu.memory_space<semaphore_mem>>, %arg14: memref<!tpu.dma_semaphore, #tpu.memory_space<semaphore_mem>>, %arg15: memref<!tpu.dma_semaphore, #tpu.memory_space<semaphore_mem>>, %arg16: memref<!tpu.dma_semaphore, #tpu.memory_space<semaphore_mem>>, %arg17: memref<!tpu.dma_semaphore, #tpu.memory_space<semaphore_mem>>, %arg18: memref<!tpu.dma_semaphore, #tpu.memory_space<semaphore_mem>>, %arg19: memref<!tpu.dma_semaphore, #tpu.memory_space<semaphore_mem>>, %arg20: memref<!tpu.dma_semaphore, #tpu.memory_space<semaphore_mem>>) attributes {dimension_semantics = [#tpu.dimension_semantics<core_parallel>, #tpu.dimension_semantics<subcore_parallel>], iteration_bounds = array<i64: 2, 16>, scalar_prefetch = 0 : i64, scratch_operands = 15 : i64, tpu.core_type = #tpu.core_type<sc_vector_subcore>, window_params = [{transform_indices = #map}, {transform_indices = #map1}, {transform_indices = #map1}, {transform_indices = #map1}]} {
    %mul3A = arith.constant 16 : i32
    %mul3A_0 = arith.muli %arg0, %mul3A : i32
    %add3A = arith.addi %mul3A_0, %arg1 : i32
    "tpu.region"() ({
      %run_scoped3A = tpu.sem_alloc : memref<!tpu.dma_semaphore, #tpu.memory_space<semaphore_mem>>
      %dma_start3A_104 = arith.constant 0 : i32
      %dma_start3A_105 = arith.constant 0 : i32
      %dma_start3A_106 = tpu.memref_slice %arg3[%add3A, %dma_start3A_104, %dma_start3A_105] : memref<32x125x80xi32, #tpu.memory_space<hbm>> -> memref<1x125x80xi32, #tpu.memory_space<hbm>>
      %dma_start3A_107 = tpu.memref_squeeze %dma_start3A_106 : memref<1x125x80xi32, #tpu.memory_space<hbm>> -> memref<125x80xi32, #tpu.memory_space<hbm>>
      %dma_start3A_108 = arith.constant 0 : i32
      %dma_start3A_109 = arith.constant 0 : i32
      %dma_start3A_110 = tpu.memref_slice %arg3[%add3A, %dma_start3A_108, %dma_start3A_109] : memref<32x125x80xi32, #tpu.memory_space<hbm>> -> memref<1x125x80xi32, #tpu.memory_space<hbm>>
      %dma_start3A_111 = tpu.memref_squeeze %dma_start3A_110 : memref<1x125x80xi32, #tpu.memory_space<hbm>> -> memref<125x80xi32, #tpu.memory_space<hbm>>
      tpu.enqueue_dma source(%dma_start3A_111 : memref<125x80xi32, #tpu.memory_space<hbm>>) target(%arg6 : memref<125x80xi32, #tpu.memory_space<vmem>>) target_semaphore(%run_scoped3A : memref<!tpu.dma_semaphore, #tpu.memory_space<semaphore_mem>>)
      %dma_wait3A_112 = arith.constant 0 : i32
      %dma_wait3A_113 = arith.constant 0 : i32
      %dma_wait3A_114 = tpu.memref_slice %arg3[%add3A, %dma_wait3A_112, %dma_wait3A_113] : memref<32x125x80xi32, #tpu.memory_space<hbm>> -> memref<1x125x80xi32, #tpu.memory_space<hbm>>
      %dma_wait3A_115 = tpu.memref_squeeze %dma_wait3A_114 : memref<1x125x80xi32, #tpu.memory_space<hbm>> -> memref<125x80xi32, #tpu.memory_space<hbm>>
      %dma_wait3A_116 = arith.constant 0 : i32
      %dma_wait3A_117 = arith.constant 0 : i32
      %dma_wait3A_118 = tpu.memref_slice %arg3[%add3A, %dma_wait3A_116, %dma_wait3A_117] : memref<32x125x80xi32, #tpu.memory_space<hbm>> -> memref<1x125x80xi32, #tpu.memory_space<hbm>>
      %dma_wait3A_119 = tpu.memref_squeeze %dma_wait3A_118 : memref<1x125x80xi32, #tpu.memory_space<hbm>> -> memref<125x80xi32, #tpu.memory_space<hbm>>
      tpu.wait_dma2 semaphore(%run_scoped3A : memref<!tpu.dma_semaphore, #tpu.memory_space<semaphore_mem>>) src(%dma_wait3A_119 : memref<125x80xi32, #tpu.memory_space<hbm>>) dst(%arg6 : memref<125x80xi32, #tpu.memory_space<vmem>>)
      tpu.yield
    }) : () -> ()
    "tpu.region"() ({
      %run_scoped3A = tpu.sem_alloc : memref<!tpu.dma_semaphore, #tpu.memory_space<semaphore_mem>>
      %dma_start3A_104 = arith.constant 0 : i32
      %dma_start3A_105 = arith.constant 0 : i32
      %dma_start3A_106 = tpu.memref_slice %arg4[%add3A, %dma_start3A_104, %dma_start3A_105] : memref<32x125x80xi32, #tpu.memory_space<hbm>> -> memref<1x125x80xi32, #tpu.memory_space<hbm>>
      %dma_start3A_107 = tpu.memref_squeeze %dma_start3A_106 : memref<1x125x80xi32, #tpu.memory_space<hbm>> -> memref<125x80xi32, #tpu.memory_space<hbm>>
      %dma_start3A_108 = arith.constant 0 : i32
      %dma_start3A_109 = arith.constant 0 : i32
      %dma_start3A_110 = tpu.memref_slice %arg4[%add3A, %dma_start3A_108, %dma_start3A_109] : memref<32x125x80xi32, #tpu.memory_space<hbm>> -> memref<1x125x80xi32, #tpu.memory_space<hbm>>
      %dma_start3A_111 = tpu.memref_squeeze %dma_start3A_110 : memref<1x125x80xi32, #tpu.memory_space<hbm>> -> memref<125x80xi32, #tpu.memory_space<hbm>>
      tpu.enqueue_dma source(%dma_start3A_111 : memref<125x80xi32, #tpu.memory_space<hbm>>) target(%arg7 : memref<125x80xi32, #tpu.memory_space<vmem>>) target_semaphore(%run_scoped3A : memref<!tpu.dma_semaphore, #tpu.memory_space<semaphore_mem>>)
      %dma_wait3A_112 = arith.constant 0 : i32
      %dma_wait3A_113 = arith.constant 0 : i32
      %dma_wait3A_114 = tpu.memref_slice %arg4[%add3A, %dma_wait3A_112, %dma_wait3A_113] : memref<32x125x80xi32, #tpu.memory_space<hbm>> -> memref<1x125x80xi32, #tpu.memory_space<hbm>>
      %dma_wait3A_115 = tpu.memref_squeeze %dma_wait3A_114 : memref<1x125x80xi32, #tpu.memory_space<hbm>> -> memref<125x80xi32, #tpu.memory_space<hbm>>
      %dma_wait3A_116 = arith.constant 0 : i32
      %dma_wait3A_117 = arith.constant 0 : i32
      %dma_wait3A_118 = tpu.memref_slice %arg4[%add3A, %dma_wait3A_116, %dma_wait3A_117] : memref<32x125x80xi32, #tpu.memory_space<hbm>> -> memref<1x125x80xi32, #tpu.memory_space<hbm>>
      %dma_wait3A_119 = tpu.memref_squeeze %dma_wait3A_118 : memref<1x125x80xi32, #tpu.memory_space<hbm>> -> memref<125x80xi32, #tpu.memory_space<hbm>>
      tpu.wait_dma2 semaphore(%run_scoped3A : memref<!tpu.dma_semaphore, #tpu.memory_space<semaphore_mem>>) src(%dma_wait3A_119 : memref<125x80xi32, #tpu.memory_space<hbm>>) dst(%arg7 : memref<125x80xi32, #tpu.memory_space<vmem>>)
      tpu.yield
    }) : () -> ()
    %broadcast_in_dim3A = arith.constant 0.000000e+00 : bf16
    %broadcast_in_dim3A_1 = vector.broadcast %broadcast_in_dim3A : bf16 to vector<32xbf16>
    %scan3A = arith.constant 0 : i32
    %scan3A_2 = arith.constant 128 : i32
    %scan3A_3 = arith.addi %scan3A, %scan3A_2 : i32
    %scan3A_4 = arith.constant 1 : i32
    scf.for %scan3A_104 = %scan3A to %scan3A_3 step %scan3A_4  : i32 {
      %mul3A_105 = arith.constant 1 : i32
      %mul3A_106 = arith.muli %scan3A_104, %mul3A_105 : i32
      %add3A_107 = arith.constant 0 : i32
      %add3A_108 = arith.addi %add3A_107, %mul3A_106 : i32
      %swap3A = arith.index_cast %add3A_108 : i32 to index
      %swap3A_109 = arith.constant 0 : index
      %swap3A_110 = tpu.vector_load %arg9[%swap3A, %swap3A_109] {strides = array<i32>} : memref<128x32xbf16, #tpu.memory_space<vmem>>, vector<1x32xbf16>,
      %swap3A_111 = vector.shape_cast %swap3A_110 : vector<1x32xbf16> to vector<32xbf16>
      %swap3A_112 = vector.shape_cast %broadcast_in_dim3A_1 : vector<32xbf16> to vector<1x32xbf16>
      tpu.vector_store %arg9[%swap3A, %swap3A_109], %swap3A_112 {strides = array<i32>} : memref<128x32xbf16, #tpu.memory_space<vmem>>, vector<1x32xbf16>,
    }
    %scan3A_5 = arith.constant 128 : i32
    %mul3A_6 = arith.constant 640 : i32
    %mul3A_7 = arith.muli %arg1, %mul3A_6 : i32
    %add3A_8 = arith.constant 0 : i32
    %add3A_9 = arith.addi %mul3A_7, %add3A_8 : i32
    "tpu.region"() ({
      %run_scoped3A = tpu.sem_alloc : memref<!tpu.dma_semaphore, #tpu.memory_space<semaphore_mem>>
      %dma_start3A_104 = arith.constant 0 : i32
      %dma_start3A_105 = tpu.memref_slice %arg10[%add3A_9, %dma_start3A_104] : memref<10240x32xbf16, #tpu.memory_space<vmem_shared>> -> memref<128x32xbf16, #tpu.memory_space<vmem_shared>>
      %dma_start3A_106 = arith.constant 0 : i32
      %dma_start3A_107 = tpu.memref_slice %arg10[%add3A_9, %dma_start3A_106] : memref<10240x32xbf16, #tpu.memory_space<vmem_shared>> -> memref<128x32xbf16, #tpu.memory_space<vmem_shared>>
      tpu.enqueue_dma source(%arg9 : memref<128x32xbf16, #tpu.memory_space<vmem>>) target(%dma_start3A_107 : memref<128x32xbf16, #tpu.memory_space<vmem_shared>>) target_semaphore(%run_scoped3A : memref<!tpu.dma_semaphore, #tpu.memory_space<semaphore_mem>>)
      %dma_wait3A_108 = arith.constant 0 : i32
      %dma_wait3A_109 = tpu.memref_slice %arg10[%add3A_9, %dma_wait3A_108] : memref<10240x32xbf16, #tpu.memory_space<vmem_shared>> -> memref<128x32xbf16, #tpu.memory_space<vmem_shared>>
      %dma_wait3A_110 = arith.constant 0 : i32
      %dma_wait3A_111 = tpu.memref_slice %arg10[%add3A_9, %dma_wait3A_110] : memref<10240x32xbf16, #tpu.memory_space<vmem_shared>> -> memref<128x32xbf16, #tpu.memory_space<vmem_shared>>
      tpu.wait_dma2 semaphore(%run_scoped3A : memref<!tpu.dma_semaphore, #tpu.memory_space<semaphore_mem>>) src(%arg9 : memref<128x32xbf16, #tpu.memory_space<vmem>>) dst(%dma_wait3A_111 : memref<128x32xbf16, #tpu.memory_space<vmem_shared>>)
      tpu.yield
    }) : () -> ()
    %mul3A_10 = arith.constant 640 : i32
    %mul3A_11 = arith.muli %arg1, %mul3A_10 : i32
    %add3A_12 = arith.constant 128 : i32
    %add3A_13 = arith.addi %mul3A_11, %add3A_12 : i32
    "tpu.region"() ({
      %run_scoped3A = tpu.sem_alloc : memref<!tpu.dma_semaphore, #tpu.memory_space<semaphore_mem>>
      %dma_start3A_104 = arith.constant 0 : i32
      %dma_start3A_105 = tpu.memref_slice %arg10[%add3A_13, %dma_start3A_104] : memref<10240x32xbf16, #tpu.memory_space<vmem_shared>> -> memref<128x32xbf16, #tpu.memory_space<vmem_shared>>
      %dma_start3A_106 = arith.constant 0 : i32
      %dma_start3A_107 = tpu.memref_slice %arg10[%add3A_13, %dma_start3A_106] : memref<10240x32xbf16, #tpu.memory_space<vmem_shared>> -> memref<128x32xbf16, #tpu.memory_space<vmem_shared>>
      tpu.enqueue_dma source(%arg9 : memref<128x32xbf16, #tpu.memory_space<vmem>>) target(%dma_start3A_107 : memref<128x32xbf16, #tpu.memory_space<vmem_shared>>) target_semaphore(%run_scoped3A : memref<!tpu.dma_semaphore, #tpu.memory_space<semaphore_mem>>)
      %dma_wait3A_108 = arith.constant 0 : i32
      %dma_wait3A_109 = tpu.memref_slice %arg10[%add3A_13, %dma_wait3A_108] : memref<10240x32xbf16, #tpu.memory_space<vmem_shared>> -> memref<128x32xbf16, #tpu.memory_space<vmem_shared>>
      %dma_wait3A_110 = arith.constant 0 : i32
      %dma_wait3A_111 = tpu.memref_slice %arg10[%add3A_13, %dma_wait3A_110] : memref<10240x32xbf16, #tpu.memory_space<vmem_shared>> -> memref<128x32xbf16, #tpu.memory_space<vmem_shared>>
      tpu.wait_dma2 semaphore(%run_scoped3A : memref<!tpu.dma_semaphore, #tpu.memory_space<semaphore_mem>>) src(%arg9 : memref<128x32xbf16, #tpu.memory_space<vmem>>) dst(%dma_wait3A_111 : memref<128x32xbf16, #tpu.memory_space<vmem_shared>>)
      tpu.yield
    }) : () -> ()
    %mul3A_14 = arith.constant 640 : i32
    %mul3A_15 = arith.muli %arg1, %mul3A_14 : i32
    %add3A_16 = arith.constant 256 : i32
    %add3A_17 = arith.addi %mul3A_15, %add3A_16 : i32
    "tpu.region"() ({
      %run_scoped3A = tpu.sem_alloc : memref<!tpu.dma_semaphore, #tpu.memory_space<semaphore_mem>>
      %dma_start3A_104 = arith.constant 0 : i32
      %dma_start3A_105 = tpu.memref_slice %arg10[%add3A_17, %dma_start3A_104] : memref<10240x32xbf16, #tpu.memory_space<vmem_shared>> -> memref<128x32xbf16, #tpu.memory_space<vmem_shared>>
      %dma_start3A_106 = arith.constant 0 : i32
      %dma_start3A_107 = tpu.memref_slice %arg10[%add3A_17, %dma_start3A_106] : memref<10240x32xbf16, #tpu.memory_space<vmem_shared>> -> memref<128x32xbf16, #tpu.memory_space<vmem_shared>>
      tpu.enqueue_dma source(%arg9 : memref<128x32xbf16, #tpu.memory_space<vmem>>) target(%dma_start3A_107 : memref<128x32xbf16, #tpu.memory_space<vmem_shared>>) target_semaphore(%run_scoped3A : memref<!tpu.dma_semaphore, #tpu.memory_space<semaphore_mem>>)
      %dma_wait3A_108 = arith.constant 0 : i32
      %dma_wait3A_109 = tpu.memref_slice %arg10[%add3A_17, %dma_wait3A_108] : memref<10240x32xbf16, #tpu.memory_space<vmem_shared>> -> memref<128x32xbf16, #tpu.memory_space<vmem_shared>>
      %dma_wait3A_110 = arith.constant 0 : i32
      %dma_wait3A_111 = tpu.memref_slice %arg10[%add3A_17, %dma_wait3A_110] : memref<10240x32xbf16, #tpu.memory_space<vmem_shared>> -> memref<128x32xbf16, #tpu.memory_space<vmem_shared>>
      tpu.wait_dma2 semaphore(%run_scoped3A : memref<!tpu.dma_semaphore, #tpu.memory_space<semaphore_mem>>) src(%arg9 : memref<128x32xbf16, #tpu.memory_space<vmem>>) dst(%dma_wait3A_111 : memref<128x32xbf16, #tpu.memory_space<vmem_shared>>)
      tpu.yield
    }) : () -> ()
    %mul3A_18 = arith.constant 640 : i32
    %mul3A_19 = arith.muli %arg1, %mul3A_18 : i32
    %add3A_20 = arith.constant 384 : i32
    %add3A_21 = arith.addi %mul3A_19, %add3A_20 : i32
    "tpu.region"() ({
      %run_scoped3A = tpu.sem_alloc : memref<!tpu.dma_semaphore, #tpu.memory_space<semaphore_mem>>
      %dma_start3A_104 = arith.constant 0 : i32
      %dma_start3A_105 = tpu.memref_slice %arg10[%add3A_21, %dma_start3A_104] : memref<10240x32xbf16, #tpu.memory_space<vmem_shared>> -> memref<128x32xbf16, #tpu.memory_space<vmem_shared>>
      %dma_start3A_106 = arith.constant 0 : i32
      %dma_start3A_107 = tpu.memref_slice %arg10[%add3A_21, %dma_start3A_106] : memref<10240x32xbf16, #tpu.memory_space<vmem_shared>> -> memref<128x32xbf16, #tpu.memory_space<vmem_shared>>
      tpu.enqueue_dma source(%arg9 : memref<128x32xbf16, #tpu.memory_space<vmem>>) target(%dma_start3A_107 : memref<128x32xbf16, #tpu.memory_space<vmem_shared>>) target_semaphore(%run_scoped3A : memref<!tpu.dma_semaphore, #tpu.memory_space<semaphore_mem>>)
      %dma_wait3A_108 = arith.constant 0 : i32
      %dma_wait3A_109 = tpu.memref_slice %arg10[%add3A_21, %dma_wait3A_108] : memref<10240x32xbf16, #tpu.memory_space<vmem_shared>> -> memref<128x32xbf16, #tpu.memory_space<vmem_shared>>
      %dma_wait3A_110 = arith.constant 0 : i32
      %dma_wait3A_111 = tpu.memref_slice %arg10[%add3A_21, %dma_wait3A_110] : memref<10240x32xbf16, #tpu.memory_space<vmem_shared>> -> memref<128x32xbf16, #tpu.memory_space<vmem_shared>>
      tpu.wait_dma2 semaphore(%run_scoped3A : memref<!tpu.dma_semaphore, #tpu.memory_space<semaphore_mem>>) src(%arg9 : memref<128x32xbf16, #tpu.memory_space<vmem>>) dst(%dma_wait3A_111 : memref<128x32xbf16, #tpu.memory_space<vmem_shared>>)
      tpu.yield
    }) : () -> ()
    %mul3A_22 = arith.constant 640 : i32
    %mul3A_23 = arith.muli %arg1, %mul3A_22 : i32
    %add3A_24 = arith.constant 512 : i32
    %add3A_25 = arith.addi %mul3A_23, %add3A_24 : i32
    "tpu.region"() ({
      %run_scoped3A = tpu.sem_alloc : memref<!tpu.dma_semaphore, #tpu.memory_space<semaphore_mem>>
      %dma_start3A_104 = arith.constant 0 : i32
      %dma_start3A_105 = tpu.memref_slice %arg10[%add3A_25, %dma_start3A_104] : memref<10240x32xbf16, #tpu.memory_space<vmem_shared>> -> memref<128x32xbf16, #tpu.memory_space<vmem_shared>>
      %dma_start3A_106 = arith.constant 0 : i32
      %dma_start3A_107 = tpu.memref_slice %arg10[%add3A_25, %dma_start3A_106] : memref<10240x32xbf16, #tpu.memory_space<vmem_shared>> -> memref<128x32xbf16, #tpu.memory_space<vmem_shared>>
      tpu.enqueue_dma source(%arg9 : memref<128x32xbf16, #tpu.memory_space<vmem>>) target(%dma_start3A_107 : memref<128x32xbf16, #tpu.memory_space<vmem_shared>>) target_semaphore(%run_scoped3A : memref<!tpu.dma_semaphore, #tpu.memory_space<semaphore_mem>>)
      %dma_wait3A_108 = arith.constant 0 : i32
      %dma_wait3A_109 = tpu.memref_slice %arg10[%add3A_25, %dma_wait3A_108] : memref<10240x32xbf16, #tpu.memory_space<vmem_shared>> -> memref<128x32xbf16, #tpu.memory_space<vmem_shared>>
      %dma_wait3A_110 = arith.constant 0 : i32
      %dma_wait3A_111 = tpu.memref_slice %arg10[%add3A_25, %dma_wait3A_110] : memref<10240x32xbf16, #tpu.memory_space<vmem_shared>> -> memref<128x32xbf16, #tpu.memory_space<vmem_shared>>
      tpu.wait_dma2 semaphore(%run_scoped3A : memref<!tpu.dma_semaphore, #tpu.memory_space<semaphore_mem>>) src(%arg9 : memref<128x32xbf16, #tpu.memory_space<vmem>>) dst(%dma_wait3A_111 : memref<128x32xbf16, #tpu.memory_space<vmem_shared>>)
      tpu.yield
    }) : () -> ()
    %barrier3A = arith.constant 0 : index
    tpu.barrier barrier_id(%barrier3A)
    %dma_start3A = arith.constant 0 : i32
    %dma_start3A_26 = arith.constant 0 : i32
    %dma_start3A_27 = arith.constant 0 : i32
    %dma_start3A_28 = arith.constant 0 : i32
    %dma_start3A_29 = tpu.memref_slice %arg8[%dma_start3A_26, %dma_start3A_27, %dma_start3A_28] : memref<5x80x32xbf16, #tpu.memory_space<vmem>> -> memref<1x80x32xbf16, #tpu.memory_space<vmem>>
    %dma_start3A_30 = tpu.memref_squeeze %dma_start3A_29 : memref<1x80x32xbf16, #tpu.memory_space<vmem>> -> memref<80x32xbf16, #tpu.memory_space<vmem>>
    %dma_start3A_31 = arith.constant 0 : i32
    %dma_start3A_32 = tpu.memref_slice %arg6[%dma_start3A, %dma_start3A_31] : memref<125x80xi32, #tpu.memory_space<vmem>> -> memref<1x80xi32, #tpu.memory_space<vmem>>
    %dma_start3A_33 = tpu.memref_squeeze %dma_start3A_32 : memref<1x80xi32, #tpu.memory_space<vmem>> -> memref<80xi32, #tpu.memory_space<vmem>>
    %dma_start3A_34 = arith.constant 0 : i32
    %dma_start3A_35 = arith.constant 0 : i32
    %dma_start3A_36 = tpu.memref_slice %arg2[%dma_start3A_34, %dma_start3A_35] : memref<10000x32xbf16, #tpu.memory_space<hbm>> -> memref<10000x32xbf16, #tpu.memory_space<hbm>>
    tpu.enqueue_indirect_dma source(%dma_start3A_36 : memref<10000x32xbf16, #tpu.memory_space<hbm>>) target(%dma_start3A_30 : memref<80x32xbf16, #tpu.memory_space<vmem>>) offsets(%dma_start3A_33 : memref<80xi32, #tpu.memory_space<vmem>>) semaphore(%arg11 : memref<!tpu.dma_semaphore, #tpu.memory_space<semaphore_mem>>)
    %dma_start3A_37 = arith.constant 1 : i32
    %dma_start3A_38 = arith.constant 1 : i32
    %dma_start3A_39 = arith.constant 0 : i32
    %dma_start3A_40 = arith.constant 0 : i32
    %dma_start3A_41 = tpu.memref_slice %arg8[%dma_start3A_38, %dma_start3A_39, %dma_start3A_40] : memref<5x80x32xbf16, #tpu.memory_space<vmem>> -> memref<1x80x32xbf16, #tpu.memory_space<vmem>>
    %dma_start3A_42 = tpu.memref_squeeze %dma_start3A_41 : memref<1x80x32xbf16, #tpu.memory_space<vmem>> -> memref<80x32xbf16, #tpu.memory_space<vmem>>
    %dma_start3A_43 = arith.constant 0 : i32
    %dma_start3A_44 = tpu.memref_slice %arg6[%dma_start3A_37, %dma_start3A_43] : memref<125x80xi32, #tpu.memory_space<vmem>> -> memref<1x80xi32, #tpu.memory_space<vmem>>
    %dma_start3A_45 = tpu.memref_squeeze %dma_start3A_44 : memref<1x80xi32, #tpu.memory_space<vmem>> -> memref<80xi32, #tpu.memory_space<vmem>>
    %dma_start3A_46 = arith.constant 0 : i32
    %dma_start3A_47 = arith.constant 0 : i32
    %dma_start3A_48 = tpu.memref_slice %arg2[%dma_start3A_46, %dma_start3A_47] : memref<10000x32xbf16, #tpu.memory_space<hbm>> -> memref<10000x32xbf16, #tpu.memory_space<hbm>>
    tpu.enqueue_indirect_dma source(%dma_start3A_48 : memref<10000x32xbf16, #tpu.memory_space<hbm>>) target(%dma_start3A_42 : memref<80x32xbf16, #tpu.memory_space<vmem>>) offsets(%dma_start3A_45 : memref<80xi32, #tpu.memory_space<vmem>>) semaphore(%arg12 : memref<!tpu.dma_semaphore, #tpu.memory_space<semaphore_mem>>)
    %dma_start3A_49 = arith.constant 2 : i32
    %dma_start3A_50 = arith.constant 2 : i32
    %dma_start3A_51 = arith.constant 0 : i32
    %dma_start3A_52 = arith.constant 0 : i32
    %dma_start3A_53 = tpu.memref_slice %arg8[%dma_start3A_50, %dma_start3A_51, %dma_start3A_52] : memref<5x80x32xbf16, #tpu.memory_space<vmem>> -> memref<1x80x32xbf16, #tpu.memory_space<vmem>>
    %dma_start3A_54 = tpu.memref_squeeze %dma_start3A_53 : memref<1x80x32xbf16, #tpu.memory_space<vmem>> -> memref<80x32xbf16, #tpu.memory_space<vmem>>
    %dma_start3A_55 = arith.constant 0 : i32
    %dma_start3A_56 = tpu.memref_slice %arg6[%dma_start3A_49, %dma_start3A_55] : memref<125x80xi32, #tpu.memory_space<vmem>> -> memref<1x80xi32, #tpu.memory_space<vmem>>
    %dma_start3A_57 = tpu.memref_squeeze %dma_start3A_56 : memref<1x80xi32, #tpu.memory_space<vmem>> -> memref<80xi32, #tpu.memory_space<vmem>>
    %dma_start3A_58 = arith.constant 0 : i32
    %dma_start3A_59 = arith.constant 0 : i32
    %dma_start3A_60 = tpu.memref_slice %arg2[%dma_start3A_58, %dma_start3A_59] : memref<10000x32xbf16, #tpu.memory_space<hbm>> -> memref<10000x32xbf16, #tpu.memory_space<hbm>>
    tpu.enqueue_indirect_dma source(%dma_start3A_60 : memref<10000x32xbf16, #tpu.memory_space<hbm>>) target(%dma_start3A_54 : memref<80x32xbf16, #tpu.memory_space<vmem>>) offsets(%dma_start3A_57 : memref<80xi32, #tpu.memory_space<vmem>>) semaphore(%arg13 : memref<!tpu.dma_semaphore, #tpu.memory_space<semaphore_mem>>)
    %dma_start3A_61 = arith.constant 3 : i32
    %dma_start3A_62 = arith.constant 3 : i32
    %dma_start3A_63 = arith.constant 0 : i32
    %dma_start3A_64 = arith.constant 0 : i32
    %dma_start3A_65 = tpu.memref_slice %arg8[%dma_start3A_62, %dma_start3A_63, %dma_start3A_64] : memref<5x80x32xbf16, #tpu.memory_space<vmem>> -> memref<1x80x32xbf16, #tpu.memory_space<vmem>>
    %dma_start3A_66 = tpu.memref_squeeze %dma_start3A_65 : memref<1x80x32xbf16, #tpu.memory_space<vmem>> -> memref<80x32xbf16, #tpu.memory_space<vmem>>
    %dma_start3A_67 = arith.constant 0 : i32
    %dma_start3A_68 = tpu.memref_slice %arg6[%dma_start3A_61, %dma_start3A_67] : memref<125x80xi32, #tpu.memory_space<vmem>> -> memref<1x80xi32, #tpu.memory_space<vmem>>
    %dma_start3A_69 = tpu.memref_squeeze %dma_start3A_68 : memref<1x80xi32, #tpu.memory_space<vmem>> -> memref<80xi32, #tpu.memory_space<vmem>>
    %dma_start3A_70 = arith.constant 0 : i32
    %dma_start3A_71 = arith.constant 0 : i32
    %dma_start3A_72 = tpu.memref_slice %arg2[%dma_start3A_70, %dma_start3A_71] : memref<10000x32xbf16, #tpu.memory_space<hbm>> -> memref<10000x32xbf16, #tpu.memory_space<hbm>>
    tpu.enqueue_indirect_dma source(%dma_start3A_72 : memref<10000x32xbf16, #tpu.memory_space<hbm>>) target(%dma_start3A_66 : memref<80x32xbf16, #tpu.memory_space<vmem>>) offsets(%dma_start3A_69 : memref<80xi32, #tpu.memory_space<vmem>>) semaphore(%arg14 : memref<!tpu.dma_semaphore, #tpu.memory_space<semaphore_mem>>)
    %dma_start3A_73 = arith.constant 4 : i32
    %dma_start3A_74 = arith.constant 4 : i32
    %dma_start3A_75 = arith.constant 0 : i32
    %dma_start3A_76 = arith.constant 0 : i32
    %dma_start3A_77 = tpu.memref_slice %arg8[%dma_start3A_74, %dma_start3A_75, %dma_start3A_76] : memref<5x80x32xbf16, #tpu.memory_space<vmem>> -> memref<1x80x32xbf16, #tpu.memory_space<vmem>>
    %dma_start3A_78 = tpu.memref_squeeze %dma_start3A_77 : memref<1x80x32xbf16, #tpu.memory_space<vmem>> -> memref<80x32xbf16, #tpu.memory_space<vmem>>
    %dma_start3A_79 = arith.constant 0 : i32
    %dma_start3A_80 = tpu.memref_slice %arg6[%dma_start3A_73, %dma_start3A_79] : memref<125x80xi32, #tpu.memory_space<vmem>> -> memref<1x80xi32, #tpu.memory_space<vmem>>
    %dma_start3A_81 = tpu.memref_squeeze %dma_start3A_80 : memref<1x80xi32, #tpu.memory_space<vmem>> -> memref<80xi32, #tpu.memory_space<vmem>>
    %dma_start3A_82 = arith.constant 0 : i32
    %dma_start3A_83 = arith.constant 0 : i32
    %dma_start3A_84 = tpu.memref_slice %arg2[%dma_start3A_82, %dma_start3A_83] : memref<10000x32xbf16, #tpu.memory_space<hbm>> -> memref<10000x32xbf16, #tpu.memory_space<hbm>>
    tpu.enqueue_indirect_dma source(%dma_start3A_84 : memref<10000x32xbf16, #tpu.memory_space<hbm>>) target(%dma_start3A_78 : memref<80x32xbf16, #tpu.memory_space<vmem>>) offsets(%dma_start3A_81 : memref<80xi32, #tpu.memory_space<vmem>>) semaphore(%arg15 : memref<!tpu.dma_semaphore, #tpu.memory_space<semaphore_mem>>)
    %scan3A_85 = arith.constant 0 : i32
    %scan3A_86 = arith.constant 25 : i32
    %scan3A_87 = arith.addi %scan3A_85, %scan3A_86 : i32
    %scan3A_88 = arith.constant 1 : i32
    scf.for %scan3A_104 = %scan3A_85 to %scan3A_87 step %scan3A_88  : i32 {
      %mul3A_105 = arith.constant 5 : i32
      %mul3A_106 = arith.muli %scan3A_104, %mul3A_105 : i32
      %add3A_107 = arith.constant 0 : i32
      %add3A_108 = arith.addi %add3A_107, %mul3A_106 : i32
      %add3A_109 = arith.constant 0 : i32
      %add3A_110 = arith.addi %add3A_108, %add3A_109 : i32
      %dma_wait3A_111 = arith.constant 0 : i32
      %dma_wait3A_112 = arith.constant 0 : i32
      %dma_wait3A_113 = arith.constant 0 : i32
      %dma_wait3A_114 = arith.constant 0 : i32
      %dma_wait3A_115 = tpu.memref_slice %arg8[%dma_wait3A_112, %dma_wait3A_113, %dma_wait3A_114] : memref<5x80x32xbf16, #tpu.memory_space<vmem>> -> memref<1x80x32xbf16, #tpu.memory_space<vmem>>
      %dma_wait3A_116 = tpu.memref_squeeze %dma_wait3A_115 : memref<1x80x32xbf16, #tpu.memory_space<vmem>> -> memref<80x32xbf16, #tpu.memory_space<vmem>>
      %dma_wait3A_117 = arith.constant 0 : i32
      %dma_wait3A_118 = tpu.memref_slice %arg6[%dma_wait3A_111, %dma_wait3A_117] : memref<125x80xi32, #tpu.memory_space<vmem>> -> memref<1x80xi32, #tpu.memory_space<vmem>>
      %dma_wait3A_119 = tpu.memref_squeeze %dma_wait3A_118 : memref<1x80xi32, #tpu.memory_space<vmem>> -> memref<80xi32, #tpu.memory_space<vmem>>
      %dma_wait3A_120 = arith.constant 0 : i32
      %dma_wait3A_121 = arith.constant 0 : i32
      %dma_wait3A_122 = tpu.memref_slice %arg2[%dma_wait3A_120, %dma_wait3A_121] : memref<10000x32xbf16, #tpu.memory_space<hbm>> -> memref<10000x32xbf16, #tpu.memory_space<hbm>>
      tpu.wait_indirect_dma semaphore(%arg11 : memref<!tpu.dma_semaphore, #tpu.memory_space<semaphore_mem>>) src(%dma_wait3A_122 : memref<10000x32xbf16, #tpu.memory_space<hbm>>) dst(%dma_wait3A_116 : memref<80x32xbf16, #tpu.memory_space<vmem>>)
      %dma_start3A_123 = arith.constant 0 : i32
      %dma_start3A_124 = arith.constant 0 : i32
      %dma_start3A_125 = arith.constant 0 : i32
      %dma_start3A_126 = tpu.memref_slice %arg8[%dma_start3A_123, %dma_start3A_124, %dma_start3A_125] : memref<5x80x32xbf16, #tpu.memory_space<vmem>> -> memref<1x80x32xbf16, #tpu.memory_space<vmem>>
      %dma_start3A_127 = tpu.memref_squeeze %dma_start3A_126 : memref<1x80x32xbf16, #tpu.memory_space<vmem>> -> memref<80x32xbf16, #tpu.memory_space<vmem>>
      %dma_start3A_128 = arith.constant 0 : i32
      %dma_start3A_129 = tpu.memref_slice %arg7[%add3A_110, %dma_start3A_128] : memref<125x80xi32, #tpu.memory_space<vmem>> -> memref<1x80xi32, #tpu.memory_space<vmem>>
      %dma_start3A_130 = tpu.memref_squeeze %dma_start3A_129 : memref<1x80xi32, #tpu.memory_space<vmem>> -> memref<80xi32, #tpu.memory_space<vmem>>
      %dma_start3A_131 = arith.constant 0 : i32
      %dma_start3A_132 = arith.constant 0 : i32
      %dma_start3A_133 = tpu.memref_slice %arg10[%dma_start3A_131, %dma_start3A_132] : memref<10240x32xbf16, #tpu.memory_space<vmem_shared>> -> memref<10240x32xbf16, #tpu.memory_space<vmem_shared>>
      tpu.enqueue_indirect_dma source(%dma_start3A_127 : memref<80x32xbf16, #tpu.memory_space<vmem>>) target(%dma_start3A_133 : memref<10240x32xbf16, #tpu.memory_space<vmem_shared>>) offsets(%dma_start3A_130 : memref<80xi32, #tpu.memory_space<vmem>>) semaphore(%arg16 : memref<!tpu.dma_semaphore, #tpu.memory_space<semaphore_mem>>) {add = true}
      %ge3A = arith.constant 1 : i32
      %ge3A_134 = arith.cmpi sge, %add3A_110, %ge3A : i32
      %convert_element_type3A = arith.extui %ge3A_134 : i1 to i32
      %cond3A = arith.constant 0 : i32
      %cond3A_135 = arith.cmpi ne, %convert_element_type3A, %cond3A : i32
      scf.if %cond3A_135 {
        %dma_wait3A_313 = arith.constant 4 : i32
        %dma_wait3A_314 = arith.constant 0 : i32
        %dma_wait3A_315 = arith.constant 0 : i32
        %dma_wait3A_316 = arith.constant 0 : i32
        %dma_wait3A_317 = tpu.memref_slice %arg8[%dma_wait3A_313, %dma_wait3A_315, %dma_wait3A_316] : memref<5x80x32xbf16, #tpu.memory_space<vmem>> -> memref<1x80x32xbf16, #tpu.memory_space<vmem>>
        %dma_wait3A_318 = tpu.memref_squeeze %dma_wait3A_317 : memref<1x80x32xbf16, #tpu.memory_space<vmem>> -> memref<80x32xbf16, #tpu.memory_space<vmem>>
        %dma_wait3A_319 = arith.constant 0 : i32
        %dma_wait3A_320 = tpu.memref_slice %arg7[%dma_wait3A_314, %dma_wait3A_319] : memref<125x80xi32, #tpu.memory_space<vmem>> -> memref<1x80xi32, #tpu.memory_space<vmem>>
        %dma_wait3A_321 = tpu.memref_squeeze %dma_wait3A_320 : memref<1x80xi32, #tpu.memory_space<vmem>> -> memref<80xi32, #tpu.memory_space<vmem>>
        %dma_wait3A_322 = arith.constant 0 : i32
        %dma_wait3A_323 = arith.constant 0 : i32
        %dma_wait3A_324 = tpu.memref_slice %arg10[%dma_wait3A_322, %dma_wait3A_323] : memref<10240x32xbf16, #tpu.memory_space<vmem_shared>> -> memref<10240x32xbf16, #tpu.memory_space<vmem_shared>>
        tpu.wait_indirect_dma semaphore(%arg20 : memref<!tpu.dma_semaphore, #tpu.memory_space<semaphore_mem>>) src(%dma_wait3A_318 : memref<80x32xbf16, #tpu.memory_space<vmem>>) dst(%dma_wait3A_324 : memref<10240x32xbf16, #tpu.memory_space<vmem_shared>>)
      } else {
      }
      %ge3A_136 = arith.constant 1 : i32
      %ge3A_137 = arith.cmpi sge, %add3A_110, %ge3A_136 : i32
      %sub3A = arith.constant 1 : i32
      %sub3A_138 = arith.subi %add3A_110, %sub3A : i32
      %add3A_139 = arith.constant 5 : i32
      %add3A_140 = arith.addi %sub3A_138, %add3A_139 : i32
      %lt3A = arith.constant 125 : i32
      %lt3A_141 = arith.cmpi slt, %add3A_140, %lt3A : i32
      %and3A = arith.andi %ge3A_137, %lt3A_141 : i1
      %convert_element_type3A_142 = arith.extui %and3A : i1 to i32
      %cond3A_143 = arith.constant 0 : i32
      %cond3A_144 = arith.cmpi ne, %convert_element_type3A_142, %cond3A_143 : i32
      scf.if %cond3A_144 {
        %sub3A_313 = arith.constant 1 : i32
        %sub3A_314 = arith.subi %add3A_110, %sub3A_313 : i32
        %add3A_315 = arith.constant 5 : i32
        %add3A_316 = arith.addi %sub3A_314, %add3A_315 : i32
        %dma_start3A_317 = arith.constant 4 : i32
        %dma_start3A_318 = arith.constant 0 : i32
        %dma_start3A_319 = arith.constant 0 : i32
        %dma_start3A_320 = tpu.memref_slice %arg8[%dma_start3A_317, %dma_start3A_318, %dma_start3A_319] : memref<5x80x32xbf16, #tpu.memory_space<vmem>> -> memref<1x80x32xbf16, #tpu.memory_space<vmem>>
        %dma_start3A_321 = tpu.memref_squeeze %dma_start3A_320 : memref<1x80x32xbf16, #tpu.memory_space<vmem>> -> memref<80x32xbf16, #tpu.memory_space<vmem>>
        %dma_start3A_322 = arith.constant 0 : i32
        %dma_start3A_323 = tpu.memref_slice %arg6[%add3A_316, %dma_start3A_322] : memref<125x80xi32, #tpu.memory_space<vmem>> -> memref<1x80xi32, #tpu.memory_space<vmem>>
        %dma_start3A_324 = tpu.memref_squeeze %dma_start3A_323 : memref<1x80xi32, #tpu.memory_space<vmem>> -> memref<80xi32, #tpu.memory_space<vmem>>
        %dma_start3A_325 = arith.constant 0 : i32
        %dma_start3A_326 = arith.constant 0 : i32
        %dma_start3A_327 = tpu.memref_slice %arg2[%dma_start3A_325, %dma_start3A_326] : memref<10000x32xbf16, #tpu.memory_space<hbm>> -> memref<10000x32xbf16, #tpu.memory_space<hbm>>
        tpu.enqueue_indirect_dma source(%dma_start3A_327 : memref<10000x32xbf16, #tpu.memory_space<hbm>>) target(%dma_start3A_321 : memref<80x32xbf16, #tpu.memory_space<vmem>>) offsets(%dma_start3A_324 : memref<80xi32, #tpu.memory_space<vmem>>) semaphore(%arg15 : memref<!tpu.dma_semaphore, #tpu.memory_space<semaphore_mem>>)
      } else {
      }
      %add3A_145 = arith.constant 1 : i32
      %add3A_146 = arith.addi %add3A_108, %add3A_145 : i32
      %dma_wait3A_147 = arith.constant 0 : i32
      %dma_wait3A_148 = arith.constant 1 : i32
      %dma_wait3A_149 = arith.constant 0 : i32
      %dma_wait3A_150 = arith.constant 0 : i32
      %dma_wait3A_151 = tpu.memref_slice %arg8[%dma_wait3A_148, %dma_wait3A_149, %dma_wait3A_150] : memref<5x80x32xbf16, #tpu.memory_space<vmem>> -> memref<1x80x32xbf16, #tpu.memory_space<vmem>>
      %dma_wait3A_152 = tpu.memref_squeeze %dma_wait3A_151 : memref<1x80x32xbf16, #tpu.memory_space<vmem>> -> memref<80x32xbf16, #tpu.memory_space<vmem>>
      %dma_wait3A_153 = arith.constant 0 : i32
      %dma_wait3A_154 = tpu.memref_slice %arg6[%dma_wait3A_147, %dma_wait3A_153] : memref<125x80xi32, #tpu.memory_space<vmem>> -> memref<1x80xi32, #tpu.memory_space<vmem>>
      %dma_wait3A_155 = tpu.memref_squeeze %dma_wait3A_154 : memref<1x80xi32, #tpu.memory_space<vmem>> -> memref<80xi32, #tpu.memory_space<vmem>>
      %dma_wait3A_156 = arith.constant 0 : i32
      %dma_wait3A_157 = arith.constant 0 : i32
      %dma_wait3A_158 = tpu.memref_slice %arg2[%dma_wait3A_156, %dma_wait3A_157] : memref<10000x32xbf16, #tpu.memory_space<hbm>> -> memref<10000x32xbf16, #tpu.memory_space<hbm>>
      tpu.wait_indirect_dma semaphore(%arg12 : memref<!tpu.dma_semaphore, #tpu.memory_space<semaphore_mem>>) src(%dma_wait3A_158 : memref<10000x32xbf16, #tpu.memory_space<hbm>>) dst(%dma_wait3A_152 : memref<80x32xbf16, #tpu.memory_space<vmem>>)
      %dma_start3A_159 = arith.constant 1 : i32
      %dma_start3A_160 = arith.constant 0 : i32
      %dma_start3A_161 = arith.constant 0 : i32
      %dma_start3A_162 = tpu.memref_slice %arg8[%dma_start3A_159, %dma_start3A_160, %dma_start3A_161] : memref<5x80x32xbf16, #tpu.memory_space<vmem>> -> memref<1x80x32xbf16, #tpu.memory_space<vmem>>
      %dma_start3A_163 = tpu.memref_squeeze %dma_start3A_162 : memref<1x80x32xbf16, #tpu.memory_space<vmem>> -> memref<80x32xbf16, #tpu.memory_space<vmem>>
      %dma_start3A_164 = arith.constant 0 : i32
      %dma_start3A_165 = tpu.memref_slice %arg7[%add3A_146, %dma_start3A_164] : memref<125x80xi32, #tpu.memory_space<vmem>> -> memref<1x80xi32, #tpu.memory_space<vmem>>
      %dma_start3A_166 = tpu.memref_squeeze %dma_start3A_165 : memref<1x80xi32, #tpu.memory_space<vmem>> -> memref<80xi32, #tpu.memory_space<vmem>>
      %dma_start3A_167 = arith.constant 0 : i32
      %dma_start3A_168 = arith.constant 0 : i32
      %dma_start3A_169 = tpu.memref_slice %arg10[%dma_start3A_167, %dma_start3A_168] : memref<10240x32xbf16, #tpu.memory_space<vmem_shared>> -> memref<10240x32xbf16, #tpu.memory_space<vmem_shared>>
      tpu.enqueue_indirect_dma source(%dma_start3A_163 : memref<80x32xbf16, #tpu.memory_space<vmem>>) target(%dma_start3A_169 : memref<10240x32xbf16, #tpu.memory_space<vmem_shared>>) offsets(%dma_start3A_166 : memref<80xi32, #tpu.memory_space<vmem>>) semaphore(%arg17 : memref<!tpu.dma_semaphore, #tpu.memory_space<semaphore_mem>>) {add = true}
      %ge3A_170 = arith.constant 1 : i32
      %ge3A_171 = arith.cmpi sge, %add3A_146, %ge3A_170 : i32
      %convert_element_type3A_172 = arith.extui %ge3A_171 : i1 to i32
      %cond3A_173 = arith.constant 0 : i32
      %cond3A_174 = arith.cmpi ne, %convert_element_type3A_172, %cond3A_173 : i32
      scf.if %cond3A_174 {
        %dma_wait3A_313 = arith.constant 0 : i32
        %dma_wait3A_314 = arith.constant 0 : i32
        %dma_wait3A_315 = arith.constant 0 : i32
        %dma_wait3A_316 = arith.constant 0 : i32
        %dma_wait3A_317 = tpu.memref_slice %arg8[%dma_wait3A_313, %dma_wait3A_315, %dma_wait3A_316] : memref<5x80x32xbf16, #tpu.memory_space<vmem>> -> memref<1x80x32xbf16, #tpu.memory_space<vmem>>
        %dma_wait3A_318 = tpu.memref_squeeze %dma_wait3A_317 : memref<1x80x32xbf16, #tpu.memory_space<vmem>> -> memref<80x32xbf16, #tpu.memory_space<vmem>>
        %dma_wait3A_319 = arith.constant 0 : i32
        %dma_wait3A_320 = tpu.memref_slice %arg7[%dma_wait3A_314, %dma_wait3A_319] : memref<125x80xi32, #tpu.memory_space<vmem>> -> memref<1x80xi32, #tpu.memory_space<vmem>>
        %dma_wait3A_321 = tpu.memref_squeeze %dma_wait3A_320 : memref<1x80xi32, #tpu.memory_space<vmem>> -> memref<80xi32, #tpu.memory_space<vmem>>
        %dma_wait3A_322 = arith.constant 0 : i32
        %dma_wait3A_323 = arith.constant 0 : i32
        %dma_wait3A_324 = tpu.memref_slice %arg10[%dma_wait3A_322, %dma_wait3A_323] : memref<10240x32xbf16, #tpu.memory_space<vmem_shared>> -> memref<10240x32xbf16, #tpu.memory_space<vmem_shared>>
        tpu.wait_indirect_dma semaphore(%arg16 : memref<!tpu.dma_semaphore, #tpu.memory_space<semaphore_mem>>) src(%dma_wait3A_318 : memref<80x32xbf16, #tpu.memory_space<vmem>>) dst(%dma_wait3A_324 : memref<10240x32xbf16, #tpu.memory_space<vmem_shared>>)
      } else {
      }
      %ge3A_175 = arith.constant 1 : i32
      %ge3A_176 = arith.cmpi sge, %add3A_146, %ge3A_175 : i32
      %sub3A_177 = arith.constant 1 : i32
      %sub3A_178 = arith.subi %add3A_146, %sub3A_177 : i32
      %add3A_179 = arith.constant 5 : i32
      %add3A_180 = arith.addi %sub3A_178, %add3A_179 : i32
      %lt3A_181 = arith.constant 125 : i32
      %lt3A_182 = arith.cmpi slt, %add3A_180, %lt3A_181 : i32
      %and3A_183 = arith.andi %ge3A_176, %lt3A_182 : i1
      %convert_element_type3A_184 = arith.extui %and3A_183 : i1 to i32
      %cond3A_185 = arith.constant 0 : i32
      %cond3A_186 = arith.cmpi ne, %convert_element_type3A_184, %cond3A_185 : i32
      scf.if %cond3A_186 {
        %sub3A_313 = arith.constant 1 : i32
        %sub3A_314 = arith.subi %add3A_146, %sub3A_313 : i32
        %add3A_315 = arith.constant 5 : i32
        %add3A_316 = arith.addi %sub3A_314, %add3A_315 : i32
        %dma_start3A_317 = arith.constant 0 : i32
        %dma_start3A_318 = arith.constant 0 : i32
        %dma_start3A_319 = arith.constant 0 : i32
        %dma_start3A_320 = tpu.memref_slice %arg8[%dma_start3A_317, %dma_start3A_318, %dma_start3A_319] : memref<5x80x32xbf16, #tpu.memory_space<vmem>> -> memref<1x80x32xbf16, #tpu.memory_space<vmem>>
        %dma_start3A_321 = tpu.memref_squeeze %dma_start3A_320 : memref<1x80x32xbf16, #tpu.memory_space<vmem>> -> memref<80x32xbf16, #tpu.memory_space<vmem>>
        %dma_start3A_322 = arith.constant 0 : i32
        %dma_start3A_323 = tpu.memref_slice %arg6[%add3A_316, %dma_start3A_322] : memref<125x80xi32, #tpu.memory_space<vmem>> -> memref<1x80xi32, #tpu.memory_space<vmem>>
        %dma_start3A_324 = tpu.memref_squeeze %dma_start3A_323 : memref<1x80xi32, #tpu.memory_space<vmem>> -> memref<80xi32, #tpu.memory_space<vmem>>
        %dma_start3A_325 = arith.constant 0 : i32
        %dma_start3A_326 = arith.constant 0 : i32
        %dma_start3A_327 = tpu.memref_slice %arg2[%dma_start3A_325, %dma_start3A_326] : memref<10000x32xbf16, #tpu.memory_space<hbm>> -> memref<10000x32xbf16, #tpu.memory_space<hbm>>
        tpu.enqueue_indirect_dma source(%dma_start3A_327 : memref<10000x32xbf16, #tpu.memory_space<hbm>>) target(%dma_start3A_321 : memref<80x32xbf16, #tpu.memory_space<vmem>>) offsets(%dma_start3A_324 : memref<80xi32, #tpu.memory_space<vmem>>) semaphore(%arg11 : memref<!tpu.dma_semaphore, #tpu.memory_space<semaphore_mem>>)
      } else {
      }
      %add3A_187 = arith.constant 2 : i32
      %add3A_188 = arith.addi %add3A_108, %add3A_187 : i32
      %dma_wait3A_189 = arith.constant 0 : i32
      %dma_wait3A_190 = arith.constant 2 : i32
      %dma_wait3A_191 = arith.constant 0 : i32
      %dma_wait3A_192 = arith.constant 0 : i32
      %dma_wait3A_193 = tpu.memref_slice %arg8[%dma_wait3A_190, %dma_wait3A_191, %dma_wait3A_192] : memref<5x80x32xbf16, #tpu.memory_space<vmem>> -> memref<1x80x32xbf16, #tpu.memory_space<vmem>>
      %dma_wait3A_194 = tpu.memref_squeeze %dma_wait3A_193 : memref<1x80x32xbf16, #tpu.memory_space<vmem>> -> memref<80x32xbf16, #tpu.memory_space<vmem>>
      %dma_wait3A_195 = arith.constant 0 : i32
      %dma_wait3A_196 = tpu.memref_slice %arg6[%dma_wait3A_189, %dma_wait3A_195] : memref<125x80xi32, #tpu.memory_space<vmem>> -> memref<1x80xi32, #tpu.memory_space<vmem>>
      %dma_wait3A_197 = tpu.memref_squeeze %dma_wait3A_196 : memref<1x80xi32, #tpu.memory_space<vmem>> -> memref<80xi32, #tpu.memory_space<vmem>>
      %dma_wait3A_198 = arith.constant 0 : i32
      %dma_wait3A_199 = arith.constant 0 : i32
      %dma_wait3A_200 = tpu.memref_slice %arg2[%dma_wait3A_198, %dma_wait3A_199] : memref<10000x32xbf16, #tpu.memory_space<hbm>> -> memref<10000x32xbf16, #tpu.memory_space<hbm>>
      tpu.wait_indirect_dma semaphore(%arg13 : memref<!tpu.dma_semaphore, #tpu.memory_space<semaphore_mem>>) src(%dma_wait3A_200 : memref<10000x32xbf16, #tpu.memory_space<hbm>>) dst(%dma_wait3A_194 : memref<80x32xbf16, #tpu.memory_space<vmem>>)
      %dma_start3A_201 = arith.constant 2 : i32
      %dma_start3A_202 = arith.constant 0 : i32
      %dma_start3A_203 = arith.constant 0 : i32
      %dma_start3A_204 = tpu.memref_slice %arg8[%dma_start3A_201, %dma_start3A_202, %dma_start3A_203] : memref<5x80x32xbf16, #tpu.memory_space<vmem>> -> memref<1x80x32xbf16, #tpu.memory_space<vmem>>
      %dma_start3A_205 = tpu.memref_squeeze %dma_start3A_204 : memref<1x80x32xbf16, #tpu.memory_space<vmem>> -> memref<80x32xbf16, #tpu.memory_space<vmem>>
      %dma_start3A_206 = arith.constant 0 : i32
      %dma_start3A_207 = tpu.memref_slice %arg7[%add3A_188, %dma_start3A_206] : memref<125x80xi32, #tpu.memory_space<vmem>> -> memref<1x80xi32, #tpu.memory_space<vmem>>
      %dma_start3A_208 = tpu.memref_squeeze %dma_start3A_207 : memref<1x80xi32, #tpu.memory_space<vmem>> -> memref<80xi32, #tpu.memory_space<vmem>>
      %dma_start3A_209 = arith.constant 0 : i32
      %dma_start3A_210 = arith.constant 0 : i32
      %dma_start3A_211 = tpu.memref_slice %arg10[%dma_start3A_209, %dma_start3A_210] : memref<10240x32xbf16, #tpu.memory_space<vmem_shared>> -> memref<10240x32xbf16, #tpu.memory_space<vmem_shared>>
      tpu.enqueue_indirect_dma source(%dma_start3A_205 : memref<80x32xbf16, #tpu.memory_space<vmem>>) target(%dma_start3A_211 : memref<10240x32xbf16, #tpu.memory_space<vmem_shared>>) offsets(%dma_start3A_208 : memref<80xi32, #tpu.memory_space<vmem>>) semaphore(%arg18 : memref<!tpu.dma_semaphore, #tpu.memory_space<semaphore_mem>>) {add = true}
      %ge3A_212 = arith.constant 1 : i32
      %ge3A_213 = arith.cmpi sge, %add3A_188, %ge3A_212 : i32
      %convert_element_type3A_214 = arith.extui %ge3A_213 : i1 to i32
      %cond3A_215 = arith.constant 0 : i32
      %cond3A_216 = arith.cmpi ne, %convert_element_type3A_214, %cond3A_215 : i32
      scf.if %cond3A_216 {
        %dma_wait3A_313 = arith.constant 1 : i32
        %dma_wait3A_314 = arith.constant 0 : i32
        %dma_wait3A_315 = arith.constant 0 : i32
        %dma_wait3A_316 = arith.constant 0 : i32
        %dma_wait3A_317 = tpu.memref_slice %arg8[%dma_wait3A_313, %dma_wait3A_315, %dma_wait3A_316] : memref<5x80x32xbf16, #tpu.memory_space<vmem>> -> memref<1x80x32xbf16, #tpu.memory_space<vmem>>
        %dma_wait3A_318 = tpu.memref_squeeze %dma_wait3A_317 : memref<1x80x32xbf16, #tpu.memory_space<vmem>> -> memref<80x32xbf16, #tpu.memory_space<vmem>>
        %dma_wait3A_319 = arith.constant 0 : i32
        %dma_wait3A_320 = tpu.memref_slice %arg7[%dma_wait3A_314, %dma_wait3A_319] : memref<125x80xi32, #tpu.memory_space<vmem>> -> memref<1x80xi32, #tpu.memory_space<vmem>>
        %dma_wait3A_321 = tpu.memref_squeeze %dma_wait3A_320 : memref<1x80xi32, #tpu.memory_space<vmem>> -> memref<80xi32, #tpu.memory_space<vmem>>
        %dma_wait3A_322 = arith.constant 0 : i32
        %dma_wait3A_323 = arith.constant 0 : i32
        %dma_wait3A_324 = tpu.memref_slice %arg10[%dma_wait3A_322, %dma_wait3A_323] : memref<10240x32xbf16, #tpu.memory_space<vmem_shared>> -> memref<10240x32xbf16, #tpu.memory_space<vmem_shared>>
        tpu.wait_indirect_dma semaphore(%arg17 : memref<!tpu.dma_semaphore, #tpu.memory_space<semaphore_mem>>) src(%dma_wait3A_318 : memref<80x32xbf16, #tpu.memory_space<vmem>>) dst(%dma_wait3A_324 : memref<10240x32xbf16, #tpu.memory_space<vmem_shared>>)
      } else {
      }
      %ge3A_217 = arith.constant 1 : i32
      %ge3A_218 = arith.cmpi sge, %add3A_188, %ge3A_217 : i32
      %sub3A_219 = arith.constant 1 : i32
      %sub3A_220 = arith.subi %add3A_188, %sub3A_219 : i32
      %add3A_221 = arith.constant 5 : i32
      %add3A_222 = arith.addi %sub3A_220, %add3A_221 : i32
      %lt3A_223 = arith.constant 125 : i32
      %lt3A_224 = arith.cmpi slt, %add3A_222, %lt3A_223 : i32
      %and3A_225 = arith.andi %ge3A_218, %lt3A_224 : i1
      %convert_element_type3A_226 = arith.extui %and3A_225 : i1 to i32
      %cond3A_227 = arith.constant 0 : i32
      %cond3A_228 = arith.cmpi ne, %convert_element_type3A_226, %cond3A_227 : i32
      scf.if %cond3A_228 {
        %sub3A_313 = arith.constant 1 : i32
        %sub3A_314 = arith.subi %add3A_188, %sub3A_313 : i32
        %add3A_315 = arith.constant 5 : i32
        %add3A_316 = arith.addi %sub3A_314, %add3A_315 : i32
        %dma_start3A_317 = arith.constant 1 : i32
        %dma_start3A_318 = arith.constant 0 : i32
        %dma_start3A_319 = arith.constant 0 : i32
        %dma_start3A_320 = tpu.memref_slice %arg8[%dma_start3A_317, %dma_start3A_318, %dma_start3A_319] : memref<5x80x32xbf16, #tpu.memory_space<vmem>> -> memref<1x80x32xbf16, #tpu.memory_space<vmem>>
        %dma_start3A_321 = tpu.memref_squeeze %dma_start3A_320 : memref<1x80x32xbf16, #tpu.memory_space<vmem>> -> memref<80x32xbf16, #tpu.memory_space<vmem>>
        %dma_start3A_322 = arith.constant 0 : i32
        %dma_start3A_323 = tpu.memref_slice %arg6[%add3A_316, %dma_start3A_322] : memref<125x80xi32, #tpu.memory_space<vmem>> -> memref<1x80xi32, #tpu.memory_space<vmem>>
        %dma_start3A_324 = tpu.memref_squeeze %dma_start3A_323 : memref<1x80xi32, #tpu.memory_space<vmem>> -> memref<80xi32, #tpu.memory_space<vmem>>
        %dma_start3A_325 = arith.constant 0 : i32
        %dma_start3A_326 = arith.constant 0 : i32
        %dma_start3A_327 = tpu.memref_slice %arg2[%dma_start3A_325, %dma_start3A_326] : memref<10000x32xbf16, #tpu.memory_space<hbm>> -> memref<10000x32xbf16, #tpu.memory_space<hbm>>
        tpu.enqueue_indirect_dma source(%dma_start3A_327 : memref<10000x32xbf16, #tpu.memory_space<hbm>>) target(%dma_start3A_321 : memref<80x32xbf16, #tpu.memory_space<vmem>>) offsets(%dma_start3A_324 : memref<80xi32, #tpu.memory_space<vmem>>) semaphore(%arg12 : memref<!tpu.dma_semaphore, #tpu.memory_space<semaphore_mem>>)
      } else {
      }
      %add3A_229 = arith.constant 3 : i32
      %add3A_230 = arith.addi %add3A_108, %add3A_229 : i32
      %dma_wait3A_231 = arith.constant 0 : i32
      %dma_wait3A_232 = arith.constant 3 : i32
      %dma_wait3A_233 = arith.constant 0 : i32
      %dma_wait3A_234 = arith.constant 0 : i32
      %dma_wait3A_235 = tpu.memref_slice %arg8[%dma_wait3A_232, %dma_wait3A_233, %dma_wait3A_234] : memref<5x80x32xbf16, #tpu.memory_space<vmem>> -> memref<1x80x32xbf16, #tpu.memory_space<vmem>>
      %dma_wait3A_236 = tpu.memref_squeeze %dma_wait3A_235 : memref<1x80x32xbf16, #tpu.memory_space<vmem>> -> memref<80x32xbf16, #tpu.memory_space<vmem>>
      %dma_wait3A_237 = arith.constant 0 : i32
      %dma_wait3A_238 = tpu.memref_slice %arg6[%dma_wait3A_231, %dma_wait3A_237] : memref<125x80xi32, #tpu.memory_space<vmem>> -> memref<1x80xi32, #tpu.memory_space<vmem>>
      %dma_wait3A_239 = tpu.memref_squeeze %dma_wait3A_238 : memref<1x80xi32, #tpu.memory_space<vmem>> -> memref<80xi32, #tpu.memory_space<vmem>>
      %dma_wait3A_240 = arith.constant 0 : i32
      %dma_wait3A_241 = arith.constant 0 : i32
      %dma_wait3A_242 = tpu.memref_slice %arg2[%dma_wait3A_240, %dma_wait3A_241] : memref<10000x32xbf16, #tpu.memory_space<hbm>> -> memref<10000x32xbf16, #tpu.memory_space<hbm>>
      tpu.wait_indirect_dma semaphore(%arg14 : memref<!tpu.dma_semaphore, #tpu.memory_space<semaphore_mem>>) src(%dma_wait3A_242 : memref<10000x32xbf16, #tpu.memory_space<hbm>>) dst(%dma_wait3A_236 : memref<80x32xbf16, #tpu.memory_space<vmem>>)
      %dma_start3A_243 = arith.constant 3 : i32
      %dma_start3A_244 = arith.constant 0 : i32
      %dma_start3A_245 = arith.constant 0 : i32
      %dma_start3A_246 = tpu.memref_slice %arg8[%dma_start3A_243, %dma_start3A_244, %dma_start3A_245] : memref<5x80x32xbf16, #tpu.memory_space<vmem>> -> memref<1x80x32xbf16, #tpu.memory_space<vmem>>
      %dma_start3A_247 = tpu.memref_squeeze %dma_start3A_246 : memref<1x80x32xbf16, #tpu.memory_space<vmem>> -> memref<80x32xbf16, #tpu.memory_space<vmem>>
      %dma_start3A_248 = arith.constant 0 : i32
      %dma_start3A_249 = tpu.memref_slice %arg7[%add3A_230, %dma_start3A_248] : memref<125x80xi32, #tpu.memory_space<vmem>> -> memref<1x80xi32, #tpu.memory_space<vmem>>
      %dma_start3A_250 = tpu.memref_squeeze %dma_start3A_249 : memref<1x80xi32, #tpu.memory_space<vmem>> -> memref<80xi32, #tpu.memory_space<vmem>>
      %dma_start3A_251 = arith.constant 0 : i32
      %dma_start3A_252 = arith.constant 0 : i32
      %dma_start3A_253 = tpu.memref_slice %arg10[%dma_start3A_251, %dma_start3A_252] : memref<10240x32xbf16, #tpu.memory_space<vmem_shared>> -> memref<10240x32xbf16, #tpu.memory_space<vmem_shared>>
      tpu.enqueue_indirect_dma source(%dma_start3A_247 : memref<80x32xbf16, #tpu.memory_space<vmem>>) target(%dma_start3A_253 : memref<10240x32xbf16, #tpu.memory_space<vmem_shared>>) offsets(%dma_start3A_250 : memref<80xi32, #tpu.memory_space<vmem>>) semaphore(%arg19 : memref<!tpu.dma_semaphore, #tpu.memory_space<semaphore_mem>>) {add = true}
      %ge3A_254 = arith.constant 1 : i32
      %ge3A_255 = arith.cmpi sge, %add3A_230, %ge3A_254 : i32
      %convert_element_type3A_256 = arith.extui %ge3A_255 : i1 to i32
      %cond3A_257 = arith.constant 0 : i32
      %cond3A_258 = arith.cmpi ne, %convert_element_type3A_256, %cond3A_257 : i32
      scf.if %cond3A_258 {
        %dma_wait3A_313 = arith.constant 2 : i32
        %dma_wait3A_314 = arith.constant 0 : i32
        %dma_wait3A_315 = arith.constant 0 : i32
        %dma_wait3A_316 = arith.constant 0 : i32
        %dma_wait3A_317 = tpu.memref_slice %arg8[%dma_wait3A_313, %dma_wait3A_315, %dma_wait3A_316] : memref<5x80x32xbf16, #tpu.memory_space<vmem>> -> memref<1x80x32xbf16, #tpu.memory_space<vmem>>
        %dma_wait3A_318 = tpu.memref_squeeze %dma_wait3A_317 : memref<1x80x32xbf16, #tpu.memory_space<vmem>> -> memref<80x32xbf16, #tpu.memory_space<vmem>>
        %dma_wait3A_319 = arith.constant 0 : i32
        %dma_wait3A_320 = tpu.memref_slice %arg7[%dma_wait3A_314, %dma_wait3A_319] : memref<125x80xi32, #tpu.memory_space<vmem>> -> memref<1x80xi32, #tpu.memory_space<vmem>>
        %dma_wait3A_321 = tpu.memref_squeeze %dma_wait3A_320 : memref<1x80xi32, #tpu.memory_space<vmem>> -> memref<80xi32, #tpu.memory_space<vmem>>
        %dma_wait3A_322 = arith.constant 0 : i32
        %dma_wait3A_323 = arith.constant 0 : i32
        %dma_wait3A_324 = tpu.memref_slice %arg10[%dma_wait3A_322, %dma_wait3A_323] : memref<10240x32xbf16, #tpu.memory_space<vmem_shared>> -> memref<10240x32xbf16, #tpu.memory_space<vmem_shared>>
        tpu.wait_indirect_dma semaphore(%arg18 : memref<!tpu.dma_semaphore, #tpu.memory_space<semaphore_mem>>) src(%dma_wait3A_318 : memref<80x32xbf16, #tpu.memory_space<vmem>>) dst(%dma_wait3A_324 : memref<10240x32xbf16, #tpu.memory_space<vmem_shared>>)
      } else {
      }
      %ge3A_259 = arith.constant 1 : i32
      %ge3A_260 = arith.cmpi sge, %add3A_230, %ge3A_259 : i32
      %sub3A_261 = arith.constant 1 : i32
      %sub3A_262 = arith.subi %add3A_230, %sub3A_261 : i32
      %add3A_263 = arith.constant 5 : i32
      %add3A_264 = arith.addi %sub3A_262, %add3A_263 : i32
      %lt3A_265 = arith.constant 125 : i32
      %lt3A_266 = arith.cmpi slt, %add3A_264, %lt3A_265 : i32
      %and3A_267 = arith.andi %ge3A_260, %lt3A_266 : i1
      %convert_element_type3A_268 = arith.extui %and3A_267 : i1 to i32
      %cond3A_269 = arith.constant 0 : i32
      %cond3A_270 = arith.cmpi ne, %convert_element_type3A_268, %cond3A_269 : i32
      scf.if %cond3A_270 {
        %sub3A_313 = arith.constant 1 : i32
        %sub3A_314 = arith.subi %add3A_230, %sub3A_313 : i32
        %add3A_315 = arith.constant 5 : i32
        %add3A_316 = arith.addi %sub3A_314, %add3A_315 : i32
        %dma_start3A_317 = arith.constant 2 : i32
        %dma_start3A_318 = arith.constant 0 : i32
        %dma_start3A_319 = arith.constant 0 : i32
        %dma_start3A_320 = tpu.memref_slice %arg8[%dma_start3A_317, %dma_start3A_318, %dma_start3A_319] : memref<5x80x32xbf16, #tpu.memory_space<vmem>> -> memref<1x80x32xbf16, #tpu.memory_space<vmem>>
        %dma_start3A_321 = tpu.memref_squeeze %dma_start3A_320 : memref<1x80x32xbf16, #tpu.memory_space<vmem>> -> memref<80x32xbf16, #tpu.memory_space<vmem>>
        %dma_start3A_322 = arith.constant 0 : i32
        %dma_start3A_323 = tpu.memref_slice %arg6[%add3A_316, %dma_start3A_322] : memref<125x80xi32, #tpu.memory_space<vmem>> -> memref<1x80xi32, #tpu.memory_space<vmem>>
        %dma_start3A_324 = tpu.memref_squeeze %dma_start3A_323 : memref<1x80xi32, #tpu.memory_space<vmem>> -> memref<80xi32, #tpu.memory_space<vmem>>
        %dma_start3A_325 = arith.constant 0 : i32
        %dma_start3A_326 = arith.constant 0 : i32
        %dma_start3A_327 = tpu.memref_slice %arg2[%dma_start3A_325, %dma_start3A_326] : memref<10000x32xbf16, #tpu.memory_space<hbm>> -> memref<10000x32xbf16, #tpu.memory_space<hbm>>
        tpu.enqueue_indirect_dma source(%dma_start3A_327 : memref<10000x32xbf16, #tpu.memory_space<hbm>>) target(%dma_start3A_321 : memref<80x32xbf16, #tpu.memory_space<vmem>>) offsets(%dma_start3A_324 : memref<80xi32, #tpu.memory_space<vmem>>) semaphore(%arg13 : memref<!tpu.dma_semaphore, #tpu.memory_space<semaphore_mem>>)
      } else {
      }
      %add3A_271 = arith.constant 4 : i32
      %add3A_272 = arith.addi %add3A_108, %add3A_271 : i32
      %dma_wait3A_273 = arith.constant 0 : i32
      %dma_wait3A_274 = arith.constant 4 : i32
      %dma_wait3A_275 = arith.constant 0 : i32
      %dma_wait3A_276 = arith.constant 0 : i32
      %dma_wait3A_277 = tpu.memref_slice %arg8[%dma_wait3A_274, %dma_wait3A_275, %dma_wait3A_276] : memref<5x80x32xbf16, #tpu.memory_space<vmem>> -> memref<1x80x32xbf16, #tpu.memory_space<vmem>>
      %dma_wait3A_278 = tpu.memref_squeeze %dma_wait3A_277 : memref<1x80x32xbf16, #tpu.memory_space<vmem>> -> memref<80x32xbf16, #tpu.memory_space<vmem>>
      %dma_wait3A_279 = arith.constant 0 : i32
      %dma_wait3A_280 = tpu.memref_slice %arg6[%dma_wait3A_273, %dma_wait3A_279] : memref<125x80xi32, #tpu.memory_space<vmem>> -> memref<1x80xi32, #tpu.memory_space<vmem>>
      %dma_wait3A_281 = tpu.memref_squeeze %dma_wait3A_280 : memref<1x80xi32, #tpu.memory_space<vmem>> -> memref<80xi32, #tpu.memory_space<vmem>>
      %dma_wait3A_282 = arith.constant 0 : i32
      %dma_wait3A_283 = arith.constant 0 : i32
      %dma_wait3A_284 = tpu.memref_slice %arg2[%dma_wait3A_282, %dma_wait3A_283] : memref<10000x32xbf16, #tpu.memory_space<hbm>> -> memref<10000x32xbf16, #tpu.memory_space<hbm>>
      tpu.wait_indirect_dma semaphore(%arg15 : memref<!tpu.dma_semaphore, #tpu.memory_space<semaphore_mem>>) src(%dma_wait3A_284 : memref<10000x32xbf16, #tpu.memory_space<hbm>>) dst(%dma_wait3A_278 : memref<80x32xbf16, #tpu.memory_space<vmem>>)
      %dma_start3A_285 = arith.constant 4 : i32
      %dma_start3A_286 = arith.constant 0 : i32
      %dma_start3A_287 = arith.constant 0 : i32
      %dma_start3A_288 = tpu.memref_slice %arg8[%dma_start3A_285, %dma_start3A_286, %dma_start3A_287] : memref<5x80x32xbf16, #tpu.memory_space<vmem>> -> memref<1x80x32xbf16, #tpu.memory_space<vmem>>
      %dma_start3A_289 = tpu.memref_squeeze %dma_start3A_288 : memref<1x80x32xbf16, #tpu.memory_space<vmem>> -> memref<80x32xbf16, #tpu.memory_space<vmem>>
      %dma_start3A_290 = arith.constant 0 : i32
      %dma_start3A_291 = tpu.memref_slice %arg7[%add3A_272, %dma_start3A_290] : memref<125x80xi32, #tpu.memory_space<vmem>> -> memref<1x80xi32, #tpu.memory_space<vmem>>
      %dma_start3A_292 = tpu.memref_squeeze %dma_start3A_291 : memref<1x80xi32, #tpu.memory_space<vmem>> -> memref<80xi32, #tpu.memory_space<vmem>>
      %dma_start3A_293 = arith.constant 0 : i32
      %dma_start3A_294 = arith.constant 0 : i32
      %dma_start3A_295 = tpu.memref_slice %arg10[%dma_start3A_293, %dma_start3A_294] : memref<10240x32xbf16, #tpu.memory_space<vmem_shared>> -> memref<10240x32xbf16, #tpu.memory_space<vmem_shared>>
      tpu.enqueue_indirect_dma source(%dma_start3A_289 : memref<80x32xbf16, #tpu.memory_space<vmem>>) target(%dma_start3A_295 : memref<10240x32xbf16, #tpu.memory_space<vmem_shared>>) offsets(%dma_start3A_292 : memref<80xi32, #tpu.memory_space<vmem>>) semaphore(%arg20 : memref<!tpu.dma_semaphore, #tpu.memory_space<semaphore_mem>>) {add = true}
      %ge3A_296 = arith.constant 1 : i32
      %ge3A_297 = arith.cmpi sge, %add3A_272, %ge3A_296 : i32
      %convert_element_type3A_298 = arith.extui %ge3A_297 : i1 to i32
      %cond3A_299 = arith.constant 0 : i32
      %cond3A_300 = arith.cmpi ne, %convert_element_type3A_298, %cond3A_299 : i32
      scf.if %cond3A_300 {
        %dma_wait3A_313 = arith.constant 3 : i32
        %dma_wait3A_314 = arith.constant 0 : i32
        %dma_wait3A_315 = arith.constant 0 : i32
        %dma_wait3A_316 = arith.constant 0 : i32
        %dma_wait3A_317 = tpu.memref_slice %arg8[%dma_wait3A_313, %dma_wait3A_315, %dma_wait3A_316] : memref<5x80x32xbf16, #tpu.memory_space<vmem>> -> memref<1x80x32xbf16, #tpu.memory_space<vmem>>
        %dma_wait3A_318 = tpu.memref_squeeze %dma_wait3A_317 : memref<1x80x32xbf16, #tpu.memory_space<vmem>> -> memref<80x32xbf16, #tpu.memory_space<vmem>>
        %dma_wait3A_319 = arith.constant 0 : i32
        %dma_wait3A_320 = tpu.memref_slice %arg7[%dma_wait3A_314, %dma_wait3A_319] : memref<125x80xi32, #tpu.memory_space<vmem>> -> memref<1x80xi32, #tpu.memory_space<vmem>>
        %dma_wait3A_321 = tpu.memref_squeeze %dma_wait3A_320 : memref<1x80xi32, #tpu.memory_space<vmem>> -> memref<80xi32, #tpu.memory_space<vmem>>
        %dma_wait3A_322 = arith.constant 0 : i32
        %dma_wait3A_323 = arith.constant 0 : i32
        %dma_wait3A_324 = tpu.memref_slice %arg10[%dma_wait3A_322, %dma_wait3A_323] : memref<10240x32xbf16, #tpu.memory_space<vmem_shared>> -> memref<10240x32xbf16, #tpu.memory_space<vmem_shared>>
        tpu.wait_indirect_dma semaphore(%arg19 : memref<!tpu.dma_semaphore, #tpu.memory_space<semaphore_mem>>) src(%dma_wait3A_318 : memref<80x32xbf16, #tpu.memory_space<vmem>>) dst(%dma_wait3A_324 : memref<10240x32xbf16, #tpu.memory_space<vmem_shared>>)
      } else {
      }
      %ge3A_301 = arith.constant 1 : i32
      %ge3A_302 = arith.cmpi sge, %add3A_272, %ge3A_301 : i32
      %sub3A_303 = arith.constant 1 : i32
      %sub3A_304 = arith.subi %add3A_272, %sub3A_303 : i32
      %add3A_305 = arith.constant 5 : i32
      %add3A_306 = arith.addi %sub3A_304, %add3A_305 : i32
      %lt3A_307 = arith.constant 125 : i32
      %lt3A_308 = arith.cmpi slt, %add3A_306, %lt3A_307 : i32
      %and3A_309 = arith.andi %ge3A_302, %lt3A_308 : i1
      %convert_element_type3A_310 = arith.extui %and3A_309 : i1 to i32
      %cond3A_311 = arith.constant 0 : i32
      %cond3A_312 = arith.cmpi ne, %convert_element_type3A_310, %cond3A_311 : i32
      scf.if %cond3A_312 {
        %sub3A_313 = arith.constant 1 : i32
        %sub3A_314 = arith.subi %add3A_272, %sub3A_313 : i32
        %add3A_315 = arith.constant 5 : i32
        %add3A_316 = arith.addi %sub3A_314, %add3A_315 : i32
        %dma_start3A_317 = arith.constant 3 : i32
        %dma_start3A_318 = arith.constant 0 : i32
        %dma_start3A_319 = arith.constant 0 : i32
        %dma_start3A_320 = tpu.memref_slice %arg8[%dma_start3A_317, %dma_start3A_318, %dma_start3A_319] : memref<5x80x32xbf16, #tpu.memory_space<vmem>> -> memref<1x80x32xbf16, #tpu.memory_space<vmem>>
        %dma_start3A_321 = tpu.memref_squeeze %dma_start3A_320 : memref<1x80x32xbf16, #tpu.memory_space<vmem>> -> memref<80x32xbf16, #tpu.memory_space<vmem>>
        %dma_start3A_322 = arith.constant 0 : i32
        %dma_start3A_323 = tpu.memref_slice %arg6[%add3A_316, %dma_start3A_322] : memref<125x80xi32, #tpu.memory_space<vmem>> -> memref<1x80xi32, #tpu.memory_space<vmem>>
        %dma_start3A_324 = tpu.memref_squeeze %dma_start3A_323 : memref<1x80xi32, #tpu.memory_space<vmem>> -> memref<80xi32, #tpu.memory_space<vmem>>
        %dma_start3A_325 = arith.constant 0 : i32
        %dma_start3A_326 = arith.constant 0 : i32
        %dma_start3A_327 = tpu.memref_slice %arg2[%dma_start3A_325, %dma_start3A_326] : memref<10000x32xbf16, #tpu.memory_space<hbm>> -> memref<10000x32xbf16, #tpu.memory_space<hbm>>
        tpu.enqueue_indirect_dma source(%dma_start3A_327 : memref<10000x32xbf16, #tpu.memory_space<hbm>>) target(%dma_start3A_321 : memref<80x32xbf16, #tpu.memory_space<vmem>>) offsets(%dma_start3A_324 : memref<80xi32, #tpu.memory_space<vmem>>) semaphore(%arg14 : memref<!tpu.dma_semaphore, #tpu.memory_space<semaphore_mem>>)
      } else {
      }
    }
    %scan3A_89 = arith.constant 25 : i32
    %dma_wait3A = arith.constant 4 : i32
    %dma_wait3A_90 = arith.constant 0 : i32
    %dma_wait3A_91 = arith.constant 0 : i32
    %dma_wait3A_92 = arith.constant 0 : i32
    %dma_wait3A_93 = tpu.memref_slice %arg8[%dma_wait3A, %dma_wait3A_91, %dma_wait3A_92] : memref<5x80x32xbf16, #tpu.memory_space<vmem>> -> memref<1x80x32xbf16, #tpu.memory_space<vmem>>
    %dma_wait3A_94 = tpu.memref_squeeze %dma_wait3A_93 : memref<1x80x32xbf16, #tpu.memory_space<vmem>> -> memref<80x32xbf16, #tpu.memory_space<vmem>>
    %dma_wait3A_95 = arith.constant 0 : i32
    %dma_wait3A_96 = tpu.memref_slice %arg7[%dma_wait3A_90, %dma_wait3A_95] : memref<125x80xi32, #tpu.memory_space<vmem>> -> memref<1x80xi32, #tpu.memory_space<vmem>>
    %dma_wait3A_97 = tpu.memref_squeeze %dma_wait3A_96 : memref<1x80xi32, #tpu.memory_space<vmem>> -> memref<80xi32, #tpu.memory_space<vmem>>
    %dma_wait3A_98 = arith.constant 0 : i32
    %dma_wait3A_99 = arith.constant 0 : i32
    %dma_wait3A_100 = tpu.memref_slice %arg10[%dma_wait3A_98, %dma_wait3A_99] : memref<10240x32xbf16, #tpu.memory_space<vmem_shared>> -> memref<10240x32xbf16, #tpu.memory_space<vmem_shared>>
    tpu.wait_indirect_dma semaphore(%arg20 : memref<!tpu.dma_semaphore, #tpu.memory_space<semaphore_mem>>) src(%dma_wait3A_94 : memref<80x32xbf16, #tpu.memory_space<vmem>>) dst(%dma_wait3A_100 : memref<10240x32xbf16, #tpu.memory_space<vmem_shared>>)
    %barrier3A_101 = arith.constant 0 : index
    tpu.barrier barrier_id(%barrier3A_101)
    %mul3A_102 = arith.constant 640 : i32
    %mul3A_103 = arith.muli %arg1, %mul3A_102 : i32
    "tpu.region"() ({
      %run_scoped3A = tpu.sem_alloc : memref<!tpu.dma_semaphore, #tpu.memory_space<semaphore_mem>>
      %dma_start3A_104 = arith.constant 0 : i32
      %dma_start3A_105 = tpu.memref_slice %arg5[%arg0, %mul3A_103, %dma_start3A_104] : memref<2x10240x32xbf16, #tpu.memory_space<hbm>> -> memref<1x640x32xbf16, #tpu.memory_space<hbm>>
      %dma_start3A_106 = tpu.memref_squeeze %dma_start3A_105 : memref<1x640x32xbf16, #tpu.memory_space<hbm>> -> memref<640x32xbf16, #tpu.memory_space<hbm>>
      %dma_start3A_107 = arith.constant 0 : i32
      %dma_start3A_108 = tpu.memref_slice %arg10[%mul3A_103, %dma_start3A_107] : memref<10240x32xbf16, #tpu.memory_space<vmem_shared>> -> memref<640x32xbf16, #tpu.memory_space<vmem_shared>>
      tpu.enqueue_dma source(%dma_start3A_108 : memref<640x32xbf16, #tpu.memory_space<vmem_shared>>) target(%dma_start3A_106 : memref<640x32xbf16, #tpu.memory_space<hbm>>) target_semaphore(%run_scoped3A : memref<!tpu.dma_semaphore, #tpu.memory_space<semaphore_mem>>)
      %dma_wait3A_109 = arith.constant 0 : i32
      %dma_wait3A_110 = tpu.memref_slice %arg5[%arg0, %mul3A_103, %dma_wait3A_109] : memref<2x10240x32xbf16, #tpu.memory_space<hbm>> -> memref<1x640x32xbf16, #tpu.memory_space<hbm>>
      %dma_wait3A_111 = tpu.memref_squeeze %dma_wait3A_110 : memref<1x640x32xbf16, #tpu.memory_space<hbm>> -> memref<640x32xbf16, #tpu.memory_space<hbm>>
      %dma_wait3A_112 = arith.constant 0 : i32
      %dma_wait3A_113 = tpu.memref_slice %arg10[%mul3A_103, %dma_wait3A_112] : memref<10240x32xbf16, #tpu.memory_space<vmem_shared>> -> memref<640x32xbf16, #tpu.memory_space<vmem_shared>>
      tpu.wait_dma2 semaphore(%run_scoped3A : memref<!tpu.dma_semaphore, #tpu.memory_space<semaphore_mem>>) src(%dma_wait3A_113 : memref<640x32xbf16, #tpu.memory_space<vmem_shared>>) dst(%dma_wait3A_111 : memref<640x32xbf16, #tpu.memory_space<hbm>>)
      tpu.yield
    }) : () -> ()
    return
  }
}

module attributes {stable_mosaic.version = 14 : i64} {
  func.func @_tc1_body(%arg0: memref<2x10240x64xbf16, #tpu.memory_space<vmem>>, %arg1: memref<2x10240x16xf32, #tpu.memory_space<vmem>>, %arg2: memref<10000x128xf32, #tpu.memory_space<vmem>>, %arg3: memref<128x128xf32, #tpu.memory_space<vmem>>, %arg4: memref<1x128xf32, #tpu.memory_space<vmem>>, %arg5: memref<128x128xf32, #tpu.memory_space<vmem>>, %arg6: memref<128x32xf32, #tpu.memory_space<vmem>>, %arg7: memref<1x32xf32, #tpu.memory_space<vmem>>, %arg8: memref<128x32xf32, #tpu.memory_space<vmem>>, %arg9: memref<10000x32xbf16, #tpu.memory_space<vmem>>, %arg10: memref<10000x32xf32, #tpu.memory_space<vmem>>, %arg11: memref<10000x1xf32, #tpu.memory_space<vmem>>) attributes {dimension_semantics = [], scalar_prefetch = 0 : i64, scratch_operands = 0 : i64, tpu.core_type = #tpu.core_type<tc>} {
    %get3A = arith.constant 0 : index
    %get3A_0 = arith.constant 0 : index
    %get3A_1 = arith.constant 0 : index
    %get3A_2 = vector.load %arg0[%get3A, %get3A_0, %get3A_1] : memref<2x10240x64xbf16, #tpu.memory_space<vmem>>, vector<1x10000x64xbf16>
    %get3A_3 = vector.shape_cast %get3A_2 : vector<1x10000x64xbf16> to vector<10000x64xbf16>
    %get3A_4 = arith.constant 1 : index
    %get3A_5 = arith.constant 0 : index
    %get3A_6 = arith.constant 0 : index
    %get3A_7 = vector.load %arg0[%get3A_4, %get3A_5, %get3A_6] : memref<2x10240x64xbf16, #tpu.memory_space<vmem>>, vector<1x10000x64xbf16>
    %get3A_8 = vector.shape_cast %get3A_7 : vector<1x10000x64xbf16> to vector<10000x64xbf16>
    %concatenate3A = tpu.concatenate %get3A_3, %get3A_8 in 1 : vector<10000x64xbf16>, vector<10000x64xbf16> -> vector<10000x128xbf16>
    %convert_element_type3A = arith.extf %concatenate3A : vector<10000x128xbf16> to vector<10000x128xf32>
    %get3A_9 = arith.constant 0 : index
    %get3A_10 = arith.constant 0 : index
    %get3A_11 = arith.constant 0 : index
    %get3A_12 = vector.load %arg1[%get3A_9, %get3A_10, %get3A_11] : memref<2x10240x16xf32, #tpu.memory_space<vmem>>, vector<1x10000x1xf32>
    %get3A_13 = vector.shape_cast %get3A_12 : vector<1x10000x1xf32> to vector<10000x1xf32>
    %get3A_14 = arith.constant 1 : index
    %get3A_15 = arith.constant 0 : index
    %get3A_16 = arith.constant 0 : index
    %get3A_17 = vector.load %arg1[%get3A_14, %get3A_15, %get3A_16] : memref<2x10240x16xf32, #tpu.memory_space<vmem>>, vector<1x10000x1xf32>
    %get3A_18 = vector.shape_cast %get3A_17 : vector<1x10000x1xf32> to vector<10000x1xf32>
    %add3A = arith.addf %get3A_13, %get3A_18 : vector<10000x1xf32>
    %max3A = arith.constant 1.000000e+00 : f32
    %max3A_19 = vector.broadcast %max3A : f32 to vector<10000x1xf32>
    %max3A_20 = arith.maximumf %add3A, %max3A_19 : vector<10000x1xf32>
    %div3A = arith.constant 1.000000e+00 : f32
    %div3A_21 = vector.broadcast %div3A : f32 to vector<10000x1xf32>
    %div3A_22 = arith.divf %div3A_21, %max3A_20 : vector<10000x1xf32>
    %mul3A = vector.broadcast %div3A_22 : vector<10000x1xf32> to vector<10000x128xf32>
    %mul3A_23 = arith.mulf %convert_element_type3A, %mul3A : vector<10000x128xf32>
    %get3A_24 = arith.constant 0 : index
    %get3A_25 = arith.constant 0 : index
    %get3A_26 = vector.load %arg3[%get3A_24, %get3A_25] : memref<128x128xf32, #tpu.memory_space<vmem>>, vector<128x128xf32>
    %dot_general3A = arith.constant dense<0.000000e+00> : vector<10000x128xf32>
    %dot_general3A_27 = tpu.matmul %mul3A_23, %get3A_26, %dot_general3A {dimension_numbers = #tpu.dot_dimension_numbers<[1], [0], [0], [1], [0, 0, 1, 1], [], []>, transpose_lhs_hint = false} : vector<10000x128xf32>, vector<128x128xf32>, vector<10000x128xf32> -> vector<10000x128xf32>
    %get3A_28 = arith.constant 0 : index
    %get3A_29 = arith.constant 0 : index
    %get3A_30 = vector.load %arg4[%get3A_28, %get3A_29] : memref<1x128xf32, #tpu.memory_space<vmem>>, vector<1x128xf32>
    %add3A_31 = vector.broadcast %get3A_30 : vector<1x128xf32> to vector<10000x128xf32>
    %add3A_32 = arith.addf %dot_general3A_27, %add3A_31 : vector<10000x128xf32>
    %get3A_33 = arith.constant 0 : index
    %get3A_34 = arith.constant 0 : index
    %get3A_35 = vector.load %arg2[%get3A_33, %get3A_34] : memref<10000x128xf32, #tpu.memory_space<vmem>>, vector<10000x128xf32>
    %get3A_36 = arith.constant 0 : index
    %get3A_37 = arith.constant 0 : index
    %get3A_38 = vector.load %arg5[%get3A_36, %get3A_37] : memref<128x128xf32, #tpu.memory_space<vmem>>, vector<128x128xf32>
    %dot_general3A_39 = arith.constant dense<0.000000e+00> : vector<10000x128xf32>
    %dot_general3A_40 = tpu.matmul %get3A_35, %get3A_38, %dot_general3A_39 {dimension_numbers = #tpu.dot_dimension_numbers<[1], [0], [0], [1], [0, 0, 1, 1], [], []>, transpose_lhs_hint = false} : vector<10000x128xf32>, vector<128x128xf32>, vector<10000x128xf32> -> vector<10000x128xf32>
    %add3A_41 = arith.addf %add3A_32, %dot_general3A_40 : vector<10000x128xf32>
    %max3A_42 = arith.constant 0.000000e+00 : f32
    %max3A_43 = vector.broadcast %max3A_42 : f32 to vector<10000x128xf32>
    %max3A_44 = arith.maximumf %add3A_41, %max3A_43 : vector<10000x128xf32>
    %get3A_45 = arith.constant 0 : index
    %get3A_46 = arith.constant 0 : index
    %get3A_47 = vector.load %arg6[%get3A_45, %get3A_46] : memref<128x32xf32, #tpu.memory_space<vmem>>, vector<128x32xf32>
    %dot_general3A_48 = arith.constant dense<0.000000e+00> : vector<10000x32xf32>
    %dot_general3A_49 = tpu.matmul %max3A_44, %get3A_47, %dot_general3A_48 {dimension_numbers = #tpu.dot_dimension_numbers<[1], [0], [0], [1], [0, 0, 1, 1], [], []>, transpose_lhs_hint = false} : vector<10000x128xf32>, vector<128x32xf32>, vector<10000x32xf32> -> vector<10000x32xf32>
    %convert_element_type3A_50 = arith.truncf %dot_general3A_49 : vector<10000x32xf32> to vector<10000x32xbf16>
    %swap3A = arith.constant 0 : index
    %swap3A_51 = arith.constant 0 : index
    %swap3A_52 = vector.load %arg9[%swap3A, %swap3A_51] : memref<10000x32xbf16, #tpu.memory_space<vmem>>, vector<10000x32xbf16>
    tpu.vector_store %arg9[%swap3A, %swap3A_51], %convert_element_type3A_50 {strides = array<i32>} : memref<10000x32xbf16, #tpu.memory_space<vmem>>, vector<10000x32xbf16>,
    %get3A_53 = arith.constant 0 : index
    %get3A_54 = arith.constant 0 : index
    %get3A_55 = vector.load %arg8[%get3A_53, %get3A_54] : memref<128x32xf32, #tpu.memory_space<vmem>>, vector<128x32xf32>
    %dot_general3A_56 = arith.constant dense<0.000000e+00> : vector<10000x32xf32>
    %dot_general3A_57 = tpu.matmul %max3A_44, %get3A_55, %dot_general3A_56 {dimension_numbers = #tpu.dot_dimension_numbers<[1], [0], [0], [1], [0, 0, 1, 1], [], []>, transpose_lhs_hint = false} : vector<10000x128xf32>, vector<128x32xf32>, vector<10000x32xf32> -> vector<10000x32xf32>
    %get3A_58 = arith.constant 0 : index
    %get3A_59 = arith.constant 0 : index
    %get3A_60 = vector.load %arg7[%get3A_58, %get3A_59] : memref<1x32xf32, #tpu.memory_space<vmem>>, vector<1x32xf32>
    %add3A_61 = vector.broadcast %get3A_60 : vector<1x32xf32> to vector<10000x32xf32>
    %add3A_62 = arith.addf %dot_general3A_57, %add3A_61 : vector<10000x32xf32>
    %swap3A_63 = arith.constant 0 : index
    %swap3A_64 = arith.constant 0 : index
    %swap3A_65 = vector.load %arg10[%swap3A_63, %swap3A_64] : memref<10000x32xf32, #tpu.memory_space<vmem>>, vector<10000x32xf32>
    tpu.vector_store %arg10[%swap3A_63, %swap3A_64], %add3A_62 {strides = array<i32>} : memref<10000x32xf32, #tpu.memory_space<vmem>>, vector<10000x32xf32>,
    %swap3A_66 = arith.constant 0 : index
    %swap3A_67 = arith.constant 0 : index
    %swap3A_68 = vector.load %arg11[%swap3A_66, %swap3A_67] : memref<10000x1xf32, #tpu.memory_space<vmem>>, vector<10000x1xf32>
    tpu.vector_store %arg11[%swap3A_66, %swap3A_67], %div3A_22 {strides = array<i32>} : memref<10000x1xf32, #tpu.memory_space<vmem>>, vector<10000x1xf32>,
    return
  }
}

module attributes {stable_mosaic.version = 14 : i64} {
  func.func @_tc2_body(%arg0: memref<2x10240x32xbf16, #tpu.memory_space<vmem>>, %arg1: memref<10000x1xf32, #tpu.memory_space<vmem>>, %arg2: memref<10000x32xf32, #tpu.memory_space<vmem>>, %arg3: memref<10000x1xi32, #tpu.memory_space<vmem>>, %arg4: memref<32x32xf32, #tpu.memory_space<vmem>>, %arg5: memref<1x32xf32, #tpu.memory_space<vmem>>, %arg6: memref<32x32xf32, #tpu.memory_space<vmem>>, %arg7: memref<1x32xf32, #tpu.memory_space<vmem>>, %arg8: memref<32x32xf32, #tpu.memory_space<vmem>>, %arg9: memref<1x32xf32, #tpu.memory_space<vmem>>, %arg10: memref<32x32xf32, #tpu.memory_space<vmem>>, %arg11: memref<1x32xf32, #tpu.memory_space<vmem>>, %arg12: memref<32x64xf32, #tpu.memory_space<vmem>>, %arg13: memref<1x64xf32, #tpu.memory_space<vmem>>, %arg14: memref<16x32xf32, #tpu.memory_space<vmem>>, %arg15: memref<16x64xf32, #tpu.memory_space<vmem>>) attributes {dimension_semantics = [], scalar_prefetch = 0 : i64, scratch_operands = 0 : i64, tpu.core_type = #tpu.core_type<tc>} {
    %get3A = arith.constant 0 : index
    %get3A_0 = arith.constant 0 : index
    %get3A_1 = arith.constant 0 : index
    %get3A_2 = vector.load %arg0[%get3A, %get3A_0, %get3A_1] : memref<2x10240x32xbf16, #tpu.memory_space<vmem>>, vector<1x10000x32xbf16>
    %get3A_3 = vector.shape_cast %get3A_2 : vector<1x10000x32xbf16> to vector<10000x32xbf16>
    %convert_element_type3A = arith.extf %get3A_3 : vector<10000x32xbf16> to vector<10000x32xf32>
    %get3A_4 = arith.constant 1 : index
    %get3A_5 = arith.constant 0 : index
    %get3A_6 = arith.constant 0 : index
    %get3A_7 = vector.load %arg0[%get3A_4, %get3A_5, %get3A_6] : memref<2x10240x32xbf16, #tpu.memory_space<vmem>>, vector<1x10000x32xbf16>
    %get3A_8 = vector.shape_cast %get3A_7 : vector<1x10000x32xbf16> to vector<10000x32xbf16>
    %convert_element_type3A_9 = arith.extf %get3A_8 : vector<10000x32xbf16> to vector<10000x32xf32>
    %add3A = arith.addf %convert_element_type3A, %convert_element_type3A_9 : vector<10000x32xf32>
    %get3A_10 = arith.constant 0 : index
    %get3A_11 = arith.constant 0 : index
    %get3A_12 = vector.load %arg1[%get3A_10, %get3A_11] : memref<10000x1xf32, #tpu.memory_space<vmem>>, vector<10000x1xf32>
    %mul3A = vector.broadcast %get3A_12 : vector<10000x1xf32> to vector<10000x32xf32>
    %mul3A_13 = arith.mulf %add3A, %mul3A : vector<10000x32xf32>
    %get3A_14 = arith.constant 0 : index
    %get3A_15 = arith.constant 0 : index
    %get3A_16 = vector.load %arg2[%get3A_14, %get3A_15] : memref<10000x32xf32, #tpu.memory_space<vmem>>, vector<10000x32xf32>
    %add3A_17 = arith.addf %mul3A_13, %get3A_16 : vector<10000x32xf32>
    %max3A = arith.constant 0.000000e+00 : f32
    %max3A_18 = vector.broadcast %max3A : f32 to vector<10000x32xf32>
    %max3A_19 = arith.maximumf %add3A_17, %max3A_18 : vector<10000x32xf32>
    %iota3A = tpu.iota {dimensions = array<i32: 1>} : vector<1x16xi32>
    %get3A_20 = arith.constant 0 : index
    %get3A_21 = arith.constant 0 : index
    %get3A_22 = vector.load %arg3[%get3A_20, %get3A_21] : memref<10000x1xi32, #tpu.memory_space<vmem>>, vector<10000x1xi32>
    %eq3A = vector.broadcast %get3A_22 : vector<10000x1xi32> to vector<10000x16xi32>
    %eq3A_23 = vector.broadcast %iota3A : vector<1x16xi32> to vector<10000x16xi32>
    %eq3A_24 = arith.cmpi eq, %eq3A, %eq3A_23 : vector<10000x16xi32>
    %convert_element_type3A_25 = arith.extui %eq3A_24 : vector<10000x16xi1> to vector<10000x16xi32>
    %convert_element_type3A_26 = arith.sitofp %convert_element_type3A_25 : vector<10000x16xi32> to vector<10000x16xf32>
    %dot_general3A = arith.constant dense<0.000000e+00> : vector<16x32xf32>
    %dot_general3A_27 = tpu.matmul %convert_element_type3A_26, %max3A_19, %dot_general3A {dimension_numbers = #tpu.dot_dimension_numbers<[0], [0], [1], [1], [0, 1, 1, 1], [], []>, transpose_lhs_hint = false} : vector<10000x16xf32>, vector<10000x32xf32>, vector<16x32xf32> -> vector<16x32xf32>
    %broadcast_in_dim3A = arith.constant 1.000000e+00 : f32
    %broadcast_in_dim3A_28 = vector.broadcast %broadcast_in_dim3A : f32 to vector<10000x1xf32>
    %dot_general3A_29 = arith.constant dense<0.000000e+00> : vector<16x1xf32>
    %dot_general3A_30 = tpu.matmul %convert_element_type3A_26, %broadcast_in_dim3A_28, %dot_general3A_29 {dimension_numbers = #tpu.dot_dimension_numbers<[0], [0], [1], [1], [0, 1, 1, 1], [], []>, transpose_lhs_hint = false} : vector<10000x16xf32>, vector<10000x1xf32>, vector<16x1xf32> -> vector<16x1xf32>
    %max3A_31 = arith.constant 1.000000e+00 : f32
    %max3A_32 = vector.broadcast %max3A_31 : f32 to vector<16x1xf32>
    %max3A_33 = arith.maximumf %dot_general3A_30, %max3A_32 : vector<16x1xf32>
    %div3A = vector.broadcast %max3A_33 : vector<16x1xf32> to vector<16x32xf32>
    %div3A_34 = arith.divf %dot_general3A_27, %div3A : vector<16x32xf32>
    %get3A_35 = arith.constant 0 : index
    %get3A_36 = arith.constant 0 : index
    %get3A_37 = vector.load %arg4[%get3A_35, %get3A_36] : memref<32x32xf32, #tpu.memory_space<vmem>>, vector<32x32xf32>
    %dot_general3A_38 = arith.constant dense<0.000000e+00> : vector<16x32xf32>
    %dot_general3A_39 = tpu.matmul %div3A_34, %get3A_37, %dot_general3A_38 {dimension_numbers = #tpu.dot_dimension_numbers<[1], [0], [0], [1], [0, 0, 1, 1], [], []>, transpose_lhs_hint = false} : vector<16x32xf32>, vector<32x32xf32>, vector<16x32xf32> -> vector<16x32xf32>
    %get3A_40 = arith.constant 0 : index
    %get3A_41 = arith.constant 0 : index
    %get3A_42 = vector.load %arg5[%get3A_40, %get3A_41] : memref<1x32xf32, #tpu.memory_space<vmem>>, vector<1x32xf32>
    %add3A_43 = vector.broadcast %get3A_42 : vector<1x32xf32> to vector<16x32xf32>
    %add3A_44 = arith.addf %dot_general3A_39, %add3A_43 : vector<16x32xf32>
    %max3A_45 = arith.constant 0.000000e+00 : f32
    %max3A_46 = vector.broadcast %max3A_45 : f32 to vector<16x32xf32>
    %max3A_47 = arith.maximumf %add3A_44, %max3A_46 : vector<16x32xf32>
    %get3A_48 = arith.constant 0 : index
    %get3A_49 = arith.constant 0 : index
    %get3A_50 = vector.load %arg6[%get3A_48, %get3A_49] : memref<32x32xf32, #tpu.memory_space<vmem>>, vector<32x32xf32>
    %dot_general3A_51 = arith.constant dense<0.000000e+00> : vector<16x32xf32>
    %dot_general3A_52 = tpu.matmul %max3A_47, %get3A_50, %dot_general3A_51 {dimension_numbers = #tpu.dot_dimension_numbers<[1], [0], [0], [1], [0, 0, 1, 1], [], []>, transpose_lhs_hint = false} : vector<16x32xf32>, vector<32x32xf32>, vector<16x32xf32> -> vector<16x32xf32>
    %get3A_53 = arith.constant 0 : index
    %get3A_54 = arith.constant 0 : index
    %get3A_55 = vector.load %arg7[%get3A_53, %get3A_54] : memref<1x32xf32, #tpu.memory_space<vmem>>, vector<1x32xf32>
    %add3A_56 = vector.broadcast %get3A_55 : vector<1x32xf32> to vector<16x32xf32>
    %add3A_57 = arith.addf %dot_general3A_52, %add3A_56 : vector<16x32xf32>
    %gt3A = arith.constant 0.000000e+00 : f32
    %gt3A_58 = vector.broadcast %gt3A : f32 to vector<16x32xf32>
    %gt3A_59 = arith.cmpf ogt, %add3A_57, %gt3A_58 : vector<16x32xf32>
    %mul3A_60 = arith.constant 1.000000e-01 : f32
    %mul3A_61 = vector.broadcast %mul3A_60 : f32 to vector<16x32xf32>
    %mul3A_62 = arith.mulf %mul3A_61, %add3A_57 : vector<16x32xf32>
    %select_n3A = arith.select %gt3A_59, %add3A_57, %mul3A_62 : vector<16x32xi1>, vector<16x32xf32>
    %get3A_63 = arith.constant 0 : index
    %get3A_64 = arith.constant 0 : index
    %get3A_65 = vector.load %arg8[%get3A_63, %get3A_64] : memref<32x32xf32, #tpu.memory_space<vmem>>, vector<32x32xf32>
    %dot_general3A_66 = arith.constant dense<0.000000e+00> : vector<16x32xf32>
    %dot_general3A_67 = tpu.matmul %select_n3A, %get3A_65, %dot_general3A_66 {dimension_numbers = #tpu.dot_dimension_numbers<[1], [0], [0], [1], [0, 0, 1, 1], [], []>, transpose_lhs_hint = false} : vector<16x32xf32>, vector<32x32xf32>, vector<16x32xf32> -> vector<16x32xf32>
    %get3A_68 = arith.constant 0 : index
    %get3A_69 = arith.constant 0 : index
    %get3A_70 = vector.load %arg9[%get3A_68, %get3A_69] : memref<1x32xf32, #tpu.memory_space<vmem>>, vector<1x32xf32>
    %add3A_71 = vector.broadcast %get3A_70 : vector<1x32xf32> to vector<16x32xf32>
    %add3A_72 = arith.addf %dot_general3A_67, %add3A_71 : vector<16x32xf32>
    %gt3A_73 = arith.constant 0.000000e+00 : f32
    %gt3A_74 = vector.broadcast %gt3A_73 : f32 to vector<16x32xf32>
    %gt3A_75 = arith.cmpf ogt, %add3A_72, %gt3A_74 : vector<16x32xf32>
    %mul3A_76 = arith.constant 1.000000e-01 : f32
    %mul3A_77 = vector.broadcast %mul3A_76 : f32 to vector<16x32xf32>
    %mul3A_78 = arith.mulf %mul3A_77, %add3A_72 : vector<16x32xf32>
    %select_n3A_79 = arith.select %gt3A_75, %add3A_72, %mul3A_78 : vector<16x32xi1>, vector<16x32xf32>
    %get3A_80 = arith.constant 0 : index
    %get3A_81 = arith.constant 0 : index
    %get3A_82 = vector.load %arg10[%get3A_80, %get3A_81] : memref<32x32xf32, #tpu.memory_space<vmem>>, vector<32x32xf32>
    %dot_general3A_83 = arith.constant dense<0.000000e+00> : vector<16x32xf32>
    %dot_general3A_84 = tpu.matmul %select_n3A_79, %get3A_82, %dot_general3A_83 {dimension_numbers = #tpu.dot_dimension_numbers<[1], [0], [0], [1], [0, 0, 1, 1], [], []>, transpose_lhs_hint = false} : vector<16x32xf32>, vector<32x32xf32>, vector<16x32xf32> -> vector<16x32xf32>
    %get3A_85 = arith.constant 0 : index
    %get3A_86 = arith.constant 0 : index
    %get3A_87 = vector.load %arg11[%get3A_85, %get3A_86] : memref<1x32xf32, #tpu.memory_space<vmem>>, vector<1x32xf32>
    %add3A_88 = vector.broadcast %get3A_87 : vector<1x32xf32> to vector<16x32xf32>
    %add3A_89 = arith.addf %dot_general3A_84, %add3A_88 : vector<16x32xf32>
    %gt3A_90 = arith.constant 0.000000e+00 : f32
    %gt3A_91 = vector.broadcast %gt3A_90 : f32 to vector<16x32xf32>
    %gt3A_92 = arith.cmpf ogt, %add3A_89, %gt3A_91 : vector<16x32xf32>
    %mul3A_93 = arith.constant 1.000000e-01 : f32
    %mul3A_94 = vector.broadcast %mul3A_93 : f32 to vector<16x32xf32>
    %mul3A_95 = arith.mulf %mul3A_94, %add3A_89 : vector<16x32xf32>
    %select_n3A_96 = arith.select %gt3A_92, %add3A_89, %mul3A_95 : vector<16x32xi1>, vector<16x32xf32>
    %get3A_97 = arith.constant 0 : index
    %get3A_98 = arith.constant 0 : index
    %get3A_99 = vector.load %arg12[%get3A_97, %get3A_98] : memref<32x64xf32, #tpu.memory_space<vmem>>, vector<32x64xf32>
    %dot_general3A_100 = arith.constant dense<0.000000e+00> : vector<16x64xf32>
    %dot_general3A_101 = tpu.matmul %select_n3A_96, %get3A_99, %dot_general3A_100 {dimension_numbers = #tpu.dot_dimension_numbers<[1], [0], [0], [1], [0, 0, 1, 1], [], []>, transpose_lhs_hint = false} : vector<16x32xf32>, vector<32x64xf32>, vector<16x64xf32> -> vector<16x64xf32>
    %get3A_102 = arith.constant 0 : index
    %get3A_103 = arith.constant 0 : index
    %get3A_104 = vector.load %arg13[%get3A_102, %get3A_103] : memref<1x64xf32, #tpu.memory_space<vmem>>, vector<1x64xf32>
    %add3A_105 = vector.broadcast %get3A_104 : vector<1x64xf32> to vector<16x64xf32>
    %add3A_106 = arith.addf %dot_general3A_101, %add3A_105 : vector<16x64xf32>
    %swap3A = arith.constant 0 : index
    %swap3A_107 = arith.constant 0 : index
    %swap3A_108 = vector.load %arg14[%swap3A, %swap3A_107] : memref<16x32xf32, #tpu.memory_space<vmem>>, vector<16x32xf32>
    tpu.vector_store %arg14[%swap3A, %swap3A_107], %select_n3A {strides = array<i32>} : memref<16x32xf32, #tpu.memory_space<vmem>>, vector<16x32xf32>,
    %swap3A_109 = arith.constant 0 : index
    %swap3A_110 = arith.constant 0 : index
    %swap3A_111 = vector.load %arg15[%swap3A_109, %swap3A_110] : memref<16x64xf32, #tpu.memory_space<vmem>>, vector<16x64xf32>
    tpu.vector_store %arg15[%swap3A_109, %swap3A_110], %add3A_106 {strides = array<i32>} : memref<16x64xf32, #tpu.memory_space<vmem>>, vector<16x64xf32>,
    return
  }
}

</mosaic_0001>

<sc_bundles>
// kernel: kernel.6.cloned.1.call-start
scs
__scs_entry_jumppad:
0x0: {  	(pc) =	sbr.rel $0x88, $3  }
0x1: {  	(tag) =	ssettag $0x0;
	lr =	simm.s32 $0x1  }
0x2: {  	[smem:$0x3F8E] =	sst lr;
	_ =	strace $0xD0000000  }
0x3: {  	_ = 	snop  }
0x4: {  	_ = 	snop  }
0x5: {  	_ = 	snop  }
0x6: {  	_ = 	snop  }
0x7: {  	_ = 	snop  }
__scs_overlays_trampoline_lowered:
0x8: {  	[smem:$0x3F9D] =	sst s0  }
0x9: {  	[smem:$0x3F9E] =	sst s1  }
0xa: {  	[smem:$0x3F9F] =	sst s2  }
0xb: {  	[smem:$0x3FA0] =	sst s3  }
0xc: {  	[smem:$0x3FA1] =	sst s4  }
0xd: {  	[smem:$0x3FA2] =	sst s5  }
0xe: {  	[smem:$0x3FA3] =	sst s6  }
0xf: {  	[smem:$0x3FA4] =	sst s7  }
0x10: {  	[smem:$0x3FA5] =	sst s8  }
0x11: {  	[smem:$0x3FA6] =	sst s9;
	s0 =	simm.s32 @!p0 $0x0  }
0x12: {  	s1 =	sld [smem:$0x3F8C];
	s0 =	simm.s32 @p0 $0x1  }
0x13: {  	[smem:$0x3FA7] =	sst s0;
	s0 =	simm.s32 @!p1 $0x0  }
0x14: {  	s2 =	sld [smem:$0x3F8B];
	s0 =	simm.s32 @p1 $0x1  }
0x15: {  	[smem:$0x3FA8] =	sst s0;
	s0 =	simm.s32 @!p2 $0x0  }
0x16: {  	s3 =	sld [smem:$0x3FDB];
	s0 =	simm.s32 @p2 $0x1  }
0x17: {  	s4 =	simm.s32 $0x1BF5;
	[smem:$0x3FAA] =	sst s0  }
0x18: {  	s0 =	sld [smem:$0x3F8D];
	_ =	swait.ge [sflag:s4], $0x0  }
0x19: {  	s7 =	sld [smem:$0x3F8E]  }
0x1a: {  	s8 =	sadd.s32 $0xFFFFE003, lr  }
0x1b: {  	s9 =	sadd.s32 $0xFFFFFEF7, lr;
	s5 =	simm.s32 $0xFFFFFFFF;
	p2 =	slt.u32 s8, $0xFFFFF086  }
0x1c: {  	p1 =	slt.u32 s9, $0xF7A;
	s5 =	simm.s32 @!p2 $0x0  }
0x1d: {  	s5 =	simm.s32 @p1 $0x1;
	p0 =	seq.s32 s7, s2  }
0x1e: {  	s7 =	smul.u32 @!p0 $0xF7A, s2;
	p2 =	seq.s32 @!p0 s5, $0x0  }
0x1f: {  	s9 =	smul.u32 $0xF7A, s1;
	s8 =	simm.s32 @!p0 $0x1BF5;
	p2 =	por !p2, p0  }
0x20: {  	[sflag:s8] =	ssyncset.s32 @!p0 $0xFFFFF086;
	s6 =	sadd.s32 @!p0 s3, s7;
	s7 =	simm.s32 @!p0 $0x108  }
0x21: {  	s3 =	sadd.s32 s3, s9;
	s6 =	sadd.s32 @!p0 $0x88, s6;
	s7 =	simm.s32 @p2 $0x1082  }
0x22: {  	[simem:s7], [sflag:s8] =	dma.local @!p0 [hbm:s6], $0xF7A  }
0x23: {  	s9 =	sor.u32 $0xD0000000, s2;
	s6 =	simm.s32 $0x108;
	_ =	swait.ge @!p0 [sflag:s8], $0x0  }
0x24: {  	s3 =	sadd.s32 $0x88, s3;
	s6 =	simm.s32 @!p1 $0x1082;
	[sflag:s4] =	ssyncset.s32 $0xFFFFF086  }
0x25: {  	[simem:s6], [sflag:s4] =	dma.local [hbm:s3], $0xF7A  }
0x26: {  	[smem:$0x3F8E] =	sst s1;
	(tag) =	ssettag s2;
	_ =	strace s9  }
0x27: {  	s1 =	sld [smem:$0x3F9E]  }
0x28: {  	s2 =	sld [smem:$0x3F9F]  }
0x29: {  	s4 =	sld [smem:$0x3FA1]  }
0x2a: {  	p0 =	seq.s32 s5, $0x0;
	s5 =	sld [smem:$0x3FA2]  }
0x2b: {  	s6 =	sld [smem:$0x3FA3]  }
0x2c: {  	s7 =	sld [smem:$0x3FA4]  }
0x2d: {  	s3 =	simm.s32 $0x108;
	s8 =	sld [smem:$0x3FA5]  }
0x2e: {  	s3 =	simm.s32 @!p0 $0x1082;
	s9 =	sld [smem:$0x3FA6]  }
0x2f: {  	lr =	sadd.s32 s0, s3;
	s0 =	sld [smem:$0x3F9D]  }
0x30: {  	s3 =	sld [smem:$0x3FA0]  }
0x31: {  	[smem:$0x3FA9] =	sst s10  }
0x32: {  	s10 =	sld [smem:$0x3FA7];
	_ =	sdelay $0x3  }
0x33: {  	p0 =	seq.s32 s10, $0x1;
	s10 =	sld [smem:$0x3FA9];
	_ =	sdelay $0x3  }
0x34: {  	[smem:$0x3FA9] =	sst s10  }
0x35: {  	s10 =	sld [smem:$0x3FA8];
	_ =	sdelay $0x3  }
0x36: {  	p1 =	seq.s32 s10, $0x1;
	s10 =	sld [smem:$0x3FA9];
	_ =	sdelay $0x3  }
0x37: {  	[smem:$0x3FA9] =	sst s10  }
0x38: {  	s10 =	sld [smem:$0x3FAA]  }
0x39: {  	_ = 	snop;
	(pc) =	sbr.ind lr, $3  }
0x3a: {  	_ = 	snop  }
0x3b: {  	_ = 	snop  }
0x3c: {  	p2 =	seq.s32 s10, $0x1;
	s10 =	sld [smem:$0x3FA9]  }
0x3d: {  	_ =	shalt  }
0x3e: {  	_ =	shalt  }
0x3f: {  	_ =	shalt  }
0x40: {  	_ =	shalt  }
0x41: {  	_ =	shalt  }
0x42: {  	_ =	shalt  }
0x43: {  	_ =	shalt  }
0x44: {  	_ =	shalt  }
0x45: {  	_ =	shalt  }
0x46: {  	_ =	shalt  }
0x47: {  	_ =	shalt  }
0x48: {  	_ =	shalt  }
0x49: {  	_ =	shalt  }
0x4a: {  	_ =	shalt  }
0x4b: {  	_ =	shalt  }
0x4c: {  	_ =	shalt  }
0x4d: {  	_ =	shalt  }
0x4e: {  	_ =	shalt  }
0x4f: {  	_ =	shalt  }
0x50: {  	_ =	shalt  }
0x51: {  	_ =	shalt  }
0x52: {  	_ =	shalt  }
0x53: {  	_ =	shalt  }
0x54: {  	_ =	shalt  }
0x55: {  	_ =	shalt  }
0x56: {  	_ =	shalt  }
0x57: {  	_ =	shalt  }
0x58: {  	_ =	shalt  }
0x59: {  	_ =	shalt  }
0x5a: {  	_ =	shalt  }
0x5b: {  	_ =	shalt  }
0x5c: {  	_ =	shalt  }
0x5d: {  	_ =	shalt  }
0x5e: {  	_ =	shalt  }
0x5f: {  	_ =	shalt  }
0x60: {  	_ =	shalt  }
0x61: {  	_ =	shalt  }
0x62: {  	_ =	shalt  }
0x63: {  	_ =	shalt  }
0x64: {  	_ =	shalt  }
0x65: {  	_ =	shalt  }
0x66: {  	_ =	shalt  }
0x67: {  	_ =	shalt  }
0x68: {  	_ =	shalt  }
0x69: {  	_ =	shalt  }
0x6a: {  	_ =	shalt  }
0x6b: {  	_ =	shalt  }
0x6c: {  	_ =	shalt  }
0x6d: {  	_ =	shalt  }
0x6e: {  	_ =	shalt  }
0x6f: {  	_ =	shalt  }
0x70: {  	_ =	shalt  }
0x71: {  	_ =	shalt  }
0x72: {  	_ =	shalt  }
0x73: {  	_ =	shalt  }
0x74: {  	_ =	shalt  }
0x75: {  	_ =	shalt  }
0x76: {  	_ =	shalt  }
0x77: {  	_ =	shalt  }
0x78: {  	_ =	shalt  }
0x79: {  	_ =	shalt  }
0x7a: {  	_ =	shalt  }
0x7b: {  	_ =	shalt  }
0x7c: {  	_ =	shalt  }
0x7d: {  	_ =	shalt  }
0x7e: {  	_ =	shalt  }
0x7f: {  	_ =	shalt  }
0x80: {  	_ =	shalt  }
0x81: {  	_ =	shalt  }
0x82: {  	_ =	shalt  }
0x83: {  	_ =	shalt  }
0x84: {  	_ =	shalt  }
0x85: {  	_ =	shalt  }
0x86: {  	_ =	shalt  }
0x87: {  	_ =	shalt  }
.Lfunc_end0:
.L_simem_size_0:
called_computation_lowered:
.L_overlay_start_0:
0x88: {  	s2 =	sld [smem:$0x3FD9]  }
0x89: {  	s3 =	sld [smem:$0x3FFE];
	_ =	sdelay $0x1  }
0x8a: {  	s1 =	srdreg.scid  }
0x8b: {  	s0 =	sand.u32 $0x1, s1  }
0x8c: {  	s16 =	sshll.u32 s0, $0xA;
	s2 =	sadd.s32 s3, s2  }
0x8d: {  	s2 =	sadd.s32 s2, s16  }
0x8e: {  	[smem:$0x3FB5] =	sst s2  }
0x8f: {  	_ = 	snop  }
0x90: {  	(tm) =	ssettm $0x1  }
0x91: {  	s17 =	sld [smem:$0x3FFB];
	_ =	sdelay $0x3  }
0x92: {  	_ =	strace s17  }
0x93: {  	s2 =	sld [smem:$0x3FFC];
	_ =	sdelay $0x3  }
0x94: {  	_ =	strace s2  }
0x95: {  	s2 =	sld [smem:$0x3FFD];
	_ =	sdelay $0x3  }
0x96: {  	_ =	strace s2  }
0x97: {  	_ =	strace $0x8FFFFFFF  }
0x98: {  	s18 =	sld [smem:$0x3FDB];
	_ =	sdelay $0x1  }
0x99: {  	s19 =	simm.s32 $_scs_section_size  }
0x9a: {  	s4 =	simm.s32 $_size__tile_overlayer_lowered;
	s5 =	simm.s32 $_tile_overlayer_lowered  }
0x9b: {  	s22 =	simm.s32 $0x1BFF;
	s21 =	sshll.u32 s5, $0x1;
	s2 =	sadd.s32 s19, s18  }
0x9c: {  	s6 =	simm.s32 $0x0;
	s20 =	sshll.u32 s4, $0x1;
	s4 =	sadd.s32 s21, s2  }
0x9d: {  	[timem:s6], [sflag:s22] =	dma.local [hbm:s4], s20  }
0x9e: {  	_ =	swait.ge [sflag:s22], s20  }
0x9f: {  	s3 =	ssub.s32 $0x0, s20;
	[sflag:s22] =	ssyncset.done $0x0  }
0xa0: {  	[sflag:s22] =	ssyncadd.s32 s3;
	_ =	sdelay $0x1  }
0xa1: {  	s23 =	simm.s32 $0x1B8B  }
0xa2: {  	_ =	swait.ge [sflag:s23], $0x1  }
0xa3: {  	[sflag:s23] =	ssyncset.done $0x0  }
0xa4: {  	s25 =	simm.s32 $0x1B8E;
	s24 =	sld [smem:$0x3FFE];
	[sflag:s23] =	ssyncadd.s32 $0xFFFFFFFF  }
0xa5: {  	s26 =	simm.s32 $execute0_lowered;
	[smem:$0x3FD2] =	sst s25  }
0xa6: {  	s4 =	sshll.u32 s26, $0x1;
	_ =	strace $0x80000046;
	[dreg:$0x1] =	wrdreg $0xFFFFFFFF  }
0xa7: {  	s28 =	simm.s32 $_size_execute0_lowered;
	s2 =	sadd.s32 s2, s4;
	[dreg:$0x0] =	wrdreg $0x0  }
0xa8: {  	s4 =	sshll.u32 s28, $0x1;
	[dreg:$0x2] =	wrdreg s2  }
0xa9: {  	[dreg:$0x3] =	wrdreg s4  }
0xaa: {  	[dreg:$0x4] =	wrdreg $0xC0  }
0xab: {  	_ =	task [dreg:s6], $0x5FFFF  }
0xac: {  	[dreg:$0x1] =	wrdreg $0xFFFFFFFF  }
0xad: {  	[dreg:$0x0] =	wrdreg $0x60  }
0xae: {  	[dreg:$0x2] =	wrdreg s24  }
0xaf: {  	[dreg:$0x3] =	wrdreg $0xEB400  }
0xb0: {  	[dreg:$0x4] =	wrdreg $0x13B400  }
0xb1: {  	[dreg:$0x5] =	wrdreg $0x9  }
0xb2: {  	_ =	task.clear_ibuf [dreg:s6], $0x6FFFF;
	_ =	strace $0x90000046  }
0xb3: {  	s29 =	simm.s32 $0x9;
	_ =	strace $0x80000048  }
0xb4: {  	_ =	swait.ge [sflag:s29], $0x1  }
0xb5: {  	[sflag:s29] =	ssyncadd.s32 $0xFFFFFFFF  }
0xb6: {  	_ =	strace $0x90000048  }
0xb7: {  	_ =	sfence  }
0xb8: {  	s30 =	sld [smem:$0x0];
	_ =	sdelay $0x2  }
0xb9: {  	s31 =	sshll.u32 s1, $0xD;
	s1 =	sshrl.u32 s1, $0x2  }
0xba: {  	s3 =	sand.u32 $0x4000, s31;
	s1 =	sadd.s32 s1, s30  }
0xbb: {  	s0 =	sor.u32 s3, s0;
	s1 =	sshll.u32 s1, $0x11  }
0xbc: {  	s0 =	sor.u32 s1, s0  }
0xbd: {  	s0 =	sadd.s32 $0x8F2B, s0  }
0xbe: {  	[sflag:s0] =	ssyncadd.remote.s32 $0x1  }
0xbf: {  	_ =	sfence.sel $0xFFFF  }
0xc0: {  	[dreg:$0x0] =	wrdreg $0xFFFFFFFF;
	(pc) =	sbr.abs _section_cstart, $3  }
0xc1: {  	[dreg:$0x1] =	wrdreg $0xFFFFFFFF  }
0xc2: {  	_ =	task.clear_ibuf [dreg:s6], $0x2FFFF;
	_ =	strace $0x9FFFFFFF  }
0xc3: {  	(tm) =	ssettm $0x7FFFFFFF  }
tec
execute0_lowered:
.L_overlay_start_1:
0x0: {  	(tag) =	ssettag $0x1  }
0x1: {  	s0 =	rddreg [dreg:$0x0]  }
0x2: {  	s1 =	rddreg [dreg:$0x1]  }
0x3: {  	s13 =	stileid.u32;
	s4 =	srdreg.scid  }
0x4: {  	s3 =	rddreg [dreg:$0x2];
	s5 =	simm.s32 $0x0;
	s2 =	smul.u32 $0x9C4, s13  }
0x5: {  	s28 =	simm.s32 $0x9C40;
	s29 =	simm.s32 $0xA640;
	s7 =	smul.u32 $0xA000, s13  }
0x6: {  	s31 =	simm.s32 $0xB040;
	s30 =	simm.s32 $0xC440;
	s9 =	smul.u32 $0x2800, s13  }
0x7: {  	s4 =	sand.u32 $0x1, s4;
	[smem:$0x7FF] =	sst s5;
	s25 =	smul.u32 $0x280, s13  }
0x8: {  	s5 =	sadd.s32 $0x20800, s0;
	s6 =	sadd.s32 $0x16A00, s0;
	s8 =	smul.u32 $0xA0000, s4  }
0x9: {  	_ =	strace $0x80000047;
	s10 =	smul.u32 $0x28000, s4;
	s11 =	ssub.s32 $0x2, s4  }
0xa: {  	p0 =	seq.s32 s4, $0x1;
	s4 =	simm.s32 $0x6;
	s2 =	sadd.s32 s2, s0  }
0xb: {  	s12 =	sshrl.u32 s11, $0x1;
	s20 =	sadd.s32 s9, s3;
	s13 =	sadd.s32 $0x100, s25  }
0xc: {  	s16 =	sadd.s32 $0x180, s25;
	s18 =	sadd.s32 $0x200, s25;
	s8 =	sadd.s32 s7, s8  }
0xd: {  	s10 =	sadd.s32 s9, s10;
	s26 =	sadd.s32 $0xCC00, s2;
	s2 =	sadd.s32 $0x2E00, s2  }
0xe: {  	s7 =	sshrl.u32 s7, $0x1;
	s9 =	sadd.s32 $0x80, s25;
	s14 =	sshll.u32 s13, $0x5  }
0xf: {  	s15 =	sshll.u32 s13, $0x4;
	s17 =	sshll.u32 s16, $0x5;
	s21 =	sshll.u32 s16, $0x4  }
0x10: {  	s22 =	sshll.u32 s18, $0x5;
	s24 =	sshll.u32 s18, $0x4;
	[dreg:$0x7] =	wrdreg s20  }
0x11: {  	s13 =	simm.s32 $0x5;
	s16 =	simm.s32 $0xDE40;
	[dreg:$0x4] =	wrdreg s26  }
0x12: {  	s8 =	sshrl.u32 s8, $0x4;
	s10 =	sshrl.u32 s10, $0x3;
	[dreg:$0x5] =	wrdreg s2  }
0x13: {  	s19 =	sadd.s32 s7, s1;
	s2 =	sshll.u32 s9, $0x4;
	s23 =	sadd.s32 s22, s1  }
0x14: {  	s22 =	simm.s32 $0xB;
	s8 =	sadd.s32 s8, s0;
	s0 =	sadd.s32 s10, s0  }
0x15: {  	s10 =	ssub.s32 s11, s12;
	s12 =	sshll.u32 s9, $0x5;
	[dreg:$0xe] =	wrdreg s23  }
0x16: {  	s2 =	sadd.s32 s2, s3;
	s23 =	simm.s32 $0xBA40;
	[dreg:$0x6] =	wrdreg s19  }
0x17: {  	s11 =	simm.s32 $0x4;
	s7 =	sadd.s32 s12, s1;
	[dreg:$0x9] =	wrdreg s2  }
0x18: {  	s2 =	sadd.s32 s14, s1;
	s25 =	sadd.s32 $0x34600, s8;
	[dreg:$0x8] =	wrdreg s7  }
0x19: {  	s0 =	sadd.s32 $0x2A600, s0;
	s26 =	smax.u32 s10, $0x1;
	[dreg:$0xa] =	wrdreg s2  }
0x1a: {  	s8 =	simm.s32 $0x7;
	s12 =	simm.s32 $0x8;
	[dreg:$0x10] =	wrdreg s25  }
0x1b: {  	s14 =	simm.s32 $0x9;
	s2 =	sadd.s32 s15, s3;
	[dreg:$0x11] =	wrdreg s0  }
.Ltmp0:
0x1c: {  	[dreg:$0x12] =	wrdreg s26;
	s26 =	simm.s32 $0x50;
	(pc) =	sbr.rel .LBB2_1-.Ltmp0, $4  }
0x1d: {  	s0 =	simm.s32 $0x2;
	[dreg:$0xb] =	wrdreg s2;
	s2 =	sadd.s32 s17, s1  }
0x1e: {  	s7 =	simm.s32 $0x3;
	[dreg:$0xc] =	wrdreg s2;
	s2 =	sadd.s32 s21, s3  }
0x1f: {  	s15 =	simm.s32 $0xA;
	[dreg:$0xd] =	wrdreg s2;
	s2 =	sadd.s32 s24, s3  }
0x20: {  	v0 =	vimm.bf16 $0.0e+00;
	v1 =	vimm.f32 $0.0e+00;
	v2 =	vimm.f32 $1.000000000e+00;
	s17 =	simm.s32 $0x0;
	[dreg:$0xf] =	wrdreg s2;
	s2 =	simm.s32 $0x1  }
.LBB2_22:
0x21: {  	_ =	swait.ge [sflag:s15], $0xA00  }
0x22: {  	[sflag:s15] =	ssyncset.done $0x0  }
0x23: {  	[sflag:s15] =	ssyncadd.s32 $0xFFFFF600  }
0x24: {  	s9 =	stileid.u32;
	[bflag:$0x0] =	sbarrier.arrive $0xFFFF  }
0x25: {  	s9 =	sshll.u32 s9, $0x6;
	s19 =	rddreg [dreg:$0x6]  }
0x26: {  	s9 =	sor.u32 $0x1C0B, s9;
	s18 =	rddreg [dreg:$0x10];
	s10 =	sshrl.u32 s19, $0x3  }
0x27: {  	[hbm:s18], [sflag:s9] =	dma.local [spmem:s10], $0xA00  }
0x28: {  	_ =	swait.ge [sflag:s22], $0xA00  }
0x29: {  	[sflag:s22] =	ssyncset.done $0x0;
	s20 =	rddreg [dreg:$0x7]  }
0x2a: {  	s24 =	rddreg [dreg:$0x11];
	[sflag:s22] =	ssyncadd.s32 $0xFFFFF600;
	s21 =	sshrl.u32 s20, $0x3  }
0x2b: {  	[hbm:s24], [sflag:s9] =	dma.local [spmem:s21], $0x500  }
0x2c: {  	_ =	swait.ge [sflag:s22], $0x500  }
0x2d: {  	s17 =	sadd.s32 $0x1, s17;
	s25 =	rddreg [dreg:$0x12]  }
0x2e: {  	p1 =	sne.s32 s17, s25  }
.Ltmp1:
0x2f: {  	_ = 	snop;
	(pc) =	sbr.rel @!p1 .LBB2_23-.Ltmp1, $3  }
0x30: {  	_ =	sdelay $0x1  }
0x31: {  	[sflag:s22] =	ssyncset.done $0x0  }
0x32: {  	[sflag:s22] =	ssyncadd.s32 $0xFFFFFB00  }
.LBB2_1:
0x33: {  	s9 =	simm.s32 $0x0;
	s10 =	rddreg [dreg:$0x4]  }
0x34: {  	[tilespmem:s9], [sflag:$0xB] =	stream.linear.gather [hbm4b:s10+s9], $0x4E20, $0x38;
	[tilespmem:$0x16340] =	vst v63  }
0x35: {  	_ =	swait.ge [sflag:s22], $0x4E20  }
0x36: {  	[sflag:s22] =	ssyncset.done $0x0  }
0x37: {  	s18 =	simm.s32 $0x4E20;
	s25 =	rddreg [dreg:$0x5];
	[sflag:s22] =	ssyncadd.s32 $0xFFFFB1E0  }
0x38: {  	[tilespmem:s18], [sflag:$0xB] =	stream.linear.gather [hbm4b:s25+s9], $0x4E20, $0x38;
	[tilespmem:$0x16340] =	vst v63  }
0x39: {  	_ =	swait.ge [sflag:s22], $0x4E20  }
0x3a: {  	[sflag:s22] =	ssyncset.done $0x0  }
0x3b: {  	s10 =	simm.s32 $0x0;
	s9 =	simm.s32 $0xCE50;
	[sflag:s22] =	ssyncadd.s32 $0xFFFFB1E0  }
.LBB2_2:
0x3c: {  	p1 =	sne.s32 s10, $0x1FC0  }
.Ltmp2:
0x3d: {  	_ = 	snop;
	(pc) =	sbr.rel @p1 .LBB2_2-.Ltmp2, $4  }
0x3e: {  	_ = 	snop  }
0x3f: {  	[tilespmem:s9+$0xFFFFFFF0] =	vst v0  }
0x40: {  	[tilespmem:s9+$0x0] =	vst v0;
	s18 =	sshra.s32 s10, $0x2  }
0x41: {  	s9 =	sadd.s32 $0x20, s9;
	s10 =	sadd.s32 $0x40, s10;
	[tilespmem:s18+$0xE340] =	vst v1  }
0x42: {  	s9 =	simm.s32 $0x40;
	s10 =	simm.s32 $0x0  }
.LBB2_4:
0x43: {  	p1 =	sne.s32 s9, $0x13C0;
	[tilespmem:s10+$0xDE40] =	vst v2;
	s10 =	smov.u32 s9;
	s9 =	sadd.s32 $0x40, s9  }
.Ltmp3:
0x44: {  	(pc) =	sbr.rel @p1 .LBB2_4-.Ltmp3, $2  }
0x45: {  	_ =	sdelay $0x2  }
0x46: {  	s10 =	sshra.s32 s10, $0x2  }
0x47: {  	[tilespmem:s10+$0xDE40] =	vst v2;
	s10 =	simm.s32 $0xCE40  }
0x48: {  	[spmem:s19] =	stream.linear.scatter [tilespmem:s10], [sflag:$0xB], $0x1000, $0x38;
	[tilespmem:$0x16340] =	vst v63  }
0x49: {  	_ =	swait.ge [sflag:s22], $0x1000  }
0x4a: {  	[sflag:s22] =	ssyncset.done $0x0  }
0x4b: {  	s18 =	simm.s32 $0xE340;
	[sflag:s22] =	ssyncadd.s32 $0xFFFFF000  }
0x4c: {  	[spmem:s20] =	stream.linear.scatter [tilespmem:s18], [sflag:$0xB], $0x800, $0x38;
	[tilespmem:$0x16340] =	vst v63  }
0x4d: {  	_ =	swait.ge [sflag:s22], $0x800  }
0x4e: {  	[sflag:s22] =	ssyncset.done $0x0  }
0x4f: {  	s9 =	rddreg [dreg:$0x8];
	[sflag:s22] =	ssyncadd.s32 $0xFFFFF800  }
0x50: {  	[spmem:s9] =	stream.linear.scatter [tilespmem:s10], [sflag:$0xB], $0x1000, $0x38;
	[tilespmem:$0x16340] =	vst v63  }
0x51: {  	_ =	swait.ge [sflag:s22], $0x1000  }
0x52: {  	[sflag:s22] =	ssyncset.done $0x0  }
0x53: {  	s24 =	rddreg [dreg:$0x9];
	[sflag:s22] =	ssyncadd.s32 $0xFFFFF000  }
0x54: {  	[spmem:s24] =	stream.linear.scatter [tilespmem:s18], [sflag:$0xB], $0x800, $0x38;
	[tilespmem:$0x16340] =	vst v63  }
0x55: {  	_ =	swait.ge [sflag:s22], $0x800  }
0x56: {  	[sflag:s22] =	ssyncset.done $0x0  }
0x57: {  	s25 =	rddreg [dreg:$0xa];
	[sflag:s22] =	ssyncadd.s32 $0xFFFFF800  }
0x58: {  	[spmem:s25] =	stream.linear.scatter [tilespmem:s10], [sflag:$0xB], $0x1000, $0x38;
	[tilespmem:$0x16340] =	vst v63  }
0x59: {  	_ =	swait.ge [sflag:s22], $0x1000  }
0x5a: {  	[sflag:s22] =	ssyncset.done $0x0  }
0x5b: {  	s19 =	rddreg [dreg:$0xb];
	[sflag:s22] =	ssyncadd.s32 $0xFFFFF000  }
0x5c: {  	[spmem:s19] =	stream.linear.scatter [tilespmem:s18], [sflag:$0xB], $0x800, $0x38;
	[tilespmem:$0x16340] =	vst v63  }
0x5d: {  	_ =	swait.ge [sflag:s22], $0x800  }
0x5e: {  	[sflag:s22] =	ssyncset.done $0x0  }
0x5f: {  	s20 =	rddreg [dreg:$0xc];
	[sflag:s22] =	ssyncadd.s32 $0xFFFFF800  }
0x60: {  	[spmem:s20] =	stream.linear.scatter [tilespmem:s10], [sflag:$0xB], $0x1000, $0x38;
	[tilespmem:$0x16340] =	vst v63  }
0x61: {  	_ =	swait.ge [sflag:s22], $0x1000  }
0x62: {  	[sflag:s22] =	ssyncset.done $0x0  }
0x63: {  	s21 =	rddreg [dreg:$0xd];
	[sflag:s22] =	ssyncadd.s32 $0xFFFFF000  }
0x64: {  	[spmem:s21] =	stream.linear.scatter [tilespmem:s18], [sflag:$0xB], $0x800, $0x38;
	[tilespmem:$0x16340] =	vst v63  }
0x65: {  	_ =	swait.ge [sflag:s22], $0x800  }
0x66: {  	[sflag:s22] =	ssyncset.done $0x0  }
0x67: {  	s24 =	rddreg [dreg:$0xe];
	[sflag:s22] =	ssyncadd.s32 $0xFFFFF800  }
0x68: {  	[spmem:s24] =	stream.linear.scatter [tilespmem:s10], [sflag:$0xB], $0x1000, $0x38;
	[tilespmem:$0x16340] =	vst v63  }
0x69: {  	_ =	swait.ge [sflag:s22], $0x1000  }
0x6a: {  	[sflag:s22] =	ssyncset.done $0x0  }
0x6b: {  	s25 =	rddreg [dreg:$0xf];
	[sflag:s22] =	ssyncadd.s32 $0xFFFFF000  }
0x6c: {  	[spmem:s25] =	stream.linear.scatter [tilespmem:s18], [sflag:$0xB], $0x800, $0x38;
	[tilespmem:$0x16340] =	vst v63  }
.Ltmp4:
0x6d: {  	_ =	swait.ge [sflag:s22], $0x800;
	(pc) =	sbr.rel @!p0 .LBB2_6-.Ltmp4, $4  }
0x6e: {  	[sflag:s22] =	ssyncset.done $0x0  }
0x6f: {  	[sflag:s22] =	ssyncadd.s32 $0xFFFFF800  }
0x70: {  	[bflag:$0x0] =	sbarrier.arrive $0xFFFF  }
0x71: {  	s18 =	simm.s32 $0x0  }
0x72: {  	[tilespmem:s28], [sflag:$0x1] =	stream.indirect.gather [hbm4b:s6+s26], $0x20, s18, s26, $0xb8;
	[tilespmem:$0x16340] =	vst v63  }
0x73: {  	_ = 	snop  }
0x74: {  	[tilespmem:s29], [sflag:$0x2] =	stream.indirect.gather [hbm4b:s6+s26], $0x20, s26, s26, $0xb8;
	[tilespmem:$0x16340] =	vst v63  }
0x75: {  	s9 =	simm.s32 $0xA0  }
0x76: {  	[tilespmem:s31], [sflag:$0x3] =	stream.indirect.gather [hbm4b:s6+s26], $0x20, s9, s26, $0xb8;
	[tilespmem:$0x16340] =	vst v63  }
0x77: {  	s24 =	simm.s32 $0xF0  }
0x78: {  	[tilespmem:s23], [sflag:$0x4] =	stream.indirect.gather [hbm4b:s6+s26], $0x20, s24, s26, $0xb8;
	[tilespmem:$0x16340] =	vst v63  }
0x79: {  	s25 =	simm.s32 $0x140;
	s19 =	simm.s32 $0xFFFFFF86  }
0x7a: {  	[tilespmem:s30], [sflag:$0x5] =	stream.indirect.gather [hbm4b:s6+s26], $0x20, s25, s26, $0xb8;
	[tilespmem:$0x16340] =	vst v63  }
.LBB2_25:
0x7b: {  	_ =	swait.ge [sflag:s2], $0xA00  }
0x7c: {  	s20 =	sshra.s32 s18, $0x2;
	s10 =	sadd.s32 $0xFFFFFFFD, s19;
	[sflag:s2] =	ssyncset.done $0x0  }
0x7d: {  	s9 =	sadd.s32 $0x4E20, s20;
	p2 =	sgt.u32 s10, $0x7C;
	[sflag:s2] =	ssyncadd.s32 $0xFFFFF600  }
0x7e: {  	[spmem:s1] =	stream.indirect.scatter.add.bf16 [tilespmem:s28], [sflag:$0x6], $0x20, s9, s26, $0xb8;
	[tilespmem:$0x16340] =	vst v63  }
0x7f: {  	s10 =	simm.s32 @!p2 $0x50;
	s21 =	simm.s32 @!p2 $0xDE40  }
0x80: {  	[spmem:s3] =	stream.indirect.scatter.add.f32 @!p2 [tilespmem:s21], [sflag:$0xB], $0x10, s9, s10, $0xb8;
	[tilespmem:$0x16340] =	vst v63  }
0x81: {  	s9 =	simm.s32 @!p2 $0xB  }
0x82: {  	_ =	swait.ge @!p2 [sflag:s9], $0x500  }
0x83: {  	p1 =	seq.s32 s18, $0x0;
	[sflag:s9] =	ssyncset.done @!p2 $0x0  }
0x84: {  	[sflag:s9] =	ssyncadd.s32 @!p2 $0xFFFFFB00;
	s9 =	simm.s32 @!p1 $0xA  }
0x85: {  	_ =	swait.ge @!p1 [sflag:s9], $0xA00  }
0x86: {  	[sflag:s9] =	ssyncset.done @!p1 $0x0  }
0x87: {  	[sflag:s9] =	ssyncadd.s32 @!p1 $0xFFFFF600;
	s9 =	sshra.s32 @!p1 s18, $0x2  }
0x88: {  	s10 =	simm.s32 @!p1 $0x50;
	s21 =	simm.s32 @!p1 $0xC440;
	s9 =	sadd.s32 @!p1 $0x140, s9  }
0x89: {  	[tilespmem:s21], [sflag:$0x5] =	stream.indirect.gather @!p1 [hbm4b:s6+s10], $0x20, s9, s10, $0xb8;
	[tilespmem:$0x16340] =	vst v63  }
0x8a: {  	_ =	swait.ge [sflag:s0], $0xA00  }
0x8b: {  	s24 =	sadd.s32 $0xFFFFFFFE, s19;
	[sflag:s0] =	ssyncset.done $0x0  }
0x8c: {  	p2 =	sgt.u32 s24, $0x7C;
	s9 =	sadd.s32 $0x4E70, s20;
	[sflag:s0] =	ssyncadd.s32 $0xFFFFF600  }
0x8d: {  	[spmem:s1] =	stream.indirect.scatter.add.bf16 [tilespmem:s29], [sflag:$0x7], $0x20, s9, s26, $0xb8;
	[tilespmem:$0x16340] =	vst v63  }
0x8e: {  	s10 =	simm.s32 @!p2 $0x50;
	s21 =	simm.s32 @!p2 $0xDE40  }
0x8f: {  	[spmem:s3] =	stream.indirect.scatter.add.f32 @!p2 [tilespmem:s21], [sflag:$0xB], $0x10, s9, s10, $0xb8;
	[tilespmem:$0x16340] =	vst v63  }
0x90: {  	s9 =	simm.s32 @!p2 $0xB  }
0x91: {  	_ =	swait.ge @!p2 [sflag:s9], $0x500  }
0x92: {  	[sflag:s9] =	ssyncset.done @!p2 $0x0  }
0x93: {  	[sflag:s9] =	ssyncadd.s32 @!p2 $0xFFFFFB00  }
0x94: {  	p2 =	seq.s32 s18, $0x13240;
	_ =	swait.ge [sflag:s4], $0xA00  }
0x95: {  	s9 =	sshra.s32 @!p2 s18, $0x2;
	s21 =	simm.s32 @!p2 $0x50;
	[sflag:s4] =	ssyncset.done $0x0  }
0x96: {  	s24 =	simm.s32 @!p2 $0x9C40;
	s10 =	sadd.s32 @!p2 $0x190, s9;
	[sflag:s4] =	ssyncadd.s32 $0xFFFFF600  }
0x97: {  	[tilespmem:s24], [sflag:$0x1] =	stream.indirect.gather @!p2 [hbm4b:s6+s21], $0x20, s10, s21, $0xb8;
	[tilespmem:$0x16340] =	vst v63  }
0x98: {  	_ =	swait.ge [sflag:s7], $0xA00  }
0x99: {  	s25 =	sadd.s32 $0xFFFFFFFF, s19;
	[sflag:s7] =	ssyncset.done $0x0  }
0x9a: {  	p3 =	sgt.u32 s25, $0x7C;
	s10 =	sadd.s32 $0x4EC0, s20;
	[sflag:s7] =	ssyncadd.s32 $0xFFFFF600  }
0x9b: {  	[spmem:s1] =	stream.indirect.scatter.add.bf16 [tilespmem:s31], [sflag:$0x8], $0x20, s10, s26, $0xb8;
	[tilespmem:$0x16340] =	vst v63  }
0x9c: {  	s25 =	simm.s32 @!p3 $0xDE40;
	s24 =	simm.s32 @!p3 $0x50  }
0x9d: {  	[spmem:s3] =	stream.indirect.scatter.add.f32 @!p3 [tilespmem:s25], [sflag:$0xB], $0x10, s10, s24, $0xb8;
	[tilespmem:$0x16340] =	vst v63  }
0x9e: {  	s10 =	simm.s32 @!p3 $0xB  }
0x9f: {  	_ =	swait.ge @!p3 [sflag:s10], $0x500  }
0xa0: {  	[sflag:s10] =	ssyncset.done @!p3 $0x0  }
0xa1: {  	[sflag:s10] =	ssyncadd.s32 @!p3 $0xFFFFFB00  }
0xa2: {  	_ =	swait.ge [sflag:s8], $0xA00  }
0xa3: {  	[sflag:s8] =	ssyncset.done $0x0  }
0xa4: {  	s24 =	simm.s32 @!p2 $0xA640;
	s10 =	sadd.s32 @!p2 $0x1E0, s9;
	[sflag:s8] =	ssyncadd.s32 $0xFFFFF600  }
0xa5: {  	[tilespmem:s24], [sflag:$0x2] =	stream.indirect.gather @!p2 [hbm4b:s6+s21], $0x20, s10, s21, $0xb8;
	[tilespmem:$0x16340] =	vst v63  }
0xa6: {  	_ =	swait.ge [sflag:s11], $0xA00  }
0xa7: {  	[sflag:s11] =	ssyncset.done $0x0  }
0xa8: {  	p3 =	sgt.u32 s19, $0x7C;
	s10 =	sadd.s32 $0x4F10, s20;
	[sflag:s11] =	ssyncadd.s32 $0xFFFFF600  }
0xa9: {  	[spmem:s1] =	stream.indirect.scatter.add.bf16 [tilespmem:s23], [sflag:$0x9], $0x20, s10, s26, $0xb8;
	[tilespmem:$0x16340] =	vst v63  }
0xaa: {  	s25 =	simm.s32 @!p3 $0xDE40;
	s24 =	simm.s32 @!p3 $0x50  }
0xab: {  	[spmem:s3] =	stream.indirect.scatter.add.f32 @!p3 [tilespmem:s25], [sflag:$0xB], $0x10, s10, s24, $0xb8;
	[tilespmem:$0x16340] =	vst v63  }
0xac: {  	s10 =	simm.s32 @!p3 $0xB  }
0xad: {  	_ =	swait.ge @!p3 [sflag:s10], $0x500  }
0xae: {  	[sflag:s10] =	ssyncset.done @!p3 $0x0  }
0xaf: {  	[sflag:s10] =	ssyncadd.s32 @!p3 $0xFFFFFB00  }
0xb0: {  	_ =	swait.ge [sflag:s12], $0xA00  }
0xb1: {  	[sflag:s12] =	ssyncset.done $0x0  }
0xb2: {  	s9 =	sadd.s32 @!p2 $0x230, s9;
	s10 =	simm.s32 @!p2 $0xB040;
	[sflag:s12] =	ssyncadd.s32 $0xFFFFF600  }
0xb3: {  	[tilespmem:s10], [sflag:$0x3] =	stream.indirect.gather @!p2 [hbm4b:s6+s21], $0x20, s9, s21, $0xb8;
	[tilespmem:$0x16340] =	vst v63  }
0xb4: {  	s9 =	sadd.s32 @!p1 $0x500, s18  }
0xb5: {  	s9 =	simm.s32 @p1 $0x500;
	_ =	swait.ge [sflag:s13], $0xA00  }
0xb6: {  	s25 =	sadd.s32 $0x1, s19;
	[sflag:s13] =	ssyncset.done $0x0;
	s9 =	sshra.s32 s9, $0x2  }
0xb7: {  	p1 =	sgt.u32 s25, $0x7C;
	[sflag:s13] =	ssyncadd.s32 $0xFFFFF600;
	s9 =	sadd.s32 $0x4E20, s9  }
0xb8: {  	[spmem:s1] =	stream.indirect.scatter.add.bf16 [tilespmem:s30], [sflag:$0xA], $0x20, s9, s26, $0xb8;
	[tilespmem:$0x16340] =	vst v63  }
0xb9: {  	s10 =	simm.s32 @!p1 $0x50;
	s21 =	simm.s32 @!p1 $0xDE40  }
0xba: {  	[spmem:s3] =	stream.indirect.scatter.add.f32 @!p1 [tilespmem:s21], [sflag:$0xB], $0x10, s9, s10, $0xb8;
	[tilespmem:$0x16340] =	vst v63  }
0xbb: {  	s9 =	simm.s32 @!p1 $0xB  }
0xbc: {  	_ =	swait.ge @!p1 [sflag:s9], $0x500  }
.Ltmp5:
0xbd: {  	[sflag:s9] =	ssyncset.done @!p1 $0x0;
	(pc) =	sbr.rel @p2 .LBB2_22-.Ltmp5, $4  }
0xbe: {  	[sflag:s9] =	ssyncadd.s32 @!p1 $0xFFFFFB00  }
0xbf: {  	_ =	swait.ge [sflag:s14], $0xA00  }
0xc0: {  	[sflag:s14] =	ssyncset.done $0x0  }
0xc1: {  	[sflag:s14] =	ssyncadd.s32 $0xFFFFF600  }
.Ltmp6:
0xc2: {  	(pc) =	sbr.rel .LBB2_25-.Ltmp6, $3  }
0xc3: {  	_ =	sdelay $0x1  }
0xc4: {  	s9 =	sadd.s32 $0x280, s20;
	s18 =	sadd.s32 $0x640, s18;
	s19 =	sadd.s32 $0x5, s19  }
0xc5: {  	[tilespmem:s23], [sflag:$0x4] =	stream.indirect.gather [hbm4b:s6+s26], $0x20, s9, s26, $0xb8;
	[tilespmem:$0x16340] =	vst v63  }
.LBB2_6:
0xc6: {  	[tilespmem:s28], [sflag:$0x1] =	stream.indirect.gather [hbm4b:s5+s26], $0x20, s18, s26, $0xb8;
	[tilespmem:$0x16340] =	vst v63  }
0xc7: {  	_ = 	snop  }
0xc8: {  	[tilespmem:s29], [sflag:$0x2] =	stream.indirect.gather [hbm4b:s5+s26], $0x20, s26, s26, $0xb8;
	[tilespmem:$0x16340] =	vst v63  }
0xc9: {  	s9 =	simm.s32 $0xA0  }
0xca: {  	[tilespmem:s31], [sflag:$0x3] =	stream.indirect.gather [hbm4b:s5+s26], $0x20, s9, s26, $0xb8;
	[tilespmem:$0x16340] =	vst v63  }
.Ltmp7:
0xcb: {  	_ = 	snop;
	(pc) =	sbr.rel .LBB2_7-.Ltmp7, $4  }
0xcc: {  	s24 =	simm.s32 $0xF0  }
0xcd: {  	[tilespmem:s23], [sflag:$0x4] =	stream.indirect.gather [hbm4b:s5+s26], $0x20, s24, s26, $0xb8;
	[tilespmem:$0x16340] =	vst v63  }
0xce: {  	s25 =	simm.s32 $0x140;
	s19 =	simm.s32 $0x0  }
0xcf: {  	[tilespmem:s30], [sflag:$0x5] =	stream.indirect.gather [hbm4b:s5+s26], $0x20, s25, s26, $0xb8;
	[tilespmem:$0x16340] =	vst v63  }
.LBB2_19:
0xd0: {  	[spmem:s3] =	stream.indirect.scatter.add.f32 [tilespmem:s16], [sflag:$0xB], $0x10, s9, s26, $0xb8;
	[tilespmem:$0x16340] =	vst v63  }
0xd1: {  	_ =	swait.ge [sflag:s22], $0x500  }
0xd2: {  	[sflag:s22] =	ssyncset.done $0x0  }
0xd3: {  	[sflag:s22] =	ssyncadd.s32 $0xFFFFFB00  }
0xd4: {  	_ =	swait.ge [sflag:s14], $0xA00  }
0xd5: {  	[sflag:s14] =	ssyncset.done $0x0  }
0xd6: {  	[sflag:s14] =	ssyncadd.s32 $0xFFFFF600  }
.LBB2_21:
0xd7: {  	s18 =	sadd.s32 $0x640, s18  }
0xd8: {  	p1 =	seq.s32 s18, $0x13880  }
.Ltmp8:
0xd9: {  	_ = 	snop;
	(pc) =	sbr.rel @p1 .LBB2_22-.Ltmp8, $3  }
0xda: {  	_ =	sdelay $0x1  }
0xdb: {  	s9 =	sadd.s32 $0x280, s20;
	s19 =	sadd.s32 $0x1, s19  }
0xdc: {  	[tilespmem:s23], [sflag:$0x4] =	stream.indirect.gather [hbm4b:s5+s26], $0x20, s9, s26, $0xb8;
	[tilespmem:$0x16340] =	vst v63  }
.LBB2_7:
0xdd: {  	_ =	swait.ge [sflag:s2], $0xA00  }
0xde: {  	s20 =	sshra.s32 s18, $0x2;
	p1 =	sgt.u32 s19, $0x18;
	[sflag:s2] =	ssyncset.done $0x0  }
0xdf: {  	s10 =	sadd.s32 $0x4E20, s20;
	p2 =	seq.s32 @!p1 s18, $0x0;
	[sflag:s2] =	ssyncadd.s32 $0xFFFFF600  }
0xe0: {  	[spmem:s1] =	stream.indirect.scatter.add.bf16 [tilespmem:s28], [sflag:$0x6], $0x20, s10, s26, $0xb8;
	[tilespmem:$0x16340] =	vst v63  }
0xe1: {  	s9 =	simm.s32 @!p1 $0x50;
	s24 =	simm.s32 @!p1 $0xDE40;
	p2 =	por p1, !p2  }
0xe2: {  	[spmem:s3] =	stream.indirect.scatter.add.f32 @!p1 [tilespmem:s24], [sflag:$0xB], $0x10, s10, s9, $0xb8;
	[tilespmem:$0x16340] =	vst v63  }
.Ltmp9:
0xe3: {  	_ = 	snop;
	(pc) =	sbr.rel @!p2 .LBB2_8-.Ltmp9, $4  }
0xe4: {  	s10 =	simm.s32 @!p1 $0xB  }
0xe5: {  	_ =	swait.ge @!p1 [sflag:s10], $0x500  }
0xe6: {  	[sflag:s10] =	ssyncset.done @!p1 $0x0  }
0xe7: {  	[sflag:s10] =	ssyncadd.s32 @!p1 $0xFFFFFB00  }
.Ltmp10:
0xe8: {  	_ =	swait.ge [sflag:s15], $0xA00;
	(pc) =	sbr.rel .LBB2_10-.Ltmp10, $4  }
0xe9: {  	[sflag:s15] =	ssyncset.done $0x0  }
0xea: {  	s21 =	sadd.s32 $0x140, s20;
	[sflag:s15] =	ssyncadd.s32 $0xFFFFF600  }
0xeb: {  	[tilespmem:s30], [sflag:$0x5] =	stream.indirect.gather [hbm4b:s5+s26], $0x20, s21, s26, $0xb8;
	[tilespmem:$0x16340] =	vst v63  }
0xec: {  	s21 =	sadd.s32 $0x500, s18  }
.LBB2_8:
0xed: {  	s21 =	simm.s32 @!p1 $0x500  }
.LBB2_10:
0xee: {  	_ =	swait.ge [sflag:s0], $0xA00  }
0xef: {  	[sflag:s0] =	ssyncset.done $0x0  }
0xf0: {  	s25 =	sadd.s32 $0x4E70, s20;
	[sflag:s0] =	ssyncadd.s32 $0xFFFFF600  }
0xf1: {  	[spmem:s1] =	stream.indirect.scatter.add.bf16 [tilespmem:s29], [sflag:$0x7], $0x20, s25, s26, $0xb8;
	[tilespmem:$0x16340] =	vst v63  }
0xf2: {  	_ = 	snop  }
0xf3: {  	[spmem:s3] =	stream.indirect.scatter.add.f32 @!p1 [tilespmem:s24], [sflag:$0xB], $0x10, s25, s9, $0xb8;
	[tilespmem:$0x16340] =	vst v63  }
0xf4: {  	_ =	swait.ge @!p1 [sflag:s10], $0x500  }
0xf5: {  	[sflag:s10] =	ssyncset.done @!p1 $0x0  }
0xf6: {  	[sflag:s10] =	ssyncadd.s32 @!p1 $0xFFFFFB00  }
0xf7: {  	p2 =	seq.s32 s18, $0x13240;
	_ =	swait.ge [sflag:s4], $0xA00  }
0xf8: {  	s9 =	sshra.s32 @!p2 s18, $0x2;
	s24 =	simm.s32 @!p2 $0x9C40;
	[sflag:s4] =	ssyncset.done $0x0  }
0xf9: {  	s9 =	sadd.s32 @!p2 $0x190, s9;
	s10 =	simm.s32 @!p2 $0x50;
	[sflag:s4] =	ssyncadd.s32 $0xFFFFF600  }
0xfa: {  	[tilespmem:s24], [sflag:$0x1] =	stream.indirect.gather @!p2 [hbm4b:s5+s10], $0x20, s9, s10, $0xb8;
	[tilespmem:$0x16340] =	vst v63  }
.Ltmp11:
0xfb: {  	_ = 	snop;
	(pc) =	sbr.rel @p1 .LBB2_12-.Ltmp11, $4  }
0xfc: {  	_ =	swait.ge [sflag:s7], $0xA00  }
0xfd: {  	[sflag:s7] =	ssyncset.done $0x0  }
0xfe: {  	s9 =	sadd.s32 $0x4EC0, s20;
	[sflag:s7] =	ssyncadd.s32 $0xFFFFF600  }
0xff: {  	[spmem:s1] =	stream.indirect.scatter.add.bf16 [tilespmem:s31], [sflag:$0x8], $0x20, s9, s26, $0xb8;
	[tilespmem:$0x16340] =	vst v63  }
0x100: {  	[spmem:s3] =	stream.indirect.scatter.add.f32 [tilespmem:s16], [sflag:$0xB], $0x10, s9, s26, $0xb8;
	[tilespmem:$0x16340] =	vst v63  }
0x101: {  	_ =	swait.ge [sflag:s22], $0x500  }
.Ltmp12:
0x102: {  	[sflag:s22] =	ssyncset.done $0x0;
	(pc) =	sbr.rel .LBB2_13-.Ltmp12, $4  }
0x103: {  	[sflag:s22] =	ssyncadd.s32 $0xFFFFFB00  }
0x104: {  	_ =	swait.ge [sflag:s8], $0xA00  }
0x105: {  	[sflag:s8] =	ssyncset.done $0x0  }
0x106: {  	[sflag:s8] =	ssyncadd.s32 $0xFFFFF600  }
.LBB2_12:
.Ltmp13:
0x107: {  	(pc) =	sbr.rel @p2 .LBB2_14-.Ltmp13, $4  }
0x108: {  	_ = 	snop  }
0x109: {  	_ =	swait.ge [sflag:s8], $0xA00  }
0x10a: {  	[sflag:s8] =	ssyncset.done $0x0  }
0x10b: {  	[sflag:s8] =	ssyncadd.s32 $0xFFFFF600  }
.LBB2_13:
0x10c: {  	s9 =	sadd.s32 $0x1E0, s20  }
0x10d: {  	[tilespmem:s29], [sflag:$0x2] =	stream.indirect.gather [hbm4b:s5+s26], $0x20, s9, s26, $0xb8;
	[tilespmem:$0x16340] =	vst v63  }
.LBB2_14:
.Ltmp14:
0x10e: {  	(pc) =	sbr.rel @p1 .LBB2_16-.Ltmp14, $4  }
0x10f: {  	_ =	swait.ge [sflag:s11], $0xA00  }
0x110: {  	[sflag:s11] =	ssyncset.done $0x0  }
0x111: {  	s9 =	sadd.s32 $0x4F10, s20;
	[sflag:s11] =	ssyncadd.s32 $0xFFFFF600  }
0x112: {  	[spmem:s1] =	stream.indirect.scatter.add.bf16 [tilespmem:s23], [sflag:$0x9], $0x20, s9, s26, $0xb8;
	[tilespmem:$0x16340] =	vst v63  }
0x113: {  	[spmem:s3] =	stream.indirect.scatter.add.f32 [tilespmem:s16], [sflag:$0xB], $0x10, s9, s26, $0xb8;
	[tilespmem:$0x16340] =	vst v63  }
0x114: {  	_ =	swait.ge [sflag:s22], $0x500  }
.Ltmp15:
0x115: {  	[sflag:s22] =	ssyncset.done $0x0;
	(pc) =	sbr.rel .LBB2_17-.Ltmp15, $4  }
0x116: {  	[sflag:s22] =	ssyncadd.s32 $0xFFFFFB00  }
0x117: {  	_ =	swait.ge [sflag:s12], $0xA00  }
0x118: {  	[sflag:s12] =	ssyncset.done $0x0  }
0x119: {  	[sflag:s12] =	ssyncadd.s32 $0xFFFFF600  }
.LBB2_16:
.Ltmp16:
0x11a: {  	(pc) =	sbr.rel @p2 .LBB2_18-.Ltmp16, $4  }
0x11b: {  	_ = 	snop  }
0x11c: {  	_ =	swait.ge [sflag:s12], $0xA00  }
0x11d: {  	[sflag:s12] =	ssyncset.done $0x0  }
0x11e: {  	[sflag:s12] =	ssyncadd.s32 $0xFFFFF600  }
.LBB2_17:
0x11f: {  	s9 =	sadd.s32 $0x230, s20  }
0x120: {  	[tilespmem:s31], [sflag:$0x3] =	stream.indirect.gather [hbm4b:s5+s26], $0x20, s9, s26, $0xb8;
	[tilespmem:$0x16340] =	vst v63  }
.LBB2_18:
.Ltmp17:
0x121: {  	(pc) =	sbr.rel @!p1 .LBB2_19-.Ltmp17, $4  }
0x122: {  	_ =	swait.ge [sflag:s13], $0xA00  }
0x123: {  	s9 =	sshra.s32 s21, $0x2;
	[sflag:s13] =	ssyncset.done $0x0  }
0x124: {  	s9 =	sadd.s32 $0x4E20, s9;
	[sflag:s13] =	ssyncadd.s32 $0xFFFFF600  }
0x125: {  	[spmem:s1] =	stream.indirect.scatter.add.bf16 [tilespmem:s30], [sflag:$0xA], $0x20, s9, s26, $0xb8;
	[tilespmem:$0x16340] =	vst v63  }
.Ltmp18:
0x126: {  	(pc) =	sbr.rel @!p2 .LBB2_21-.Ltmp18, $4  }
.Ltmp19:
0x127: {  	(pc) =	sbr.rel @p2 .LBB2_22-.Ltmp19, $4  }
0x128: {  	_ =	swait.ge [sflag:s14], $0xA00  }
0x129: {  	[sflag:s14] =	ssyncset.done $0x0  }
0x12a: {  	[sflag:s14] =	ssyncadd.s32 $0xFFFFF600  }
0x12b: {  	_ = 	snop  }
.LBB2_23:
0x12c: {  	_ =	sfence.sel $0x180000  }
0x12d: {  	[bflag:$0x0] =	sbarrier.arrive $0xFFFF  }
0x12e: {  	_ =	strace $0x90000047  }
0x12f: {  	s0 =	stileid.u32;
	[bflag:$0x2] =	sbarrier.arrive $0xFFFF  }
0x130: {  	p0 =	sne.s32 s0, $0x0;
	s0 =	rddreg [dreg:$0x3]  }
0x131: {  	s0 =	sadd.s32 @!p0 $0x100000, s0  }
0x132: {  	[sflag:s0] =	ssyncadd.tile.s32 @!p0 $0x1;
	_ =	shalt  }
.Lfunc_end2:
_tile_overlayer_lowered:
.L_overlay_start_2:
0x133: {  	(tag) =	ssettag $0x2  }
0x134: {  	s0 =	rddreg [dreg:$0x0];
	s2 =	stileid.u32  }
0x135: {  	s1 =	rddreg [dreg:$0x1];
	p0 =	sne.s32 s2, $0x0  }
0x136: {  	s3 =	rddreg [dreg:$0x2];
	[bflag:$0x3] =	sbarrier.arrive $0xFFFF;
	s2 =	simm.s32 @!p0 $0x1C0B  }
0x137: {  	[timem:s3], [sflag:s2] =	dma.local @!p0 [hbm:s0], s1  }
0x138: {  	s0 =	simm.s32 @!p0 $0xB  }
0x139: {  	_ =	swait.ge @!p0 [sflag:s0], s1  }
0x13a: {  	s1 =	ssub.s32 @!p0 $0x0, s1;
	[sflag:s0] =	ssyncset.done @!p0 $0x0  }
0x13b: {  	[sflag:s0] =	ssyncadd.s32 @!p0 s1  }
0x13c: {  	[bflag:$0x3] =	sbarrier.arrive $0xFFFF  }
0x13d: {  	_ =	shalt  }

// kernel: kernel.9.cloned.1.call-start
scs
__scs_entry_jumppad:
0x0: {  	(pc) =	sbr.rel $0x88, $3  }
0x1: {  	(tag) =	ssettag $0x0;
	lr =	simm.s32 $0x1  }
0x2: {  	[smem:$0x3F8E] =	sst lr;
	_ =	strace $0xD0000000  }
0x3: {  	_ = 	snop  }
0x4: {  	_ = 	snop  }
0x5: {  	_ = 	snop  }
0x6: {  	_ = 	snop  }
0x7: {  	_ = 	snop  }
__scs_overlays_trampoline_lowered:
0x8: {  	[smem:$0x3F9D] =	sst s0  }
0x9: {  	[smem:$0x3F9E] =	sst s1  }
0xa: {  	[smem:$0x3F9F] =	sst s2  }
0xb: {  	[smem:$0x3FA0] =	sst s3  }
0xc: {  	[smem:$0x3FA1] =	sst s4  }
0xd: {  	[smem:$0x3FA2] =	sst s5  }
0xe: {  	[smem:$0x3FA3] =	sst s6  }
0xf: {  	[smem:$0x3FA4] =	sst s7  }
0x10: {  	[smem:$0x3FA5] =	sst s8  }
0x11: {  	[smem:$0x3FA6] =	sst s9;
	s0 =	simm.s32 @!p0 $0x0  }
0x12: {  	s1 =	sld [smem:$0x3F8C];
	s0 =	simm.s32 @p0 $0x1  }
0x13: {  	[smem:$0x3FA7] =	sst s0;
	s0 =	simm.s32 @!p1 $0x0  }
0x14: {  	s2 =	sld [smem:$0x3F8B];
	s0 =	simm.s32 @p1 $0x1  }
0x15: {  	[smem:$0x3FA8] =	sst s0;
	s0 =	simm.s32 @!p2 $0x0  }
0x16: {  	s3 =	sld [smem:$0x3FDB];
	s0 =	simm.s32 @p2 $0x1  }
0x17: {  	s4 =	simm.s32 $0x1BF5;
	[smem:$0x3FAA] =	sst s0  }
0x18: {  	s0 =	sld [smem:$0x3F8D];
	_ =	swait.ge [sflag:s4], $0x0  }
0x19: {  	s7 =	sld [smem:$0x3F8E]  }
0x1a: {  	s8 =	sadd.s32 $0xFFFFE003, lr  }
0x1b: {  	s9 =	sadd.s32 $0xFFFFFEF7, lr;
	s5 =	simm.s32 $0xFFFFFFFF;
	p2 =	slt.u32 s8, $0xFFFFF086  }
0x1c: {  	p1 =	slt.u32 s9, $0xF7A;
	s5 =	simm.s32 @!p2 $0x0  }
0x1d: {  	s5 =	simm.s32 @p1 $0x1;
	p0 =	seq.s32 s7, s2  }
0x1e: {  	s7 =	smul.u32 @!p0 $0xF7A, s2;
	p2 =	seq.s32 @!p0 s5, $0x0  }
0x1f: {  	s9 =	smul.u32 $0xF7A, s1;
	s8 =	simm.s32 @!p0 $0x1BF5;
	p2 =	por !p2, p0  }
0x20: {  	[sflag:s8] =	ssyncset.s32 @!p0 $0xFFFFF086;
	s6 =	sadd.s32 @!p0 s3, s7;
	s7 =	simm.s32 @!p0 $0x108  }
0x21: {  	s3 =	sadd.s32 s3, s9;
	s6 =	sadd.s32 @!p0 $0x88, s6;
	s7 =	simm.s32 @p2 $0x1082  }
0x22: {  	[simem:s7], [sflag:s8] =	dma.local @!p0 [hbm:s6], $0xF7A  }
0x23: {  	s9 =	sor.u32 $0xD0000000, s2;
	s6 =	simm.s32 $0x108;
	_ =	swait.ge @!p0 [sflag:s8], $0x0  }
0x24: {  	s3 =	sadd.s32 $0x88, s3;
	s6 =	simm.s32 @!p1 $0x1082;
	[sflag:s4] =	ssyncset.s32 $0xFFFFF086  }
0x25: {  	[simem:s6], [sflag:s4] =	dma.local [hbm:s3], $0xF7A  }
0x26: {  	[smem:$0x3F8E] =	sst s1;
	(tag) =	ssettag s2;
	_ =	strace s9  }
0x27: {  	s1 =	sld [smem:$0x3F9E]  }
0x28: {  	s2 =	sld [smem:$0x3F9F]  }
0x29: {  	s4 =	sld [smem:$0x3FA1]  }
0x2a: {  	p0 =	seq.s32 s5, $0x0;
	s5 =	sld [smem:$0x3FA2]  }
0x2b: {  	s6 =	sld [smem:$0x3FA3]  }
0x2c: {  	s7 =	sld [smem:$0x3FA4]  }
0x2d: {  	s3 =	simm.s32 $0x108;
	s8 =	sld [smem:$0x3FA5]  }
0x2e: {  	s3 =	simm.s32 @!p0 $0x1082;
	s9 =	sld [smem:$0x3FA6]  }
0x2f: {  	lr =	sadd.s32 s0, s3;
	s0 =	sld [smem:$0x3F9D]  }
0x30: {  	s3 =	sld [smem:$0x3FA0]  }
0x31: {  	[smem:$0x3FA9] =	sst s10  }
0x32: {  	s10 =	sld [smem:$0x3FA7];
	_ =	sdelay $0x3  }
0x33: {  	p0 =	seq.s32 s10, $0x1;
	s10 =	sld [smem:$0x3FA9];
	_ =	sdelay $0x3  }
0x34: {  	[smem:$0x3FA9] =	sst s10  }
0x35: {  	s10 =	sld [smem:$0x3FA8];
	_ =	sdelay $0x3  }
0x36: {  	p1 =	seq.s32 s10, $0x1;
	s10 =	sld [smem:$0x3FA9];
	_ =	sdelay $0x3  }
0x37: {  	[smem:$0x3FA9] =	sst s10  }
0x38: {  	s10 =	sld [smem:$0x3FAA]  }
0x39: {  	_ = 	snop;
	(pc) =	sbr.ind lr, $3  }
0x3a: {  	_ = 	snop  }
0x3b: {  	_ = 	snop  }
0x3c: {  	p2 =	seq.s32 s10, $0x1;
	s10 =	sld [smem:$0x3FA9]  }
0x3d: {  	_ =	shalt  }
0x3e: {  	_ =	shalt  }
0x3f: {  	_ =	shalt  }
0x40: {  	_ =	shalt  }
0x41: {  	_ =	shalt  }
0x42: {  	_ =	shalt  }
0x43: {  	_ =	shalt  }
0x44: {  	_ =	shalt  }
0x45: {  	_ =	shalt  }
0x46: {  	_ =	shalt  }
0x47: {  	_ =	shalt  }
0x48: {  	_ =	shalt  }
0x49: {  	_ =	shalt  }
0x4a: {  	_ =	shalt  }
0x4b: {  	_ =	shalt  }
0x4c: {  	_ =	shalt  }
0x4d: {  	_ =	shalt  }
0x4e: {  	_ =	shalt  }
0x4f: {  	_ =	shalt  }
0x50: {  	_ =	shalt  }
0x51: {  	_ =	shalt  }
0x52: {  	_ =	shalt  }
0x53: {  	_ =	shalt  }
0x54: {  	_ =	shalt  }
0x55: {  	_ =	shalt  }
0x56: {  	_ =	shalt  }
0x57: {  	_ =	shalt  }
0x58: {  	_ =	shalt  }
0x59: {  	_ =	shalt  }
0x5a: {  	_ =	shalt  }
0x5b: {  	_ =	shalt  }
0x5c: {  	_ =	shalt  }
0x5d: {  	_ =	shalt  }
0x5e: {  	_ =	shalt  }
0x5f: {  	_ =	shalt  }
0x60: {  	_ =	shalt  }
0x61: {  	_ =	shalt  }
0x62: {  	_ =	shalt  }
0x63: {  	_ =	shalt  }
0x64: {  	_ =	shalt  }
0x65: {  	_ =	shalt  }
0x66: {  	_ =	shalt  }
0x67: {  	_ =	shalt  }
0x68: {  	_ =	shalt  }
0x69: {  	_ =	shalt  }
0x6a: {  	_ =	shalt  }
0x6b: {  	_ =	shalt  }
0x6c: {  	_ =	shalt  }
0x6d: {  	_ =	shalt  }
0x6e: {  	_ =	shalt  }
0x6f: {  	_ =	shalt  }
0x70: {  	_ =	shalt  }
0x71: {  	_ =	shalt  }
0x72: {  	_ =	shalt  }
0x73: {  	_ =	shalt  }
0x74: {  	_ =	shalt  }
0x75: {  	_ =	shalt  }
0x76: {  	_ =	shalt  }
0x77: {  	_ =	shalt  }
0x78: {  	_ =	shalt  }
0x79: {  	_ =	shalt  }
0x7a: {  	_ =	shalt  }
0x7b: {  	_ =	shalt  }
0x7c: {  	_ =	shalt  }
0x7d: {  	_ =	shalt  }
0x7e: {  	_ =	shalt  }
0x7f: {  	_ =	shalt  }
0x80: {  	_ =	shalt  }
0x81: {  	_ =	shalt  }
0x82: {  	_ =	shalt  }
0x83: {  	_ =	shalt  }
0x84: {  	_ =	shalt  }
0x85: {  	_ =	shalt  }
0x86: {  	_ =	shalt  }
0x87: {  	_ =	shalt  }
.Lfunc_end0:
.L_simem_size_0:
called_computation.1_lowered:
.L_overlay_start_0:
0x88: {  	s2 =	sld [smem:$0x3FD9]  }
0x89: {  	s3 =	sld [smem:$0x3FFE];
	_ =	sdelay $0x1  }
0x8a: {  	s1 =	srdreg.scid  }
0x8b: {  	s0 =	sand.u32 $0x1, s1  }
0x8c: {  	s16 =	sshll.u32 s0, $0xA;
	s2 =	sadd.s32 s3, s2  }
0x8d: {  	s2 =	sadd.s32 s2, s16  }
0x8e: {  	[smem:$0x3FB5] =	sst s2  }
0x8f: {  	_ = 	snop  }
0x90: {  	(tm) =	ssettm $0x1  }
0x91: {  	s17 =	sld [smem:$0x3FFB];
	_ =	sdelay $0x3  }
0x92: {  	_ =	strace s17  }
0x93: {  	s2 =	sld [smem:$0x3FFC];
	_ =	sdelay $0x3  }
0x94: {  	_ =	strace s2  }
0x95: {  	s2 =	sld [smem:$0x3FFD];
	_ =	sdelay $0x3  }
0x96: {  	_ =	strace s2  }
0x97: {  	_ =	strace $0x8FFFFFFF  }
0x98: {  	s18 =	sld [smem:$0x3FDB];
	_ =	sdelay $0x1  }
0x99: {  	s19 =	simm.s32 $_scs_section_size  }
0x9a: {  	s4 =	simm.s32 $_size__tile_overlayer_lowered;
	s5 =	simm.s32 $_tile_overlayer_lowered  }
0x9b: {  	s22 =	simm.s32 $0x1BFF;
	s21 =	sshll.u32 s5, $0x1;
	s2 =	sadd.s32 s19, s18  }
0x9c: {  	s6 =	simm.s32 $0x0;
	s20 =	sshll.u32 s4, $0x1;
	s4 =	sadd.s32 s21, s2  }
0x9d: {  	[timem:s6], [sflag:s22] =	dma.local [hbm:s4], s20  }
0x9e: {  	_ =	swait.ge [sflag:s22], s20  }
0x9f: {  	s3 =	ssub.s32 $0x0, s20;
	[sflag:s22] =	ssyncset.done $0x0  }
0xa0: {  	[sflag:s22] =	ssyncadd.s32 s3;
	_ =	sdelay $0x1  }
0xa1: {  	s23 =	simm.s32 $0x1B8B  }
0xa2: {  	_ =	swait.ge [sflag:s23], $0x1  }
0xa3: {  	[sflag:s23] =	ssyncset.done $0x0  }
0xa4: {  	s25 =	simm.s32 $0x1B8E;
	s24 =	sld [smem:$0x3FFE];
	[sflag:s23] =	ssyncadd.s32 $0xFFFFFFFF  }
0xa5: {  	s26 =	simm.s32 $execute0_lowered;
	[smem:$0x3FD2] =	sst s25  }
0xa6: {  	s4 =	sshll.u32 s26, $0x1;
	_ =	strace $0x80000049;
	[dreg:$0x1] =	wrdreg $0xFFFFFFFF  }
0xa7: {  	s28 =	simm.s32 $_size_execute0_lowered;
	s2 =	sadd.s32 s2, s4;
	[dreg:$0x0] =	wrdreg $0x0  }
0xa8: {  	s4 =	sshll.u32 s28, $0x1;
	[dreg:$0x2] =	wrdreg s2  }
0xa9: {  	[dreg:$0x3] =	wrdreg s4  }
0xaa: {  	[dreg:$0x4] =	wrdreg $0xC0  }
0xab: {  	_ =	task [dreg:s6], $0x5FFFF  }
0xac: {  	[dreg:$0x1] =	wrdreg $0xFFFFFFFF  }
0xad: {  	[dreg:$0x0] =	wrdreg $0x60  }
0xae: {  	[dreg:$0x2] =	wrdreg s24  }
0xaf: {  	[dreg:$0x3] =	wrdreg $0x6F200  }
0xb0: {  	[dreg:$0x4] =	wrdreg $0x9  }
0xb1: {  	_ =	task.clear_ibuf [dreg:s6], $0x5FFFF;
	_ =	strace $0x90000049  }
0xb2: {  	s29 =	simm.s32 $0x9;
	_ =	strace $0x8000004B  }
0xb3: {  	_ =	swait.ge [sflag:s29], $0x1  }
0xb4: {  	[sflag:s29] =	ssyncadd.s32 $0xFFFFFFFF  }
0xb5: {  	_ =	strace $0x9000004B  }
0xb6: {  	_ =	sfence  }
0xb7: {  	s30 =	sld [smem:$0x0];
	_ =	sdelay $0x2  }
0xb8: {  	s31 =	sshll.u32 s1, $0xD;
	s1 =	sshrl.u32 s1, $0x2  }
0xb9: {  	s3 =	sand.u32 $0x4000, s31;
	s1 =	sadd.s32 s1, s30  }
0xba: {  	s0 =	sor.u32 s3, s0;
	s1 =	sshll.u32 s1, $0x11  }
0xbb: {  	s0 =	sor.u32 s1, s0  }
0xbc: {  	s0 =	sadd.s32 $0x8F2B, s0  }
0xbd: {  	[sflag:s0] =	ssyncadd.remote.s32 $0x1  }
0xbe: {  	_ =	sfence.sel $0xFFFF  }
0xbf: {  	[dreg:$0x0] =	wrdreg $0xFFFFFFFF;
	(pc) =	sbr.abs _section_cstart, $3  }
0xc0: {  	[dreg:$0x1] =	wrdreg $0xFFFFFFFF  }
0xc1: {  	_ =	task.clear_ibuf [dreg:s6], $0x2FFFF;
	_ =	strace $0x9FFFFFFF  }
0xc2: {  	(tm) =	ssettm $0x7FFFFFFF  }
0xc3: {  	_ =	shalt  }
tec
execute0_lowered:
.L_overlay_start_1:
0x0: {  	(tag) =	ssettag $0x1  }
0x1: {  	s0 =	rddreg [dreg:$0x0]  }
0x2: {  	s2 =	rddreg [dreg:$0x1]  }
0x3: {  	s1 =	srdreg.scid;
	s7 =	stileid.u32  }
0x4: {  	s4 =	simm.s32 $0x0;
	s14 =	simm.s32 $0xB;
	s15 =	simm.s32 $0x2710  }
0x5: {  	s16 =	simm.s32 $0x6720;
	s17 =	simm.s32 $0x50;
	s18 =	simm.s32 $0x4E20  }
0x6: {  	s19 =	simm.s32 $0x5320;
	s28 =	simm.s32 $0x2;
	s30 =	simm.s32 $0x6  }
0x7: {  	s20 =	simm.s32 $0x7;
	s31 =	simm.s32 $0x8;
	s29 =	simm.s32 $0xA  }
0x8: {  	s1 =	sand.u32 $0x1, s1;
	s5 =	smul.u32 $0x5000, s7;
	[smem:$0x7FF] =	sst s4  }
0x9: {  	s4 =	sadd.s32 $0x16A00, s0;
	s3 =	sshll.u32 s1, $0x4;
	s6 =	smul.u32 $0x50000, s1  }
0xa: {  	s1 =	ssub.s32 $0x2, s1;
	s3 =	sor.u32 s7, s3;
	s7 =	smul.u32 $0xA000, s7  }
0xb: {  	_ =	strace $0x8000004A;
	s8 =	sshrl.u32 s1, $0x1;
	s3 =	smul.u32 $0x4E2, s3  }
0xc: {  	s6 =	sadd.s32 s5, s6;
	s1 =	ssub.s32 s1, s8;
	s5 =	sshrl.u32 s5, $0x1  }
0xd: {  	s6 =	sshrl.u32 s6, $0x4;
	s21 =	sshrl.u32 s7, $0x2;
	s3 =	sadd.s32 s3, s0  }
0xe: {  	s7 =	sadd.s32 s5, s2;
	s0 =	sadd.s32 s6, s0;
	s22 =	sadd.s32 $0xCC00, s3  }
0xf: {  	s6 =	sadd.s32 s21, s2;
	s3 =	sadd.s32 $0x2E00, s3;
	[dreg:$0x3] =	wrdreg s22  }
0x10: {  	s13 =	smax.u32 s1, $0x1;
	s23 =	sadd.s32 $0x800, s6;
	[dreg:$0x4] =	wrdreg s3  }
0x11: {  	s1 =	simm.s32 $0x9;
	s24 =	sadd.s32 $0x1000, s6;
	[dreg:$0x5] =	wrdreg s23  }
.Ltmp0:
0x12: {  	s25 =	sadd.s32 $0x1800, s6;
	[dreg:$0x6] =	wrdreg s24;
	(pc) =	sbr.rel .LBB2_1-.Ltmp0, $4  }
0x13: {  	s21 =	simm.s32 $0x5820;
	s26 =	sadd.s32 $0x2000, s6;
	[dreg:$0x7] =	wrdreg s25  }
0x14: {  	s12 =	sadd.s32 $0x1BA00, s0;
	s0 =	simm.s32 $0x3;
	[dreg:$0x8] =	wrdreg s26  }
0x15: {  	s23 =	simm.s32 $0x5D20;
	s25 =	simm.s32 $0x6220;
	s26 =	simm.s32 $0x1  }
0x16: {  	v0 =	vimm.bf16 $0.0e+00;
	s24 =	simm.s32 $0x4;
	s22 =	simm.s32 $0x5;
	s3 =	simm.s32 $0x0  }
.LBB2_6:
0x17: {  	_ =	swait.ge [sflag:s22], $0x500  }
0x18: {  	[sflag:s22] =	ssyncset.done $0x0  }
0x19: {  	[sflag:s22] =	ssyncadd.s32 $0xFFFFFB00  }
0x1a: {  	[spmem:s2] =	stream.indirect.scatter.add.bf16 [tilespmem:s25], [sflag:$0xA], $0x10, s8, s17, $0xb8;
	[tilespmem:$0x9720] =	vst v63  }
0x1b: {  	_ =	swait.ge [sflag:s1], $0x500  }
0x1c: {  	[sflag:s1] =	ssyncset.done $0x0  }
0x1d: {  	[sflag:s1] =	ssyncadd.s32 $0xFFFFFB00  }
0x1e: {  	s5 =	stileid.u32;
	_ =	swait.ge [sflag:s29], $0x500  }
0x1f: {  	s6 =	sshrl.u32 s7, $0x3;
	s3 =	sadd.s32 $0x1, s3;
	[sflag:s29] =	ssyncset.done $0x0  }
0x20: {  	s5 =	sshll.u32 s5, $0x6;
	p0 =	sne.s32 s3, s13;
	[sflag:s29] =	ssyncadd.s32 $0xFFFFFB00  }
.Ltmp1:
0x21: {  	s5 =	sor.u32 $0x1C0B, s5;
	[bflag:$0x0] =	sbarrier.arrive $0xFFFF;
	(pc) =	sbr.rel @!p0 .LBB2_7-.Ltmp1, $4  }
0x22: {  	[hbm:s12], [sflag:s5] =	dma.local [spmem:s6], $0x500  }
0x23: {  	_ =	swait.ge [sflag:s14], $0x500  }
0x24: {  	[sflag:s14] =	ssyncset.done $0x0  }
0x25: {  	[sflag:s14] =	ssyncadd.s32 $0xFFFFFB00  }
.LBB2_1:
0x26: {  	s5 =	simm.s32 $0x0;
	s6 =	rddreg [dreg:$0x3]  }
0x27: {  	[tilespmem:s5], [sflag:$0xB] =	stream.linear.gather [hbm4b:s6+s5], $0x2710, $0x38;
	[tilespmem:$0x9720] =	vst v63  }
0x28: {  	_ =	swait.ge [sflag:s14], $0x2710  }
0x29: {  	[sflag:s14] =	ssyncset.done $0x0  }
0x2a: {  	s11 =	rddreg [dreg:$0x4];
	[sflag:s14] =	ssyncadd.s32 $0xFFFFD8F0  }
0x2b: {  	[tilespmem:s15], [sflag:$0xB] =	stream.linear.gather [hbm4b:s11+s5], $0x2710, $0x38;
	[tilespmem:$0x9720] =	vst v63  }
0x2c: {  	_ =	swait.ge [sflag:s14], $0x2710  }
0x2d: {  	[sflag:s14] =	ssyncset.done $0x0  }
0x2e: {  	s6 =	simm.s32 $0x0;
	s5 =	simm.s32 $0x40;
	[sflag:s14] =	ssyncadd.s32 $0xFFFFD8F0  }
.LBB2_2:
0x2f: {  	p0 =	sne.s32 s5, $0x1FC0;
	[tilespmem:s6+$0x6720] =	vst v0;
	s6 =	smov.u32 s5;
	s5 =	sadd.s32 $0x40, s5  }
.Ltmp2:
0x30: {  	(pc) =	sbr.rel @p0 .LBB2_2-.Ltmp2, $2  }
0x31: {  	_ =	sdelay $0x2  }
0x32: {  	s6 =	sshra.s32 s6, $0x2  }
0x33: {  	[tilespmem:s6+$0x6720] =	vst v0  }
0x34: {  	[spmem:s7] =	stream.linear.scatter [tilespmem:s16], [sflag:$0xB], $0x800, $0x38;
	[tilespmem:$0x9720] =	vst v63  }
0x35: {  	_ =	swait.ge [sflag:s14], $0x800  }
0x36: {  	[sflag:s14] =	ssyncset.done $0x0  }
0x37: {  	s5 =	rddreg [dreg:$0x5];
	[sflag:s14] =	ssyncadd.s32 $0xFFFFF800  }
0x38: {  	[spmem:s5] =	stream.linear.scatter [tilespmem:s16], [sflag:$0xB], $0x800, $0x38;
	[tilespmem:$0x9720] =	vst v63  }
0x39: {  	_ =	swait.ge [sflag:s14], $0x800  }
0x3a: {  	[sflag:s14] =	ssyncset.done $0x0  }
0x3b: {  	s11 =	rddreg [dreg:$0x6];
	[sflag:s14] =	ssyncadd.s32 $0xFFFFF800  }
0x3c: {  	[spmem:s11] =	stream.linear.scatter [tilespmem:s16], [sflag:$0xB], $0x800, $0x38;
	[tilespmem:$0x9720] =	vst v63  }
0x3d: {  	_ =	swait.ge [sflag:s14], $0x800  }
0x3e: {  	[sflag:s14] =	ssyncset.done $0x0  }
0x3f: {  	s6 =	rddreg [dreg:$0x7];
	[sflag:s14] =	ssyncadd.s32 $0xFFFFF800  }
0x40: {  	[spmem:s6] =	stream.linear.scatter [tilespmem:s16], [sflag:$0xB], $0x800, $0x38;
	[tilespmem:$0x9720] =	vst v63  }
0x41: {  	_ =	swait.ge [sflag:s14], $0x800  }
0x42: {  	[sflag:s14] =	ssyncset.done $0x0  }
0x43: {  	s8 =	rddreg [dreg:$0x8];
	[sflag:s14] =	ssyncadd.s32 $0xFFFFF800  }
0x44: {  	[spmem:s8] =	stream.linear.scatter [tilespmem:s16], [sflag:$0xB], $0x800, $0x38;
	[tilespmem:$0x9720] =	vst v63  }
0x45: {  	_ =	swait.ge [sflag:s14], $0x800  }
0x46: {  	[sflag:s14] =	ssyncset.done $0x0  }
0x47: {  	[sflag:s14] =	ssyncadd.s32 $0xFFFFF800  }
0x48: {  	s5 =	simm.s32 $0x0;
	[bflag:$0x0] =	sbarrier.arrive $0xFFFF  }
0x49: {  	[tilespmem:s18], [sflag:$0x1] =	stream.indirect.gather [hbm4b:s4+s17], $0x10, s5, s17, $0xb8;
	[tilespmem:$0x9720] =	vst v63  }
0x4a: {  	_ = 	snop  }
0x4b: {  	[tilespmem:s19], [sflag:$0x2] =	stream.indirect.gather [hbm4b:s4+s17], $0x10, s17, s17, $0xb8;
	[tilespmem:$0x9720] =	vst v63  }
0x4c: {  	s9 =	simm.s32 $0xA0  }
0x4d: {  	[tilespmem:s21], [sflag:$0x3] =	stream.indirect.gather [hbm4b:s4+s17], $0x10, s9, s17, $0xb8;
	[tilespmem:$0x9720] =	vst v63  }
0x4e: {  	s10 =	simm.s32 $0xF0  }
0x4f: {  	[tilespmem:s23], [sflag:$0x4] =	stream.indirect.gather [hbm4b:s4+s17], $0x10, s10, s17, $0xb8;
	[tilespmem:$0x9720] =	vst v63  }
0x50: {  	s11 =	simm.s32 $0x140  }
0x51: {  	[tilespmem:s25], [sflag:$0x5] =	stream.indirect.gather [hbm4b:s4+s17], $0x10, s11, s17, $0xb8;
	[tilespmem:$0x9720] =	vst v63  }
0x52: {  	_ =	swait.ge [sflag:s26], $0x500  }
0x53: {  	[sflag:s26] =	ssyncset.done $0x0  }
0x54: {  	[sflag:s26] =	ssyncadd.s32 $0xFFFFFB00  }
0x55: {  	[spmem:s2] =	stream.indirect.scatter.add.bf16 [tilespmem:s18], [sflag:$0x6], $0x10, s15, s17, $0xb8;
	[tilespmem:$0x9720] =	vst v63  }
0x56: {  	_ =	swait.ge [sflag:s28], $0x500  }
0x57: {  	[sflag:s28] =	ssyncset.done $0x0  }
0x58: {  	s8 =	simm.s32 $0x2760;
	[sflag:s28] =	ssyncadd.s32 $0xFFFFFB00  }
0x59: {  	[spmem:s2] =	stream.indirect.scatter.add.bf16 [tilespmem:s19], [sflag:$0x7], $0x10, s8, s17, $0xb8;
	[tilespmem:$0x9720] =	vst v63  }
0x5a: {  	_ =	swait.ge [sflag:s30], $0x500  }
0x5b: {  	[sflag:s30] =	ssyncset.done $0x0  }
0x5c: {  	s9 =	simm.s32 $0x190;
	[sflag:s30] =	ssyncadd.s32 $0xFFFFFB00  }
0x5d: {  	[tilespmem:s18], [sflag:$0x1] =	stream.indirect.gather [hbm4b:s4+s17], $0x10, s9, s17, $0xb8;
	[tilespmem:$0x9720] =	vst v63  }
0x5e: {  	_ =	swait.ge [sflag:s0], $0x500  }
0x5f: {  	[sflag:s0] =	ssyncset.done $0x0  }
0x60: {  	s10 =	simm.s32 $0x27B0;
	[sflag:s0] =	ssyncadd.s32 $0xFFFFFB00  }
0x61: {  	[spmem:s2] =	stream.indirect.scatter.add.bf16 [tilespmem:s21], [sflag:$0x8], $0x10, s10, s17, $0xb8;
	[tilespmem:$0x9720] =	vst v63  }
0x62: {  	_ =	swait.ge [sflag:s20], $0x500  }
0x63: {  	[sflag:s20] =	ssyncset.done $0x0  }
0x64: {  	s11 =	simm.s32 $0x1E0;
	[sflag:s20] =	ssyncadd.s32 $0xFFFFFB00  }
0x65: {  	[tilespmem:s19], [sflag:$0x2] =	stream.indirect.gather [hbm4b:s4+s17], $0x10, s11, s17, $0xb8;
	[tilespmem:$0x9720] =	vst v63  }
0x66: {  	_ =	swait.ge [sflag:s24], $0x500  }
0x67: {  	[sflag:s24] =	ssyncset.done $0x0  }
0x68: {  	s8 =	simm.s32 $0x2800;
	[sflag:s24] =	ssyncadd.s32 $0xFFFFFB00  }
0x69: {  	[spmem:s2] =	stream.indirect.scatter.add.bf16 [tilespmem:s23], [sflag:$0x9], $0x10, s8, s17, $0xb8;
	[tilespmem:$0x9720] =	vst v63  }
0x6a: {  	_ =	swait.ge [sflag:s31], $0x500  }
0x6b: {  	[sflag:s31] =	ssyncset.done $0x0  }
0x6c: {  	s9 =	simm.s32 $0x230;
	[sflag:s31] =	ssyncadd.s32 $0xFFFFFB00  }
0x6d: {  	[tilespmem:s21], [sflag:$0x3] =	stream.indirect.gather [hbm4b:s4+s17], $0x10, s9, s17, $0xb8;
	[tilespmem:$0x9720] =	vst v63  }
0x6e: {  	_ =	swait.ge [sflag:s22], $0x500  }
0x6f: {  	[sflag:s22] =	ssyncset.done $0x0  }
0x70: {  	s10 =	simm.s32 $0x2850;
	[sflag:s22] =	ssyncadd.s32 $0xFFFFFB00  }
0x71: {  	[spmem:s2] =	stream.indirect.scatter.add.bf16 [tilespmem:s25], [sflag:$0xA], $0x10, s10, s17, $0xb8;
	[tilespmem:$0x9720] =	vst v63  }
0x72: {  	_ =	swait.ge [sflag:s1], $0x500  }
0x73: {  	[sflag:s1] =	ssyncset.done $0x0  }
0x74: {  	s11 =	simm.s32 $0x280;
	[sflag:s1] =	ssyncadd.s32 $0xFFFFFB00  }
0x75: {  	[tilespmem:s23], [sflag:$0x4] =	stream.indirect.gather [hbm4b:s4+s17], $0x10, s11, s17, $0xb8;
	[tilespmem:$0x9720] =	vst v63  }
.LBB2_4:
0x76: {  	_ =	swait.ge [sflag:s26], $0x500  }
0x77: {  	s6 =	sshra.s32 s5, $0x2;
	[sflag:s26] =	ssyncset.done $0x0  }
0x78: {  	s8 =	sadd.s32 $0x28A0, s6;
	[sflag:s26] =	ssyncadd.s32 $0xFFFFFB00  }
0x79: {  	[spmem:s2] =	stream.indirect.scatter.add.bf16 [tilespmem:s18], [sflag:$0x6], $0x10, s8, s17, $0xb8;
	[tilespmem:$0x9720] =	vst v63  }
0x7a: {  	_ =	swait.ge [sflag:s29], $0x500  }
0x7b: {  	[sflag:s29] =	ssyncset.done $0x0  }
0x7c: {  	s9 =	sadd.s32 $0x2D0, s6;
	[sflag:s29] =	ssyncadd.s32 $0xFFFFFB00  }
0x7d: {  	[tilespmem:s25], [sflag:$0x5] =	stream.indirect.gather [hbm4b:s4+s17], $0x10, s9, s17, $0xb8;
	[tilespmem:$0x9720] =	vst v63  }
0x7e: {  	_ =	swait.ge [sflag:s28], $0x500  }
0x7f: {  	[sflag:s28] =	ssyncset.done $0x0  }
0x80: {  	s10 =	sadd.s32 $0x28F0, s6;
	[sflag:s28] =	ssyncadd.s32 $0xFFFFFB00  }
0x81: {  	[spmem:s2] =	stream.indirect.scatter.add.bf16 [tilespmem:s19], [sflag:$0x7], $0x10, s10, s17, $0xb8;
	[tilespmem:$0x9720] =	vst v63  }
0x82: {  	_ =	swait.ge [sflag:s30], $0x500  }
0x83: {  	p0 =	seq.s32 s5, $0x8FC0;
	[sflag:s30] =	ssyncset.done $0x0  }
0x84: {  	s8 =	simm.s32 @p0 $0x3;
	[sflag:s30] =	ssyncadd.s32 $0xFFFFFB00  }
0x85: {  	_ =	swait.ge @p0 [sflag:s8], $0x500  }
0x86: {  	[sflag:s8] =	ssyncset.done @p0 $0x0  }
0x87: {  	[sflag:s8] =	ssyncadd.s32 @p0 $0xFFFFFB00;
	s8 =	sshra.s32 @p0 s5, $0x2  }
0x88: {  	s9 =	simm.s32 @p0 $0x50;
	s10 =	simm.s32 @p0 $0x5820;
	s8 =	sadd.s32 @p0 $0x2940, s8  }
0x89: {  	[spmem:s2] =	stream.indirect.scatter.add.bf16 @p0 [tilespmem:s10], [sflag:$0x8], $0x10, s8, s9, $0xb8;
	[tilespmem:$0x9720] =	vst v63  }
0x8a: {  	s8 =	simm.s32 @p0 $0x7  }
0x8b: {  	_ =	swait.ge @p0 [sflag:s8], $0x500  }
0x8c: {  	[sflag:s8] =	ssyncset.done @p0 $0x0  }
0x8d: {  	[sflag:s8] =	ssyncadd.s32 @p0 $0xFFFFFB00;
	s8 =	sshra.s32 @!p0 s5, $0x2  }
0x8e: {  	s11 =	simm.s32 @!p0 $0x4E20;
	s10 =	simm.s32 @!p0 $0x50;
	s9 =	sadd.s32 @!p0 $0x320, s8  }
0x8f: {  	[tilespmem:s11], [sflag:$0x1] =	stream.indirect.gather @!p0 [hbm4b:s4+s10], $0x10, s9, s10, $0xb8;
	[tilespmem:$0x9720] =	vst v63  }
0x90: {  	s9 =	simm.s32 @!p0 $0x3  }
0x91: {  	_ =	swait.ge @!p0 [sflag:s9], $0x500  }
0x92: {  	[sflag:s9] =	ssyncset.done @!p0 $0x0  }
0x93: {  	s11 =	simm.s32 @!p0 $0x5820;
	[sflag:s9] =	ssyncadd.s32 @!p0 $0xFFFFFB00;
	s9 =	sadd.s32 @!p0 $0x2940, s8  }
0x94: {  	[spmem:s2] =	stream.indirect.scatter.add.bf16 @!p0 [tilespmem:s11], [sflag:$0x8], $0x10, s9, s10, $0xb8;
	[tilespmem:$0x9720] =	vst v63  }
0x95: {  	s9 =	simm.s32 @!p0 $0x7  }
0x96: {  	_ =	swait.ge @!p0 [sflag:s9], $0x500  }
0x97: {  	[sflag:s9] =	ssyncset.done @!p0 $0x0  }
0x98: {  	s8 =	sadd.s32 @!p0 $0x370, s8;
	[sflag:s9] =	ssyncadd.s32 @!p0 $0xFFFFFB00;
	s9 =	simm.s32 @!p0 $0x5320  }
0x99: {  	[tilespmem:s9], [sflag:$0x2] =	stream.indirect.gather @!p0 [hbm4b:s4+s10], $0x10, s8, s10, $0xb8;
	[tilespmem:$0x9720] =	vst v63  }
0x9a: {  	_ =	swait.ge [sflag:s24], $0x500  }
0x9b: {  	[sflag:s24] =	ssyncset.done $0x0  }
.Ltmp3:
0x9c: {  	s11 =	sadd.s32 $0x2990, s6;
	[sflag:s24] =	ssyncadd.s32 $0xFFFFFB00;
	(pc) =	sbr.rel @p0 .LBB2_6-.Ltmp3, $4  }
0x9d: {  	[spmem:s2] =	stream.indirect.scatter.add.bf16 [tilespmem:s23], [sflag:$0x9], $0x10, s11, s17, $0xb8;
	[tilespmem:$0x9720] =	vst v63  }
0x9e: {  	_ =	swait.ge [sflag:s31], $0x500  }
0x9f: {  	[sflag:s31] =	ssyncset.done $0x0  }
0xa0: {  	s8 =	sadd.s32 $0x29E0, s6;
	[sflag:s31] =	ssyncadd.s32 $0xFFFFFB00  }
0xa1: {  	s9 =	sadd.s32 $0x3C0, s6  }
0xa2: {  	[tilespmem:s21], [sflag:$0x3] =	stream.indirect.gather [hbm4b:s4+s17], $0x10, s9, s17, $0xb8;
	[tilespmem:$0x9720] =	vst v63  }
0xa3: {  	_ =	swait.ge [sflag:s22], $0x500  }
0xa4: {  	[sflag:s22] =	ssyncset.done $0x0  }
0xa5: {  	[sflag:s22] =	ssyncadd.s32 $0xFFFFFB00  }
0xa6: {  	[spmem:s2] =	stream.indirect.scatter.add.bf16 [tilespmem:s25], [sflag:$0xA], $0x10, s8, s17, $0xb8;
	[tilespmem:$0x9720] =	vst v63  }
.Ltmp4:
0xa7: {  	_ = 	snop;
	(pc) =	sbr.rel .LBB2_4-.Ltmp4, $4  }
0xa8: {  	_ =	swait.ge [sflag:s1], $0x500  }
0xa9: {  	[sflag:s1] =	ssyncset.done $0x0  }
0xaa: {  	s11 =	sadd.s32 $0x410, s6;
	s5 =	sadd.s32 $0x640, s5;
	[sflag:s1] =	ssyncadd.s32 $0xFFFFFB00  }
0xab: {  	[tilespmem:s23], [sflag:$0x4] =	stream.indirect.gather [hbm4b:s4+s17], $0x10, s11, s17, $0xb8;
	[tilespmem:$0x9720] =	vst v63  }
.LBB2_7:
0xac: {  	_ =	sfence.sel $0x180000  }
0xad: {  	[bflag:$0x0] =	sbarrier.arrive $0xFFFF  }
0xae: {  	_ =	strace $0x9000004A  }
0xaf: {  	s0 =	stileid.u32;
	[bflag:$0x2] =	sbarrier.arrive $0xFFFF  }
0xb0: {  	p0 =	sne.s32 s0, $0x0;
	s0 =	rddreg [dreg:$0x2]  }
0xb1: {  	s0 =	sadd.s32 @!p0 $0x100000, s0  }
0xb2: {  	[sflag:s0] =	ssyncadd.tile.s32 @!p0 $0x1;
	_ =	shalt  }
.Lfunc_end2:
_tile_overlayer_lowered:
.L_overlay_start_2:
0xb3: {  	(tag) =	ssettag $0x2  }
0xb4: {  	s0 =	rddreg [dreg:$0x0];
	s2 =	stileid.u32  }
0xb5: {  	s1 =	rddreg [dreg:$0x1];
	p0 =	sne.s32 s2, $0x0  }
0xb6: {  	s3 =	rddreg [dreg:$0x2];
	[bflag:$0x3] =	sbarrier.arrive $0xFFFF;
	s2 =	simm.s32 @!p0 $0x1C0B  }
0xb7: {  	[timem:s3], [sflag:s2] =	dma.local @!p0 [hbm:s0], s1  }
0xb8: {  	s0 =	simm.s32 @!p0 $0xB  }
0xb9: {  	_ =	swait.ge @!p0 [sflag:s0], s1  }
0xba: {  	s1 =	ssub.s32 @!p0 $0x0, s1;
	[sflag:s0] =	ssyncset.done @!p0 $0x0  }
0xbb: {  	[sflag:s0] =	ssyncadd.s32 @!p0 s1  }
0xbc: {  	[bflag:$0x3] =	sbarrier.arrive $0xFFFF  }
0xbd: {  	_ =	shalt  }

</sc_bundles>
